<compile_context>
chip_gen: v7x
topology: tpu7x:2x2x1
jax: 0.10.2.dev20260603
libtpu: 0.0.44.dev20260713+nightly
codegen_flags: <defaults>
</compile_context>

<pallas_src>
import functools

import jax
import jax.numpy as jnp
import numpy as np
from jax import lax
from jax.experimental import pallas as pl
from jax.experimental.pallas import tpu as pltpu
from jax.experimental.pallas import tpu_sc as plsc

_RATIO = 0.25
_R = 0.15
_R2 = np.float32(np.float64(_R) * np.float64(_R))
_CURV_SCALAR = 10.0
_MAX_N = 64
_NB = 4
_N = 16384
_M = _N // _NB
_NS = 1024
_NC = _NB * _NS
_INTERPRET = False



def _ts(a, b):
    s = a + b
    bb = s - a
    return s, (a - (s - bb)) + (b - bb)


def _sp(a):
    c = a * 4097.0
    hi = c - (c - a)
    return hi, a - hi


def _tp(a, b):
    p = a * b
    ah, al = _sp(a)
    bh, bl = _sp(b)
    return p, ((ah * bh - p) + ah * bl + al * bh) + al * bl


def _dda(xh, xl, yh, yl):
    s, e = _ts(xh, yh)
    e = e + (xl + yl)
    hi = s + e
    return hi, e - (hi - s)


def _ddm(xh, xl, yh, yl):
    p, e = _tp(xh, yh)
    e = e + (xh * yl + xl * yh)
    hi = p + e
    return hi, e - (hi - p)



def _fps_body(px_ref, py_ref, pz_ref, cv_ref, bt_ref,
              sel_ref, posc_ref, curvc_ref, batc_ref, n_s):
    px = px_ref[...]
    py = py_ref[...]
    pz = pz_ref[...]
    cv = cv_ref[...]
    idx2 = jax.lax.broadcasted_iota(jnp.int32, px.shape, 1) * 128 + \
        jax.lax.broadcasted_iota(jnp.int32, px.shape, 2)
    th, tl = _tp(jnp.float32(_CURV_SCALAR), cv)
    wh, wl = _dda(jnp.float32(1.0), jnp.float32(0.0), th, tl)

    def rmax(v):
        return jnp.max(jnp.max(v, axis=2, keepdims=True), axis=1, keepdims=True)

    def rmin(v):
        return jnp.min(jnp.min(v, axis=2, keepdims=True), axis=1, keepdims=True)

    def rsum(v):
        return jnp.sum(jnp.sum(v, axis=2, keepdims=True), axis=1, keepdims=True)

    def body(i, state):
        dist_h, dist_l, cur = state
        ft = idx2 == cur
        zf = jnp.float32(0.0)
        cx = rsum(jnp.where(ft, px, zf))
        cy = rsum(jnp.where(ft, py, zf))
        cz = rsum(jnp.where(ft, pz, zf))
        cc = rsum(jnp.where(ft, cv, zf))
        cb = rsum(jnp.where(ft, bt_ref[...], jnp.int32(0)))
        sel_ref[:, pl.ds(i, 1), :] = cur
        posc_ref[:, pl.ds(i, 1), :] = jnp.concatenate([cx, cy, cz], axis=2)
        curvc_ref[:, pl.ds(i, 1), :] = cc
        batc_ref[:, pl.ds(i, 1), :] = cb
        dh = jnp.zeros_like(px)
        dl = jnp.zeros_like(px)
        for p, c in ((px, cx), (py, cy), (pz, cz)):
            sh, se = _ts(p, -c)
            qh, ql = _ddm(sh, se, sh, se)
            dh, dl = _dda(dh, dl, qh, ql)
        take = (dh < dist_h) | ((dh == dist_h) & (dl < dist_l))
        dist_h = jnp.where(take, dh, dist_h)
        dist_l = jnp.where(take, dl, dist_l)
        kh, kl = _ddm(dist_h, dist_l, wh, wl)
        mh = rmax(kh)
        ml = rmax(jnp.where(kh == mh, kl, -jnp.inf))
        cur = rmin(jnp.where((kh == mh) & (kl == ml), idx2, jnp.int32(_M)))
        return dist_h, dist_l, cur

    state = (jnp.full(px.shape, jnp.inf, dtype=jnp.float32),
             jnp.zeros(px.shape, dtype=jnp.float32),
             jnp.zeros((_NB, 1, 1), dtype=jnp.int32))
    jax.lax.fori_loop(0, n_s, body, state)


def _run_fps(pos, curv, batch):
    pg = pos.reshape(_NB, _M // 128, 128, 3)
    px = pg[..., 0]
    py = pg[..., 1]
    pz = pg[..., 2]
    cv = curv.reshape(_NB, _M // 128, 128)
    bt = batch.astype(jnp.int32).reshape(_NB, _M // 128, 128)
    out_shapes = (
        jax.ShapeDtypeStruct((_NB, _NS, 1), jnp.int32),
        jax.ShapeDtypeStruct((_NB, _NS, 3), jnp.float32),
        jax.ShapeDtypeStruct((_NB, _NS, 1), jnp.float32),
        jax.ShapeDtypeStruct((_NB, _NS, 1), jnp.int32),
    )
    sel, posc, curvc, batc = pl.pallas_call(
        functools.partial(_fps_body, n_s=_NS),
        out_shape=out_shapes,
        interpret=_INTERPRET,
    )(px, py, pz, cv, bt)
    return sel, posc, curvc, batc



def _u_body(x_ref, pp_ref, w1x_ref, w1p_ref, b1_ref, u_ref):
    acc = jnp.dot(x_ref[...], w1x_ref[...], preferred_element_type=jnp.float32)
    acc = acc + jnp.dot(pp_ref[...], w1p_ref[...],
                        preferred_element_type=jnp.float32)
    u_ref[...] = acc + b1_ref[...]


def _run_u(x, pos_pad, w1x, w1p_pad, b1):
    blk = 2048
    return pl.pallas_call(
        _u_body,
        grid=(_N // blk,),
        in_specs=[
            pl.BlockSpec((blk, 128), lambda i: (i, 0)),
            pl.BlockSpec((blk, 8), lambda i: (i, 0)),
            pl.BlockSpec((128, 128), lambda i: (0, 0)),
            pl.BlockSpec((8, 128), lambda i: (0, 0)),
            pl.BlockSpec((1, 128), lambda i: (0, 0)),
        ],
        out_specs=pl.BlockSpec((blk, 128), lambda i: (i, 0)),
        out_shape=jax.ShapeDtypeStruct((_N, 128), jnp.float32),
        interpret=_INTERPRET,
    )(x, pos_pad, w1x, w1p_pad, b1.reshape(1, 128))



_CPT = _NC // 32


def _sc_body(posx_hbm, posy_hbm, posz_hbm, pcx_hbm, pcy_hbm, pcz_hbm,
             u_hbm, e_hbm, cnt_hbm,
             px_v, py_v, pz_v, pcx_v, pcy_v, pcz_v,
             sd2_v, sidx_v, rows0_v, rows1_v, rows2_v, rows3_v,
             idx0_v, idx1_v, idx2_v, idx3_v, cnts_v,
             sg0, sg1, sg2, sg3, ss0, ss1, ss2, ss3):
    core = lax.axis_index("c")
    sub = lax.axis_index("s")
    widx = core * 16 + sub
    cbase = widx * _CPT
    b = cbase // _NS
    pbase = b * _M
    iota = lax.iota(jnp.int32, 16)
    inf16 = jnp.full((16,), jnp.inf, dtype=jnp.float32)
    lane0 = iota == 0

    pltpu.sync_copy(posx_hbm.at[pl.ds(pbase, _M)], px_v)
    pltpu.sync_copy(posy_hbm.at[pl.ds(pbase, _M)], py_v)
    pltpu.sync_copy(posz_hbm.at[pl.ds(pbase, _M)], pz_v)
    pltpu.sync_copy(pcx_hbm.at[pl.ds(cbase, _CPT)], pcx_v)
    pltpu.sync_copy(pcy_hbm.at[pl.ds(cbase, _CPT)], pcy_v)
    pltpu.sync_copy(pcz_hbm.at[pl.ds(cbase, _CPT)], pcz_v)

    ebase = cbase * _MAX_N
    ibufs = (idx0_v, idx1_v, idx2_v, idx3_v)
    bufs = (rows0_v, rows1_v, rows2_v, rows3_v)
    sgs = (sg0, sg1, sg2, sg3)
    sss = (ss0, ss1, ss2, ss3)

    def gath(c, p):
        return pltpu.make_async_copy(u_hbm.at[ibufs[p]], bufs[p], sgs[p])

    def est(c, p):
        return pltpu.make_async_copy(
            bufs[p], e_hbm.at[pl.ds(ebase + c * _MAX_N, _MAX_N)], sss[p])

    def sel(ci, nbr_v):
        ci16 = jnp.full((16,), ci, dtype=jnp.int32)
        cx = plsc.load_gather(pcx_v, [ci16])
        cy = plsc.load_gather(pcy_v, [ci16])
        cz = plsc.load_gather(pcz_v, [ci16])

        def scan_vreg(j, off):
            base = j * 16
            dx = px_v[pl.ds(base, 16)] - cx
            dy = py_v[pl.ds(base, 16)] - cy
            dz = pz_v[pl.ds(base, 16)] - cz
            d2 = (dx * dx + dy * dy) + dz * dz
            m = d2 <= _R2
            plsc.store_compressed(sd2_v.at[pl.ds(off, 16)], d2, mask=m)
            gi = (base + pbase) + iota
            plsc.store_compressed(sidx_v.at[pl.ds(off, 16)], gi, mask=m)
            return off + jnp.max(plsc.all_reduce_population_count(m))

        cnt = lax.fori_loop(0, _M // 16, scan_vreg, jnp.int32(0))
        cnt16 = jnp.full((16,), 1, jnp.int32) * cnt

        @pl.when(cnt <= _MAX_N)
        def _small():
            for t in range(_MAX_N // 16):
                lm = (t * 16 + iota) < cnt16
                v = sidx_v[pl.ds(t * 16, 16)]
                nbr_v[pl.ds(t * 16, 16)] = jnp.where(
                    lm, v, jnp.full((16,), 1, jnp.int32) * pbase)

        @pl.when(cnt > _MAX_N)
        def _topk():
            nv = (cnt + 15) // 16

            def extract(t, _c):
                def scan_min(j, st):
                    bv, bj, bl = st
                    v = sd2_v[pl.ds(j * 16, 16)]
                    lm = (j * 16 + iota) < cnt16
                    vm = jnp.where(lm, v, inf16)
                    mv = jnp.min(vm)
                    fl = jnp.max(plsc.all_reduce_ffs(vm == mv))
                    upd = mv < bv
                    return (jnp.where(upd, mv, bv),
                            jnp.where(upd, j, bj),
                            jnp.where(upd, fl, bl))

                bv, bj, bl = lax.fori_loop(
                    0, nv, scan_min,
                    (jnp.float32(jnp.inf), jnp.int32(0), jnp.int32(0)))
                slot = bj * 16 + bl
                slot16 = jnp.full((16,), 1, jnp.int32) * slot
                gidx = plsc.load_gather(sidx_v, [slot16])
                plsc.store_scatter(
                    nbr_v, [jnp.full((16,), 1, jnp.int32) * t],
                    gidx, mask=lane0)
                plsc.store_scatter(sd2_v, [slot16], inf16, mask=lane0)
                return _c

            lax.fori_loop(0, _MAX_N, extract, jnp.int32(0))

        plsc.store_scatter(cnts_v, [ci16],
                           jnp.minimum(cnt16, _MAX_N), mask=lane0)

    def quad(gg, _):
        for p in range(4):
            c = gg * 4 + p

            def free_buf(p=p, c=c):
                est(c - 4, p).wait()

            pl.when(gg > 0)(free_buf)
            sel(c, ibufs[p])
            gath(c, p).start()
            q = (p - 1) % 4

            def flow(p=p, c=c, q=q):
                gath(c - 1, q).wait()
                est(c - 1, q).start()

            if p == 0:
                pl.when(gg > 0)(flow)
            else:
                flow()
        return _

    lax.fori_loop(0, _CPT // 4, quad, jnp.int32(0))
    gath(_CPT - 1, 3).wait()
    est(_CPT - 1, 3).start()
    for p in range(4):
        est(_CPT - 4 + p, p).wait()
    pltpu.sync_copy(cnts_v, cnt_hbm.at[pl.ds(cbase, _CPT)])


_NCH = _CPT


def _run_sc(pos, pos_c, u):
    mesh = plsc.VectorSubcoreMesh(core_axis_name="c", subcore_axis_name="s")
    f = pl.kernel(
        _sc_body,
        mesh=mesh,
        compiler_params=pltpu.CompilerParams(needs_layout_passes=False),
        out_type=(
            jax.ShapeDtypeStruct((_NC * _MAX_N, 128), jnp.float32),
            jax.ShapeDtypeStruct((_NC,), jnp.int32),
        ),
        scratch_types=[
            pltpu.VMEM((_M,), jnp.float32),
            pltpu.VMEM((_M,), jnp.float32),
            pltpu.VMEM((_M,), jnp.float32),
            pltpu.VMEM((_CPT,), jnp.float32),
            pltpu.VMEM((_CPT,), jnp.float32),
            pltpu.VMEM((_CPT,), jnp.float32),
            pltpu.VMEM((_M + 16,), jnp.float32),
            pltpu.VMEM((_M + 16,), jnp.int32),
            pltpu.VMEM((_MAX_N, 128), jnp.float32),
            pltpu.VMEM((_MAX_N, 128), jnp.float32),
            pltpu.VMEM((_MAX_N, 128), jnp.float32),
            pltpu.VMEM((_MAX_N, 128), jnp.float32),
            pltpu.VMEM((_MAX_N,), jnp.int32),
            pltpu.VMEM((_MAX_N,), jnp.int32),
            pltpu.VMEM((_MAX_N,), jnp.int32),
            pltpu.VMEM((_MAX_N,), jnp.int32),
            pltpu.VMEM((_CPT,), jnp.int32),
        ] + [pltpu.SemaphoreType.DMA] * 8,
    )
    return f(pos[:, 0], pos[:, 1], pos[:, 2],
             pos_c[:, 0], pos_c[:, 1], pos_c[:, 2], u)



def _mlp_body(e_ref, pc_ref, w1p_ref, w2_ref, b2_ref, cnt_ref, o_ref):
    cpb = pc_ref.shape[0]
    cterm = jnp.dot(pc_ref[...], w1p_ref[...],
                    preferred_element_type=jnp.float32)
    e3 = e_ref[...].reshape(cpb, _MAX_N, 128)
    h1 = jnp.maximum(e3 - cterm[:, None, :], 0.0)
    h2 = jnp.dot(h1.reshape(cpb * _MAX_N, 128), w2_ref[...],
                 preferred_element_type=jnp.float32) + b2_ref[...]
    h2 = jnp.maximum(h2, 0.0).reshape(cpb, _MAX_N, 256)
    slot = jax.lax.broadcasted_iota(jnp.int32, (cpb, _MAX_N, 1), 1)
    h2 = jnp.where(slot < cnt_ref[...][:, None, :], h2, -1.0)
    mx = jnp.max(h2, axis=1)
    o_ref[...] = jnp.where(cnt_ref[...] > 0, mx, 0.0)


def _run_mlp(e, posc_pad, w1p_pad, w2, b2, cnt):
    cpb = 128
    return pl.pallas_call(
        _mlp_body,
        grid=(_NC // cpb,),
        in_specs=[
            pl.BlockSpec((cpb * _MAX_N, 128), lambda i: (i, 0)),
            pl.BlockSpec((cpb, 8), lambda i: (i, 0)),
            pl.BlockSpec((8, 128), lambda i: (0, 0)),
            pl.BlockSpec((128, 256), lambda i: (0, 0)),
            pl.BlockSpec((1, 256), lambda i: (0, 0)),
            pl.BlockSpec((cpb, 1), lambda i: (i, 0)),
        ],
        out_specs=pl.BlockSpec((cpb, 256), lambda i: (i, 0)),
        out_shape=jax.ShapeDtypeStruct((_NC, 256), jnp.float32),
        interpret=_INTERPRET,
    )(e, posc_pad, w1p_pad, w2, b2.reshape(1, 256), cnt.reshape(_NC, 1))



def kernel(x, pos, batch, curvature_values, W1, b1, W2, b2):
    sel, posc, curvc, batc = _run_fps(pos, curvature_values, batch)
    pos_c = posc.reshape(_NC, 3)
    curv_c = curvc.reshape(-1)
    bat_c = batc.reshape(-1).astype(batch.dtype)

    w1x = W1[:128]
    w1p_pad = jnp.concatenate(
        [W1[128:131], jnp.zeros((5, 128), jnp.float32)], axis=0)
    pos_pad = jnp.concatenate(
        [pos, jnp.zeros((_N, 5), jnp.float32)], axis=1)
    u = _run_u(x, pos_pad, w1x, w1p_pad, b1)

    e, cnt = _run_sc(pos, pos_c, u)

    posc_pad = jnp.concatenate(
        [pos_c, jnp.zeros((_NC, 5), jnp.float32)], axis=1)
    out = _run_mlp(e, posc_pad, w1p_pad, W2, b2, cnt)
    return (out, pos_c, bat_c, curv_c)

# --- scband reference (transcript-rebuilt; emitter-appended) ---
"""Pipeline reference for scband-samodule-62878321213704 (READ-ONLY COPY).

The authoritative reference and input builder live on the scoring server;
editing this copy changes nothing except your own understanding.
"""

import jax, jax.numpy as jnp
import numpy as np

RATIO = 0.25
R = 0.15
CURV_SCALAR = 10.0
MAX_NEIGHBORS = 64
NUM_BATCHES = 4


def _two_sum(a, b):
    s = a + b
    bb = s - a
    return s, (a - (s - bb)) + (b - bb)


def _split(a):
    c = a * 4097.0
    hi = c - (c - a)
    return hi, a - hi


def _two_prod(a, b):
    p = a * b
    ah, al = _split(a)
    bh, bl = _split(b)
    return p, ((ah * bh - p) + ah * bl + al * bh) + al * bl


def _dd_add(xh, xl, yh, yl):
    s, e = _two_sum(xh, yh)
    e = e + (xl + yl)
    hi = s + e
    return hi, e - (hi - s)


def _dd_mul(xh, xl, yh, yl):
    p, e = _two_prod(xh, yh)
    e = e + (xh * yl + xl * yh)
    hi = p + e
    return hi, e - (hi - p)


def _fps_weighted(pos, curv, n_sample, scalar):
    # curvature-weighted farthest point sampling (assumed fps_weighted semantics:
    # farthest-point distance multiplied by (1 + scalar * curvature)), carried in
    # compensated double-float32 precision to mirror the float64 accumulation
    M = pos.shape[0]
    th, tl = _two_prod(jnp.float32(scalar), curv)
    wh, wl = _dd_add(1.0, 0.0, th, tl)

    def body(i, state):
        sel, dist_h, dist_l, cur = state
        sel = sel.at[i].set(cur)
        c = pos[cur]
        dh = jnp.zeros((M,), dtype=jnp.float32)
        dl = jnp.zeros((M,), dtype=jnp.float32)
        for k in range(3):
            sh, se = _two_sum(pos[:, k], -c[k])
            qh, ql = _dd_mul(sh, se, sh, se)
            dh, dl = _dd_add(dh, dl, qh, ql)
        take = (dh < dist_h) | ((dh == dist_h) & (dl < dist_l))
        dist_h = jnp.where(take, dh, dist_h)
        dist_l = jnp.where(take, dl, dist_l)
        kh, kl = _dd_mul(dist_h, dist_l, wh, wl)
        mh = jnp.max(kh)
        ml = jnp.max(jnp.where(kh == mh, kl, -jnp.inf))
        cur = jnp.argmax((kh == mh) & (kl == ml)).astype(jnp.int32)
        return sel, dist_h, dist_l, cur

    state = (jnp.zeros((n_sample,), dtype=jnp.int32),
             jnp.full((M,), jnp.inf, dtype=jnp.float32),
             jnp.zeros((M,), dtype=jnp.float32),
             jnp.int32(0))
    sel, _, _, _ = jax.lax.fori_loop(0, n_sample, body, state)
    return sel


def _radius(pos, pos_c, num_batches, n_s, r, max_n):
    # torch-cluster style radius(x, y) restricted to same-batch pairs, capped at
    # max_n neighbors per centroid (nearest-first within radius), expressed as a
    # fixed-shape (centroid, slot) index table with a validity mask
    N = pos.shape[0]
    M = N // num_batches
    d2 = ((pos_c.reshape(num_batches, n_s, 1, 3)
           - pos.reshape(num_batches, 1, M, 3)) ** 2).sum(-1)
    d2 = jnp.where(d2 <= r * r, d2, jnp.inf)
    neg_vals, loc = jax.lax.top_k(-d2, max_n)
    valid = jnp.isfinite(neg_vals).reshape(num_batches * n_s, max_n)
    nbr = (loc + (jnp.arange(num_batches, dtype=jnp.int32) * M)[:, None, None])
    nbr = nbr.reshape(num_batches * n_s, max_n)
    return nbr, valid


def _sample_and_group(pos, curv, num_batches):
    N = pos.shape[0]
    M = N // num_batches
    n_s = int(np.ceil(RATIO * M))
    pos_g = pos.reshape(num_batches, M, 3)
    curv_g = curv.reshape(num_batches, M)
    sel = jax.vmap(lambda p, c: _fps_weighted(p, c, n_s, CURV_SCALAR))(pos_g, curv_g)
    idx = (jnp.arange(num_batches, dtype=jnp.int32)[:, None] * M + sel).reshape(-1)
    nbr, valid = _radius(pos, pos[idx], num_batches, n_s, R, MAX_NEIGHBORS)
    return idx, nbr, valid


def setup_inputs(seed: int = 0):
    key = jax.random.key(seed)
    ks = jax.random.split(key, 6)
    N, D = 16384, 128
    x = jax.random.normal(ks[0], (N, D), dtype=jnp.float32)
    pos = jax.random.uniform(ks[1], (N, 3), dtype=jnp.float32)
    batch = jnp.repeat(jnp.arange(4, dtype=jnp.int64), N // 4)
    curvature_values = jax.random.uniform(ks[2], (N,), dtype=jnp.float32)
    W1 = jax.random.normal(ks[3], (D + 3, 128), dtype=jnp.float32) * (1.0 / np.sqrt(D + 3))
    b1 = jnp.zeros((128,), dtype=jnp.float32)
    W2 = jax.random.normal(ks[4], (128, 256), dtype=jnp.float32) * (1.0 / np.sqrt(128))
    b2 = jnp.zeros((256,), dtype=jnp.float32)
    return {"x": x, "pos": pos, "batch": batch, "curvature_values": curvature_values,
            "W1": W1, "b1": b1, "W2": W2, "b2": b2}


def reference(x, pos, batch, curvature_values, W1, b1, W2, b2):
    idx, nbr, valid = _sample_and_group(pos, curvature_values, NUM_BATCHES)
    pos_c = pos[idx]
    # PointNetConv message: local_nn(concat([x_j, pos_j - pos_i])), max aggregation
    msg = jnp.concatenate([x[nbr], pos[nbr] - pos_c[:, None, :]], axis=-1)
    h = jax.nn.relu(msg @ W1 + b1)
    h = jax.nn.relu(h @ W2 + b2)
    h = jnp.where(valid[:, :, None], h, -jnp.inf)
    out = h.max(axis=1)
    out = jnp.where(jnp.isfinite(out), out, 0.0)
    return (out, pos_c, batch[idx], curvature_values[idx])

if __name__ == "__main__":
    import jax
    _d = setup_inputs()
    print(jax.jit(kernel)(*tuple(_d.values())))

</pallas_src>

<mosaic_0001>
#map = affine_map<(d0, d1) -> (0)>
#map1 = affine_map<(d0, d1) -> (0, 0)>
module attributes {stable_mosaic.version = 14 : i64} {
  func.func @_sc_body(%arg0: i32, %arg1: i32, %arg2: memref<16384xf32, #tpu.memory_space<hbm>>, %arg3: memref<16384xf32, #tpu.memory_space<hbm>>, %arg4: memref<16384xf32, #tpu.memory_space<hbm>>, %arg5: memref<4096xf32, #tpu.memory_space<hbm>>, %arg6: memref<4096xf32, #tpu.memory_space<hbm>>, %arg7: memref<4096xf32, #tpu.memory_space<hbm>>, %arg8: memref<16384x128xf32, #tpu.memory_space<hbm>>, %arg9: memref<262144x128xf32, #tpu.memory_space<hbm>>, %arg10: memref<4096xi32, #tpu.memory_space<hbm>>, %arg11: memref<4096xf32, #tpu.memory_space<vmem>>, %arg12: memref<4096xf32, #tpu.memory_space<vmem>>, %arg13: memref<4096xf32, #tpu.memory_space<vmem>>, %arg14: memref<128xf32, #tpu.memory_space<vmem>>, %arg15: memref<128xf32, #tpu.memory_space<vmem>>, %arg16: memref<128xf32, #tpu.memory_space<vmem>>, %arg17: memref<4112xf32, #tpu.memory_space<vmem>>, %arg18: memref<4112xi32, #tpu.memory_space<vmem>>, %arg19: memref<64x128xf32, #tpu.memory_space<vmem>>, %arg20: memref<64x128xf32, #tpu.memory_space<vmem>>, %arg21: memref<64x128xf32, #tpu.memory_space<vmem>>, %arg22: memref<64x128xf32, #tpu.memory_space<vmem>>, %arg23: memref<64xi32, #tpu.memory_space<vmem>>, %arg24: memref<64xi32, #tpu.memory_space<vmem>>, %arg25: memref<64xi32, #tpu.memory_space<vmem>>, %arg26: memref<64xi32, #tpu.memory_space<vmem>>, %arg27: memref<128xi32, #tpu.memory_space<vmem>>, %arg28: memref<!tpu.dma_semaphore, #tpu.memory_space<semaphore_mem>>, %arg29: memref<!tpu.dma_semaphore, #tpu.memory_space<semaphore_mem>>, %arg30: memref<!tpu.dma_semaphore, #tpu.memory_space<semaphore_mem>>, %arg31: memref<!tpu.dma_semaphore, #tpu.memory_space<semaphore_mem>>, %arg32: memref<!tpu.dma_semaphore, #tpu.memory_space<semaphore_mem>>, %arg33: memref<!tpu.dma_semaphore, #tpu.memory_space<semaphore_mem>>, %arg34: memref<!tpu.dma_semaphore, #tpu.memory_space<semaphore_mem>>, %arg35: memref<!tpu.dma_semaphore, #tpu.memory_space<semaphore_mem>>) attributes {dimension_semantics = [#tpu.dimension_semantics<core_parallel>, #tpu.dimension_semantics<subcore_parallel>], iteration_bounds = array<i64: 2, 16>, scalar_prefetch = 0 : i64, scratch_operands = 25 : i64, tpu.core_type = #tpu.core_type<sc_vector_subcore>, window_params = [{transform_indices = #map}, {transform_indices = #map}, {transform_indices = #map}, {transform_indices = #map}, {transform_indices = #map}, {transform_indices = #map}, {transform_indices = #map1}, {transform_indices = #map1}, {transform_indices = #map}]} {
    %mul3A = arith.constant 16 : i32
    %mul3A_0 = arith.muli %arg0, %mul3A : i32
    %add3A = arith.addi %mul3A_0, %arg1 : i32
    %mul3A_1 = arith.constant 128 : i32
    %mul3A_2 = arith.muli %add3A, %mul3A_1 : i32
    %jit3A = arith.constant 1024 : i32
    %div3A = arith.divsi %mul3A_2, %jit3A : i32
    %sign3A = arith.constant 0 : i32
    %sign3A_3 = arith.cmpi sgt, %mul3A_2, %sign3A : i32
    %sign3A_4 = arith.extui %sign3A_3 : i1 to i32
    %sign3A_5 = arith.constant 0 : i32
    %sign3A_6 = arith.cmpi slt, %mul3A_2, %sign3A_5 : i32
    %sign3A_7 = arith.extui %sign3A_6 : i1 to i32
    %sign3A_8 = arith.subi %sign3A_4, %sign3A_7 : i32
    %sign3A_9 = arith.constant 0 : i32
    %sign3A_10 = arith.cmpi sgt, %jit3A, %sign3A_9 : i32
    %sign3A_11 = arith.extui %sign3A_10 : i1 to i32
    %sign3A_12 = arith.constant 0 : i32
    %sign3A_13 = arith.cmpi slt, %jit3A, %sign3A_12 : i32
    %sign3A_14 = arith.extui %sign3A_13 : i1 to i32
    %sign3A_15 = arith.subi %sign3A_11, %sign3A_14 : i32
    %ne3A = arith.cmpi ne, %sign3A_8, %sign3A_15 : i32
    %rem3A = arith.remsi %mul3A_2, %jit3A : i32
    %ne3A_16 = arith.constant 0 : i32
    %ne3A_17 = arith.cmpi ne, %rem3A, %ne3A_16 : i32
    %and3A = arith.andi %ne3A, %ne3A_17 : i1
    %sub3A = arith.constant 1 : i32
    %sub3A_18 = arith.subi %div3A, %sub3A : i32
    %select_n3A = arith.select %and3A, %sub3A_18, %div3A : i32
    %mul3A_19 = arith.constant 4096 : i32
    %mul3A_20 = arith.muli %select_n3A, %mul3A_19 : i32
    %iota3A = tpu.iota {dimensions = array<i32: 0>} : vector<16xi32>
    %broadcast_in_dim3A = arith.constant 0x7F800000 : f32
    %broadcast_in_dim3A_21 = vector.broadcast %broadcast_in_dim3A : f32 to vector<16xf32>
    %eq3A = arith.constant 0 : i32
    %eq3A_22 = vector.broadcast %eq3A : i32 to vector<16xi32>
    %eq3A_23 = arith.cmpi eq, %iota3A, %eq3A_22 : vector<16xi32>
    "tpu.region"() ({
      %run_scoped3A = tpu.sem_alloc : memref<!tpu.dma_semaphore, #tpu.memory_space<semaphore_mem>>
      %dma_start3A_62 = tpu.memref_slice %arg2[%mul3A_20] : memref<16384xf32, #tpu.memory_space<hbm>> -> memref<4096xf32, #tpu.memory_space<hbm>>
      %dma_start3A_63 = tpu.memref_slice %arg2[%mul3A_20] : memref<16384xf32, #tpu.memory_space<hbm>> -> memref<4096xf32, #tpu.memory_space<hbm>>
      tpu.enqueue_dma source(%dma_start3A_63 : memref<4096xf32, #tpu.memory_space<hbm>>) target(%arg11 : memref<4096xf32, #tpu.memory_space<vmem>>) target_semaphore(%run_scoped3A : memref<!tpu.dma_semaphore, #tpu.memory_space<semaphore_mem>>)
      %dma_wait3A_64 = tpu.memref_slice %arg2[%mul3A_20] : memref<16384xf32, #tpu.memory_space<hbm>> -> memref<4096xf32, #tpu.memory_space<hbm>>
      %dma_wait3A_65 = tpu.memref_slice %arg2[%mul3A_20] : memref<16384xf32, #tpu.memory_space<hbm>> -> memref<4096xf32, #tpu.memory_space<hbm>>
      tpu.wait_dma2 semaphore(%run_scoped3A : memref<!tpu.dma_semaphore, #tpu.memory_space<semaphore_mem>>) src(%dma_wait3A_65 : memref<4096xf32, #tpu.memory_space<hbm>>) dst(%arg11 : memref<4096xf32, #tpu.memory_space<vmem>>)
      tpu.yield
    }) : () -> ()
    "tpu.region"() ({
      %run_scoped3A = tpu.sem_alloc : memref<!tpu.dma_semaphore, #tpu.memory_space<semaphore_mem>>
      %dma_start3A_62 = tpu.memref_slice %arg3[%mul3A_20] : memref<16384xf32, #tpu.memory_space<hbm>> -> memref<4096xf32, #tpu.memory_space<hbm>>
      %dma_start3A_63 = tpu.memref_slice %arg3[%mul3A_20] : memref<16384xf32, #tpu.memory_space<hbm>> -> memref<4096xf32, #tpu.memory_space<hbm>>
      tpu.enqueue_dma source(%dma_start3A_63 : memref<4096xf32, #tpu.memory_space<hbm>>) target(%arg12 : memref<4096xf32, #tpu.memory_space<vmem>>) target_semaphore(%run_scoped3A : memref<!tpu.dma_semaphore, #tpu.memory_space<semaphore_mem>>)
      %dma_wait3A_64 = tpu.memref_slice %arg3[%mul3A_20] : memref<16384xf32, #tpu.memory_space<hbm>> -> memref<4096xf32, #tpu.memory_space<hbm>>
      %dma_wait3A_65 = tpu.memref_slice %arg3[%mul3A_20] : memref<16384xf32, #tpu.memory_space<hbm>> -> memref<4096xf32, #tpu.memory_space<hbm>>
      tpu.wait_dma2 semaphore(%run_scoped3A : memref<!tpu.dma_semaphore, #tpu.memory_space<semaphore_mem>>) src(%dma_wait3A_65 : memref<4096xf32, #tpu.memory_space<hbm>>) dst(%arg12 : memref<4096xf32, #tpu.memory_space<vmem>>)
      tpu.yield
    }) : () -> ()
    "tpu.region"() ({
      %run_scoped3A = tpu.sem_alloc : memref<!tpu.dma_semaphore, #tpu.memory_space<semaphore_mem>>
      %dma_start3A_62 = tpu.memref_slice %arg4[%mul3A_20] : memref<16384xf32, #tpu.memory_space<hbm>> -> memref<4096xf32, #tpu.memory_space<hbm>>
      %dma_start3A_63 = tpu.memref_slice %arg4[%mul3A_20] : memref<16384xf32, #tpu.memory_space<hbm>> -> memref<4096xf32, #tpu.memory_space<hbm>>
      tpu.enqueue_dma source(%dma_start3A_63 : memref<4096xf32, #tpu.memory_space<hbm>>) target(%arg13 : memref<4096xf32, #tpu.memory_space<vmem>>) target_semaphore(%run_scoped3A : memref<!tpu.dma_semaphore, #tpu.memory_space<semaphore_mem>>)
      %dma_wait3A_64 = tpu.memref_slice %arg4[%mul3A_20] : memref<16384xf32, #tpu.memory_space<hbm>> -> memref<4096xf32, #tpu.memory_space<hbm>>
      %dma_wait3A_65 = tpu.memref_slice %arg4[%mul3A_20] : memref<16384xf32, #tpu.memory_space<hbm>> -> memref<4096xf32, #tpu.memory_space<hbm>>
      tpu.wait_dma2 semaphore(%run_scoped3A : memref<!tpu.dma_semaphore, #tpu.memory_space<semaphore_mem>>) src(%dma_wait3A_65 : memref<4096xf32, #tpu.memory_space<hbm>>) dst(%arg13 : memref<4096xf32, #tpu.memory_space<vmem>>)
      tpu.yield
    }) : () -> ()
    "tpu.region"() ({
      %run_scoped3A = tpu.sem_alloc : memref<!tpu.dma_semaphore, #tpu.memory_space<semaphore_mem>>
      %dma_start3A_62 = tpu.memref_slice %arg5[%mul3A_2] : memref<4096xf32, #tpu.memory_space<hbm>> -> memref<128xf32, #tpu.memory_space<hbm>>
      %dma_start3A_63 = tpu.memref_slice %arg5[%mul3A_2] : memref<4096xf32, #tpu.memory_space<hbm>> -> memref<128xf32, #tpu.memory_space<hbm>>
      tpu.enqueue_dma source(%dma_start3A_63 : memref<128xf32, #tpu.memory_space<hbm>>) target(%arg14 : memref<128xf32, #tpu.memory_space<vmem>>) target_semaphore(%run_scoped3A : memref<!tpu.dma_semaphore, #tpu.memory_space<semaphore_mem>>)
      %dma_wait3A_64 = tpu.memref_slice %arg5[%mul3A_2] : memref<4096xf32, #tpu.memory_space<hbm>> -> memref<128xf32, #tpu.memory_space<hbm>>
      %dma_wait3A_65 = tpu.memref_slice %arg5[%mul3A_2] : memref<4096xf32, #tpu.memory_space<hbm>> -> memref<128xf32, #tpu.memory_space<hbm>>
      tpu.wait_dma2 semaphore(%run_scoped3A : memref<!tpu.dma_semaphore, #tpu.memory_space<semaphore_mem>>) src(%dma_wait3A_65 : memref<128xf32, #tpu.memory_space<hbm>>) dst(%arg14 : memref<128xf32, #tpu.memory_space<vmem>>)
      tpu.yield
    }) : () -> ()
    "tpu.region"() ({
      %run_scoped3A = tpu.sem_alloc : memref<!tpu.dma_semaphore, #tpu.memory_space<semaphore_mem>>
      %dma_start3A_62 = tpu.memref_slice %arg6[%mul3A_2] : memref<4096xf32, #tpu.memory_space<hbm>> -> memref<128xf32, #tpu.memory_space<hbm>>
      %dma_start3A_63 = tpu.memref_slice %arg6[%mul3A_2] : memref<4096xf32, #tpu.memory_space<hbm>> -> memref<128xf32, #tpu.memory_space<hbm>>
      tpu.enqueue_dma source(%dma_start3A_63 : memref<128xf32, #tpu.memory_space<hbm>>) target(%arg15 : memref<128xf32, #tpu.memory_space<vmem>>) target_semaphore(%run_scoped3A : memref<!tpu.dma_semaphore, #tpu.memory_space<semaphore_mem>>)
      %dma_wait3A_64 = tpu.memref_slice %arg6[%mul3A_2] : memref<4096xf32, #tpu.memory_space<hbm>> -> memref<128xf32, #tpu.memory_space<hbm>>
      %dma_wait3A_65 = tpu.memref_slice %arg6[%mul3A_2] : memref<4096xf32, #tpu.memory_space<hbm>> -> memref<128xf32, #tpu.memory_space<hbm>>
      tpu.wait_dma2 semaphore(%run_scoped3A : memref<!tpu.dma_semaphore, #tpu.memory_space<semaphore_mem>>) src(%dma_wait3A_65 : memref<128xf32, #tpu.memory_space<hbm>>) dst(%arg15 : memref<128xf32, #tpu.memory_space<vmem>>)
      tpu.yield
    }) : () -> ()
    "tpu.region"() ({
      %run_scoped3A = tpu.sem_alloc : memref<!tpu.dma_semaphore, #tpu.memory_space<semaphore_mem>>
      %dma_start3A_62 = tpu.memref_slice %arg7[%mul3A_2] : memref<4096xf32, #tpu.memory_space<hbm>> -> memref<128xf32, #tpu.memory_space<hbm>>
      %dma_start3A_63 = tpu.memref_slice %arg7[%mul3A_2] : memref<4096xf32, #tpu.memory_space<hbm>> -> memref<128xf32, #tpu.memory_space<hbm>>
      tpu.enqueue_dma source(%dma_start3A_63 : memref<128xf32, #tpu.memory_space<hbm>>) target(%arg16 : memref<128xf32, #tpu.memory_space<vmem>>) target_semaphore(%run_scoped3A : memref<!tpu.dma_semaphore, #tpu.memory_space<semaphore_mem>>)
      %dma_wait3A_64 = tpu.memref_slice %arg7[%mul3A_2] : memref<4096xf32, #tpu.memory_space<hbm>> -> memref<128xf32, #tpu.memory_space<hbm>>
      %dma_wait3A_65 = tpu.memref_slice %arg7[%mul3A_2] : memref<4096xf32, #tpu.memory_space<hbm>> -> memref<128xf32, #tpu.memory_space<hbm>>
      tpu.wait_dma2 semaphore(%run_scoped3A : memref<!tpu.dma_semaphore, #tpu.memory_space<semaphore_mem>>) src(%dma_wait3A_65 : memref<128xf32, #tpu.memory_space<hbm>>) dst(%arg16 : memref<128xf32, #tpu.memory_space<vmem>>)
      tpu.yield
    }) : () -> ()
    %mul3A_24 = arith.constant 64 : i32
    %mul3A_25 = arith.muli %mul3A_2, %mul3A_24 : i32
    %scan3A = arith.constant 0 : i32
    %scan3A_26 = arith.constant 0 : i32
    %scan3A_27 = arith.constant 32 : i32
    %scan3A_28 = arith.addi %scan3A_26, %scan3A_27 : i32
    %scan3A_29 = arith.constant 1 : i32
    scf.for %scan3A_62 = %scan3A_26 to %scan3A_28 step %scan3A_29  : i32 {
      %mul3A_63 = arith.constant 4 : i32
      %mul3A_64 = arith.muli %scan3A_62, %mul3A_63 : i32
      %add3A_65 = arith.constant 0 : i32
      %add3A_66 = arith.addi %mul3A_64, %add3A_65 : i32
      %gt3A = arith.constant 0 : i32
      %gt3A_67 = arith.cmpi sgt, %scan3A_62, %gt3A : i32
      %convert_element_type3A = arith.extui %gt3A_67 : i1 to i32
      %cond3A = arith.constant 0 : i32
      %cond3A_68 = arith.cmpi ne, %convert_element_type3A, %cond3A : i32
      scf.if %cond3A_68 {
        %sub3A_264 = arith.constant 4 : i32
        %sub3A_265 = arith.subi %add3A_66, %sub3A_264 : i32
        %mul3A_266 = arith.constant 64 : i32
        %mul3A_267 = arith.muli %sub3A_265, %mul3A_266 : i32
        %add3A_268 = arith.addi %mul3A_25, %mul3A_267 : i32
        %dma_wait3A_269 = arith.constant 0 : i32
        %dma_wait3A_270 = tpu.memref_slice %arg9[%add3A_268, %dma_wait3A_269] : memref<262144x128xf32, #tpu.memory_space<hbm>> -> memref<64x128xf32, #tpu.memory_space<hbm>>
        %dma_wait3A_271 = arith.constant 0 : i32
        %dma_wait3A_272 = tpu.memref_slice %arg9[%add3A_268, %dma_wait3A_271] : memref<262144x128xf32, #tpu.memory_space<hbm>> -> memref<64x128xf32, #tpu.memory_space<hbm>>
        tpu.wait_dma2 semaphore(%arg32 : memref<!tpu.dma_semaphore, #tpu.memory_space<semaphore_mem>>) src(%arg19 : memref<64x128xf32, #tpu.memory_space<vmem>>) dst(%dma_wait3A_272 : memref<64x128xf32, #tpu.memory_space<hbm>>)
      } else {
      }
      %broadcast_in_dim3A_69 = vector.broadcast %add3A_66 : i32 to vector<16xi32>
      %gather3A = tpu.vector_load_idx %arg14[%broadcast_in_dim3A_69] : memref<128xf32, #tpu.memory_space<vmem>>[vector<16xi32>], vector<16xf32>,
      %gather3A_70 = tpu.vector_load_idx %arg15[%broadcast_in_dim3A_69] : memref<128xf32, #tpu.memory_space<vmem>>[vector<16xi32>], vector<16xf32>,
      %gather3A_71 = tpu.vector_load_idx %arg16[%broadcast_in_dim3A_69] : memref<128xf32, #tpu.memory_space<vmem>>[vector<16xi32>], vector<16xf32>,
      %scan3A_72 = arith.constant 0 : i32
      %scan3A_73 = arith.constant 0 : i32
      %scan3A_74 = arith.constant 256 : i32
      %scan3A_75 = arith.addi %scan3A_73, %scan3A_74 : i32
      %scan3A_76 = arith.constant 1 : i32
      %scan3A_77 = scf.for %scan3A_264 = %scan3A_73 to %scan3A_75 step %scan3A_76 iter_args(%scan3A_265 = %scan3A_72) -> (i32)  : i32 {
        %mul3A_266 = arith.constant 16 : i32
        %mul3A_267 = arith.muli %scan3A_264, %mul3A_266 : i32
        %get3A = arith.index_cast %mul3A_267 : i32 to index
        %get3A_268 = tpu.vector_load %arg11[%get3A] {strides = array<i32>} : memref<4096xf32, #tpu.memory_space<vmem>>, vector<16xf32>,
        %sub3A_269 = arith.subf %get3A_268, %gather3A : vector<16xf32>
        %get3A_270 = arith.index_cast %mul3A_267 : i32 to index
        %get3A_271 = tpu.vector_load %arg12[%get3A_270] {strides = array<i32>} : memref<4096xf32, #tpu.memory_space<vmem>>, vector<16xf32>,
        %sub3A_272 = arith.subf %get3A_271, %gather3A_70 : vector<16xf32>
        %get3A_273 = arith.index_cast %mul3A_267 : i32 to index
        %get3A_274 = tpu.vector_load %arg13[%get3A_273] {strides = array<i32>} : memref<4096xf32, #tpu.memory_space<vmem>>, vector<16xf32>,
        %sub3A_275 = arith.subf %get3A_274, %gather3A_71 : vector<16xf32>
        %mul3A_276 = arith.mulf %sub3A_269, %sub3A_269 : vector<16xf32>
        %mul3A_277 = arith.mulf %sub3A_272, %sub3A_272 : vector<16xf32>
        %add3A_278 = arith.addf %mul3A_276, %mul3A_277 : vector<16xf32>
        %mul3A_279 = arith.mulf %sub3A_275, %sub3A_275 : vector<16xf32>
        %add3A_280 = arith.addf %add3A_278, %mul3A_279 : vector<16xf32>
        %le3A_281 = arith.constant 2.250000e-02 : f32
        %le3A_282 = vector.broadcast %le3A_281 : f32 to vector<16xf32>
        %le3A_283 = arith.cmpf ole, %add3A_280, %le3A_282 : vector<16xf32>
        %swap3A = arith.index_cast %scan3A_265 : i32 to index
        %swap3A_284 = tpu.vector_load %arg17[%swap3A] masked %le3A_283 {strides = array<i32>} : memref<4112xf32, #tpu.memory_space<vmem>>, vector<16xf32>, vector<16xi1>
        tpu.vector_store %arg17[%swap3A], %add3A_280 masked %le3A_283 {strides = array<i32>} : memref<4112xf32, #tpu.memory_space<vmem>>, vector<16xf32>, vector<16xi1>
        %add3A_285 = arith.addi %mul3A_267, %mul3A_20 : i32
        %add3A_286 = vector.broadcast %add3A_285 : i32 to vector<16xi32>
        %add3A_287 = arith.addi %add3A_286, %iota3A : vector<16xi32>
        %swap3A_288 = arith.index_cast %scan3A_265 : i32 to index
        %swap3A_289 = tpu.vector_load %arg18[%swap3A_288] masked %le3A_283 {strides = array<i32>} : memref<4112xi32, #tpu.memory_space<vmem>>, vector<16xi32>, vector<16xi1>
        tpu.vector_store %arg18[%swap3A_288], %add3A_287 masked %le3A_283 {strides = array<i32>} : memref<4112xi32, #tpu.memory_space<vmem>>, vector<16xi32>, vector<16xi1>
        %all_reduce_population_count3A = tpu.all_reduce %le3A_283 {dim = 0 : i64, kind = #tpu.reduction_kind<sum>} : vector<16xi1> -> vector<16xi32>
        %reduce_max3A = arith.constant true
        %reduce_max3A_290 = vector.broadcast %reduce_max3A : i1 to vector<16xi1>
        %reduce_max3A_291 = arith.constant -2147483648 : i32
        %reduce_max3A_292 = vector.broadcast %reduce_max3A_291 : i32 to vector<16xi32>
        %reduce_max3A_293 = arith.xori %all_reduce_population_count3A, %reduce_max3A_292 : vector<16xi32>
        %reduce_max3A_294 = tpu.scan <max>, %reduce_max3A_293 masked %reduce_max3A_290 : vector<16xi32>, vector<16xi1> -> vector<16xi32>
        %reduce_max3A_295 = arith.xori %reduce_max3A_294, %reduce_max3A_292 : vector<16xi32>
        %reduce_max3A_296 = vector.extract %reduce_max3A_295[15] : i32 from vector<16xi32>
        %add3A_297 = arith.addi %scan3A_265, %reduce_max3A_296 : i32
        scf.yield %add3A_297 : i32
      }
      %scan3A_78 = arith.constant 256 : i32
      %broadcast_in_dim3A_79 = arith.constant 1 : i32
      %broadcast_in_dim3A_80 = vector.broadcast %broadcast_in_dim3A_79 : i32 to vector<16xi32>
      %mul3A_81 = vector.broadcast %scan3A_77 : i32 to vector<16xi32>
      %mul3A_82 = arith.muli %broadcast_in_dim3A_80, %mul3A_81 : vector<16xi32>
      %le3A = arith.constant 64 : i32
      %le3A_83 = arith.cmpi sle, %scan3A_77, %le3A : i32
      %convert_element_type3A_84 = arith.extui %le3A_83 : i1 to i32
      %cond3A_85 = arith.constant 0 : i32
      %cond3A_86 = arith.cmpi ne, %convert_element_type3A_84, %cond3A_85 : i32
      scf.if %cond3A_86 {
        %add3A_264 = arith.constant 0 : i32
        %add3A_265 = vector.broadcast %add3A_264 : i32 to vector<16xi32>
        %add3A_266 = arith.addi %add3A_265, %iota3A : vector<16xi32>
        %lt3A = arith.cmpi slt, %add3A_266, %mul3A_82 : vector<16xi32>
        %get3A = arith.constant 0 : index
        %get3A_267 = tpu.vector_load %arg18[%get3A] {strides = array<i32>} : memref<4112xi32, #tpu.memory_space<vmem>>, vector<16xi32>,
        %broadcast_in_dim3A_268 = arith.constant 1 : i32
        %broadcast_in_dim3A_269 = vector.broadcast %broadcast_in_dim3A_268 : i32 to vector<16xi32>
        %mul3A_270 = vector.broadcast %mul3A_20 : i32 to vector<16xi32>
        %mul3A_271 = arith.muli %broadcast_in_dim3A_269, %mul3A_270 : vector<16xi32>
        %select_n3A_272 = arith.select %lt3A, %get3A_267, %mul3A_271 : vector<16xi1>, vector<16xi32>
        %swap3A = arith.constant 0 : index
        %swap3A_273 = tpu.vector_load %arg23[%swap3A] {strides = array<i32>} : memref<64xi32, #tpu.memory_space<vmem>>, vector<16xi32>,
        tpu.vector_store %arg23[%swap3A], %select_n3A_272 {strides = array<i32>} : memref<64xi32, #tpu.memory_space<vmem>>, vector<16xi32>,
        %add3A_274 = arith.constant 16 : i32
        %add3A_275 = vector.broadcast %add3A_274 : i32 to vector<16xi32>
        %add3A_276 = arith.addi %add3A_275, %iota3A : vector<16xi32>
        %lt3A_277 = arith.cmpi slt, %add3A_276, %mul3A_82 : vector<16xi32>
        %get3A_278 = arith.constant 16 : index
        %get3A_279 = tpu.vector_load %arg18[%get3A_278] {strides = array<i32>} : memref<4112xi32, #tpu.memory_space<vmem>>, vector<16xi32>,
        %broadcast_in_dim3A_280 = arith.constant 1 : i32
        %broadcast_in_dim3A_281 = vector.broadcast %broadcast_in_dim3A_280 : i32 to vector<16xi32>
        %mul3A_282 = vector.broadcast %mul3A_20 : i32 to vector<16xi32>
        %mul3A_283 = arith.muli %broadcast_in_dim3A_281, %mul3A_282 : vector<16xi32>
        %select_n3A_284 = arith.select %lt3A_277, %get3A_279, %mul3A_283 : vector<16xi1>, vector<16xi32>
        %swap3A_285 = arith.constant 16 : index
        %swap3A_286 = tpu.vector_load %arg23[%swap3A_285] {strides = array<i32>} : memref<64xi32, #tpu.memory_space<vmem>>, vector<16xi32>,
        tpu.vector_store %arg23[%swap3A_285], %select_n3A_284 {strides = array<i32>} : memref<64xi32, #tpu.memory_space<vmem>>, vector<16xi32>,
        %add3A_287 = arith.constant 32 : i32
        %add3A_288 = vector.broadcast %add3A_287 : i32 to vector<16xi32>
        %add3A_289 = arith.addi %add3A_288, %iota3A : vector<16xi32>
        %lt3A_290 = arith.cmpi slt, %add3A_289, %mul3A_82 : vector<16xi32>
        %get3A_291 = arith.constant 32 : index
        %get3A_292 = tpu.vector_load %arg18[%get3A_291] {strides = array<i32>} : memref<4112xi32, #tpu.memory_space<vmem>>, vector<16xi32>,
        %broadcast_in_dim3A_293 = arith.constant 1 : i32
        %broadcast_in_dim3A_294 = vector.broadcast %broadcast_in_dim3A_293 : i32 to vector<16xi32>
        %mul3A_295 = vector.broadcast %mul3A_20 : i32 to vector<16xi32>
        %mul3A_296 = arith.muli %broadcast_in_dim3A_294, %mul3A_295 : vector<16xi32>
        %select_n3A_297 = arith.select %lt3A_290, %get3A_292, %mul3A_296 : vector<16xi1>, vector<16xi32>
        %swap3A_298 = arith.constant 32 : index
        %swap3A_299 = tpu.vector_load %arg23[%swap3A_298] {strides = array<i32>} : memref<64xi32, #tpu.memory_space<vmem>>, vector<16xi32>,
        tpu.vector_store %arg23[%swap3A_298], %select_n3A_297 {strides = array<i32>} : memref<64xi32, #tpu.memory_space<vmem>>, vector<16xi32>,
        %add3A_300 = arith.constant 48 : i32
        %add3A_301 = vector.broadcast %add3A_300 : i32 to vector<16xi32>
        %add3A_302 = arith.addi %add3A_301, %iota3A : vector<16xi32>
        %lt3A_303 = arith.cmpi slt, %add3A_302, %mul3A_82 : vector<16xi32>
        %get3A_304 = arith.constant 48 : index
        %get3A_305 = tpu.vector_load %arg18[%get3A_304] {strides = array<i32>} : memref<4112xi32, #tpu.memory_space<vmem>>, vector<16xi32>,
        %broadcast_in_dim3A_306 = arith.constant 1 : i32
        %broadcast_in_dim3A_307 = vector.broadcast %broadcast_in_dim3A_306 : i32 to vector<16xi32>
        %mul3A_308 = vector.broadcast %mul3A_20 : i32 to vector<16xi32>
        %mul3A_309 = arith.muli %broadcast_in_dim3A_307, %mul3A_308 : vector<16xi32>
        %select_n3A_310 = arith.select %lt3A_303, %get3A_305, %mul3A_309 : vector<16xi1>, vector<16xi32>
        %swap3A_311 = arith.constant 48 : index
        %swap3A_312 = tpu.vector_load %arg23[%swap3A_311] {strides = array<i32>} : memref<64xi32, #tpu.memory_space<vmem>>, vector<16xi32>,
        tpu.vector_store %arg23[%swap3A_311], %select_n3A_310 {strides = array<i32>} : memref<64xi32, #tpu.memory_space<vmem>>, vector<16xi32>,
      } else {
      }
      %gt3A_87 = arith.constant 64 : i32
      %gt3A_88 = arith.cmpi sgt, %scan3A_77, %gt3A_87 : i32
      %convert_element_type3A_89 = arith.extui %gt3A_88 : i1 to i32
      %cond3A_90 = arith.constant 0 : i32
      %cond3A_91 = arith.cmpi ne, %convert_element_type3A_89, %cond3A_90 : i32
      scf.if %cond3A_91 {
        %add3A_264 = arith.constant 15 : i32
        %add3A_265 = arith.addi %scan3A_77, %add3A_264 : i32
        %jit3A_266 = arith.constant 16 : i32
        %div3A_267 = arith.divsi %add3A_265, %jit3A_266 : i32
        %sign3A_268 = arith.constant 0 : i32
        %sign3A_269 = arith.cmpi sgt, %add3A_265, %sign3A_268 : i32
        %sign3A_270 = arith.extui %sign3A_269 : i1 to i32
        %sign3A_271 = arith.constant 0 : i32
        %sign3A_272 = arith.cmpi slt, %add3A_265, %sign3A_271 : i32
        %sign3A_273 = arith.extui %sign3A_272 : i1 to i32
        %sign3A_274 = arith.subi %sign3A_270, %sign3A_273 : i32
        %sign3A_275 = arith.constant 0 : i32
        %sign3A_276 = arith.cmpi sgt, %jit3A_266, %sign3A_275 : i32
        %sign3A_277 = arith.extui %sign3A_276 : i1 to i32
        %sign3A_278 = arith.constant 0 : i32
        %sign3A_279 = arith.cmpi slt, %jit3A_266, %sign3A_278 : i32
        %sign3A_280 = arith.extui %sign3A_279 : i1 to i32
        %sign3A_281 = arith.subi %sign3A_277, %sign3A_280 : i32
        %ne3A_282 = arith.cmpi ne, %sign3A_274, %sign3A_281 : i32
        %rem3A_283 = arith.remsi %add3A_265, %jit3A_266 : i32
        %ne3A_284 = arith.constant 0 : i32
        %ne3A_285 = arith.cmpi ne, %rem3A_283, %ne3A_284 : i32
        %and3A_286 = arith.andi %ne3A_282, %ne3A_285 : i1
        %sub3A_287 = arith.constant 1 : i32
        %sub3A_288 = arith.subi %div3A_267, %sub3A_287 : i32
        %select_n3A_289 = arith.select %and3A_286, %sub3A_288, %div3A_267 : i32
        %scan3A_290 = arith.constant 0 : i32
        %scan3A_291 = arith.constant 0 : i32
        %scan3A_292 = arith.constant 64 : i32
        %scan3A_293 = arith.addi %scan3A_291, %scan3A_292 : i32
        %scan3A_294 = arith.constant 1 : i32
        scf.for %scan3A_296 = %scan3A_291 to %scan3A_293 step %scan3A_294  : i32 {
          %while3A = arith.constant 0 : i32
          %while3A_297 = arith.constant 0x7F800000 : f32
          %while3A_298 = arith.constant 0 : i32
          %while3A_299 = arith.constant 0 : i32
          %while3A_300 = arith.subi %select_n3A_289, %while3A : i32
          %while3A_301 = arith.addi %while3A, %while3A_300 : i32
          %while3A_302 = arith.constant 1 : i32
          %while3A_303 = arith.divsi %while3A_300, %while3A_302 : i32
          %while3A_304 = arith.muli %while3A_303, %while3A_302 : i32
          %while3A_305 = arith.addi %while3A, %while3A_304 : i32
          %while3A_306 = arith.constant 1 : i32
          %while3A_307:3 = scf.for %while3A_322 = %while3A to %while3A_305 step %while3A_306 iter_args(%while3A_323 = %while3A_297, %while3A_324 = %while3A_298, %while3A_325 = %while3A_299) -> (f32, i32, i32)  : i32 {
            %mul3A_326 = arith.constant 16 : i32
            %mul3A_327 = arith.muli %while3A_322, %mul3A_326 : i32
            %get3A = arith.index_cast %mul3A_327 : i32 to index
            %get3A_328 = tpu.vector_load %arg17[%get3A] {strides = array<i32>} : memref<4112xf32, #tpu.memory_space<vmem>>, vector<16xf32>,
            %mul3A_329 = arith.constant 16 : i32
            %mul3A_330 = arith.muli %while3A_322, %mul3A_329 : i32
            %add3A_331 = vector.broadcast %mul3A_330 : i32 to vector<16xi32>
            %add3A_332 = arith.addi %add3A_331, %iota3A : vector<16xi32>
            %lt3A = arith.cmpi slt, %add3A_332, %mul3A_82 : vector<16xi32>
            %select_n3A_333 = arith.select %lt3A, %get3A_328, %broadcast_in_dim3A_21 : vector<16xi1>, vector<16xf32>
            %reduce_min3A = arith.constant true
            %reduce_min3A_334 = vector.broadcast %reduce_min3A : i1 to vector<16xi1>
            %reduce_min3A_335 = tpu.scan <min>, %select_n3A_333 masked %reduce_min3A_334 : vector<16xf32>, vector<16xi1> -> vector<16xf32>
            %reduce_min3A_336 = vector.extract %reduce_min3A_335[15] : f32 from vector<16xf32>
            %eq3A_337 = vector.broadcast %reduce_min3A_336 : f32 to vector<16xf32>
            %eq3A_338 = arith.cmpf oeq, %select_n3A_333, %eq3A_337 : vector<16xf32>
            %all_reduce_ffs3A = tpu.all_reduce %eq3A_338 {dim = 0 : i64, kind = #tpu.reduction_kind<find_first_set>} : vector<16xi1> -> vector<16xi32>
            %reduce_max3A = arith.constant true
            %reduce_max3A_339 = vector.broadcast %reduce_max3A : i1 to vector<16xi1>
            %reduce_max3A_340 = arith.constant -2147483648 : i32
            %reduce_max3A_341 = vector.broadcast %reduce_max3A_340 : i32 to vector<16xi32>
            %reduce_max3A_342 = arith.xori %all_reduce_ffs3A, %reduce_max3A_341 : vector<16xi32>
            %reduce_max3A_343 = tpu.scan <max>, %reduce_max3A_342 masked %reduce_max3A_339 : vector<16xi32>, vector<16xi1> -> vector<16xi32>
            %reduce_max3A_344 = arith.xori %reduce_max3A_343, %reduce_max3A_341 : vector<16xi32>
            %reduce_max3A_345 = vector.extract %reduce_max3A_344[15] : i32 from vector<16xi32>
            %lt3A_346 = arith.cmpf olt, %reduce_min3A_336, %while3A_323 : f32
            %select_n3A_347 = arith.select %lt3A_346, %reduce_min3A_336, %while3A_323 : f32
            %select_n3A_348 = arith.select %lt3A_346, %while3A_322, %while3A_324 : i32
            %select_n3A_349 = arith.select %lt3A_346, %reduce_max3A_345, %while3A_325 : i32
            scf.yield %select_n3A_347, %select_n3A_348, %select_n3A_349 : f32, i32, i32
          }
          %while3A_308 = arith.constant 1 : i32
          %while3A_309:3 = scf.for %while3A_322 = %while3A_305 to %while3A_301 step %while3A_308 iter_args(%while3A_323 = %while3A_307#0, %while3A_324 = %while3A_307#1, %while3A_325 = %while3A_307#2) -> (f32, i32, i32)  : i32 {
            %mul3A_326 = arith.constant 16 : i32
            %mul3A_327 = arith.muli %while3A_322, %mul3A_326 : i32
            %get3A = arith.index_cast %mul3A_327 : i32 to index
            %get3A_328 = tpu.vector_load %arg17[%get3A] {strides = array<i32>} : memref<4112xf32, #tpu.memory_space<vmem>>, vector<16xf32>,
            %mul3A_329 = arith.constant 16 : i32
            %mul3A_330 = arith.muli %while3A_322, %mul3A_329 : i32
            %add3A_331 = vector.broadcast %mul3A_330 : i32 to vector<16xi32>
            %add3A_332 = arith.addi %add3A_331, %iota3A : vector<16xi32>
            %lt3A = arith.cmpi slt, %add3A_332, %mul3A_82 : vector<16xi32>
            %select_n3A_333 = arith.select %lt3A, %get3A_328, %broadcast_in_dim3A_21 : vector<16xi1>, vector<16xf32>
            %reduce_min3A = arith.constant true
            %reduce_min3A_334 = vector.broadcast %reduce_min3A : i1 to vector<16xi1>
            %reduce_min3A_335 = tpu.scan <min>, %select_n3A_333 masked %reduce_min3A_334 : vector<16xf32>, vector<16xi1> -> vector<16xf32>
            %reduce_min3A_336 = vector.extract %reduce_min3A_335[15] : f32 from vector<16xf32>
            %eq3A_337 = vector.broadcast %reduce_min3A_336 : f32 to vector<16xf32>
            %eq3A_338 = arith.cmpf oeq, %select_n3A_333, %eq3A_337 : vector<16xf32>
            %all_reduce_ffs3A = tpu.all_reduce %eq3A_338 {dim = 0 : i64, kind = #tpu.reduction_kind<find_first_set>} : vector<16xi1> -> vector<16xi32>
            %reduce_max3A = arith.constant true
            %reduce_max3A_339 = vector.broadcast %reduce_max3A : i1 to vector<16xi1>
            %reduce_max3A_340 = arith.constant -2147483648 : i32
            %reduce_max3A_341 = vector.broadcast %reduce_max3A_340 : i32 to vector<16xi32>
            %reduce_max3A_342 = arith.xori %all_reduce_ffs3A, %reduce_max3A_341 : vector<16xi32>
            %reduce_max3A_343 = tpu.scan <max>, %reduce_max3A_342 masked %reduce_max3A_339 : vector<16xi32>, vector<16xi1> -> vector<16xi32>
            %reduce_max3A_344 = arith.xori %reduce_max3A_343, %reduce_max3A_341 : vector<16xi32>
            %reduce_max3A_345 = vector.extract %reduce_max3A_344[15] : i32 from vector<16xi32>
            %lt3A_346 = arith.cmpf olt, %reduce_min3A_336, %while3A_323 : f32
            %select_n3A_347 = arith.select %lt3A_346, %reduce_min3A_336, %while3A_323 : f32
            %select_n3A_348 = arith.select %lt3A_346, %while3A_322, %while3A_324 : i32
            %select_n3A_349 = arith.select %lt3A_346, %reduce_max3A_345, %while3A_325 : i32
            scf.yield %select_n3A_347, %select_n3A_348, %select_n3A_349 : f32, i32, i32
          }
          %mul3A_310 = arith.constant 16 : i32
          %mul3A_311 = arith.muli %while3A_309#1, %mul3A_310 : i32
          %add3A_312 = arith.addi %mul3A_311, %while3A_309#2 : i32
          %broadcast_in_dim3A_313 = arith.constant 1 : i32
          %broadcast_in_dim3A_314 = vector.broadcast %broadcast_in_dim3A_313 : i32 to vector<16xi32>
          %mul3A_315 = vector.broadcast %add3A_312 : i32 to vector<16xi32>
          %mul3A_316 = arith.muli %broadcast_in_dim3A_314, %mul3A_315 : vector<16xi32>
          %gather3A_317 = tpu.vector_load_idx %arg18[%mul3A_316] : memref<4112xi32, #tpu.memory_space<vmem>>[vector<16xi32>], vector<16xi32>,
          %broadcast_in_dim3A_318 = arith.constant 1 : i32
          %broadcast_in_dim3A_319 = vector.broadcast %broadcast_in_dim3A_318 : i32 to vector<16xi32>
          %mul3A_320 = vector.broadcast %scan3A_296 : i32 to vector<16xi32>
          %mul3A_321 = arith.muli %broadcast_in_dim3A_319, %mul3A_320 : vector<16xi32>
          tpu.vector_store_idx %arg23[%mul3A_321], %gather3A_317 masked %eq3A_23 : memref<64xi32, #tpu.memory_space<vmem>>[vector<16xi32>], vector<16xi32>, vector<16xi1>
          tpu.vector_store_idx %arg17[%mul3A_316], %broadcast_in_dim3A_21 masked %eq3A_23 : memref<4112xf32, #tpu.memory_space<vmem>>[vector<16xi32>], vector<16xf32>, vector<16xi1>
        }
        %scan3A_295 = arith.constant 64 : i32
      } else {
      }
      %min3A = arith.constant 64 : i32
      %min3A_92 = vector.broadcast %min3A : i32 to vector<16xi32>
      %min3A_93 = arith.minsi %mul3A_82, %min3A_92 : vector<16xi32>
      tpu.vector_store_idx %arg27[%broadcast_in_dim3A_69], %min3A_93 masked %eq3A_23 : memref<128xi32, #tpu.memory_space<vmem>>[vector<16xi32>], vector<16xi32>, vector<16xi1>
      %dma_start3A_94 = arith.constant 0 : i32
      %dma_start3A_95 = arith.constant 0 : i32
      %dma_start3A_96 = tpu.memref_slice %arg8[%dma_start3A_94, %dma_start3A_95] : memref<16384x128xf32, #tpu.memory_space<hbm>> -> memref<16384x128xf32, #tpu.memory_space<hbm>>
      tpu.enqueue_indirect_dma source(%dma_start3A_96 : memref<16384x128xf32, #tpu.memory_space<hbm>>) target(%arg19 : memref<64x128xf32, #tpu.memory_space<vmem>>) offsets(%arg23 : memref<64xi32, #tpu.memory_space<vmem>>) semaphore(%arg28 : memref<!tpu.dma_semaphore, #tpu.memory_space<semaphore_mem>>)
      %gt3A_97 = arith.constant 0 : i32
      %gt3A_98 = arith.cmpi sgt, %scan3A_62, %gt3A_97 : i32
      %convert_element_type3A_99 = arith.extui %gt3A_98 : i1 to i32
      %cond3A_100 = arith.constant 0 : i32
      %cond3A_101 = arith.cmpi ne, %convert_element_type3A_99, %cond3A_100 : i32
      scf.if %cond3A_101 {
        %sub3A_264 = arith.constant 1 : i32
        %sub3A_265 = arith.subi %add3A_66, %sub3A_264 : i32
        %dma_wait3A_266 = arith.constant 0 : i32
        %dma_wait3A_267 = arith.constant 0 : i32
        %dma_wait3A_268 = tpu.memref_slice %arg8[%dma_wait3A_266, %dma_wait3A_267] : memref<16384x128xf32, #tpu.memory_space<hbm>> -> memref<16384x128xf32, #tpu.memory_space<hbm>>
        tpu.wait_indirect_dma semaphore(%arg31 : memref<!tpu.dma_semaphore, #tpu.memory_space<semaphore_mem>>) src(%dma_wait3A_268 : memref<16384x128xf32, #tpu.memory_space<hbm>>) dst(%arg22 : memref<64x128xf32, #tpu.memory_space<vmem>>)
        %sub3A_269 = arith.constant 1 : i32
        %sub3A_270 = arith.subi %add3A_66, %sub3A_269 : i32
        %mul3A_271 = arith.constant 64 : i32
        %mul3A_272 = arith.muli %sub3A_270, %mul3A_271 : i32
        %add3A_273 = arith.addi %mul3A_25, %mul3A_272 : i32
        %dma_start3A_274 = arith.constant 0 : i32
        %dma_start3A_275 = tpu.memref_slice %arg9[%add3A_273, %dma_start3A_274] : memref<262144x128xf32, #tpu.memory_space<hbm>> -> memref<64x128xf32, #tpu.memory_space<hbm>>
        %dma_start3A_276 = arith.constant 0 : i32
        %dma_start3A_277 = tpu.memref_slice %arg9[%add3A_273, %dma_start3A_276] : memref<262144x128xf32, #tpu.memory_space<hbm>> -> memref<64x128xf32, #tpu.memory_space<hbm>>
        tpu.enqueue_dma source(%arg22 : memref<64x128xf32, #tpu.memory_space<vmem>>) target(%dma_start3A_277 : memref<64x128xf32, #tpu.memory_space<hbm>>) target_semaphore(%arg35 : memref<!tpu.dma_semaphore, #tpu.memory_space<semaphore_mem>>)
      } else {
      }
      %mul3A_102 = arith.constant 4 : i32
      %mul3A_103 = arith.muli %scan3A_62, %mul3A_102 : i32
      %add3A_104 = arith.constant 1 : i32
      %add3A_105 = arith.addi %mul3A_103, %add3A_104 : i32
      %gt3A_106 = arith.constant 0 : i32
      %gt3A_107 = arith.cmpi sgt, %scan3A_62, %gt3A_106 : i32
      %convert_element_type3A_108 = arith.extui %gt3A_107 : i1 to i32
      %cond3A_109 = arith.constant 0 : i32
      %cond3A_110 = arith.cmpi ne, %convert_element_type3A_108, %cond3A_109 : i32
      scf.if %cond3A_110 {
        %sub3A_264 = arith.constant 4 : i32
        %sub3A_265 = arith.subi %add3A_105, %sub3A_264 : i32
        %mul3A_266 = arith.constant 64 : i32
        %mul3A_267 = arith.muli %sub3A_265, %mul3A_266 : i32
        %add3A_268 = arith.addi %mul3A_25, %mul3A_267 : i32
        %dma_wait3A_269 = arith.constant 0 : i32
        %dma_wait3A_270 = tpu.memref_slice %arg9[%add3A_268, %dma_wait3A_269] : memref<262144x128xf32, #tpu.memory_space<hbm>> -> memref<64x128xf32, #tpu.memory_space<hbm>>
        %dma_wait3A_271 = arith.constant 0 : i32
        %dma_wait3A_272 = tpu.memref_slice %arg9[%add3A_268, %dma_wait3A_271] : memref<262144x128xf32, #tpu.memory_space<hbm>> -> memref<64x128xf32, #tpu.memory_space<hbm>>
        tpu.wait_dma2 semaphore(%arg33 : memref<!tpu.dma_semaphore, #tpu.memory_space<semaphore_mem>>) src(%arg20 : memref<64x128xf32, #tpu.memory_space<vmem>>) dst(%dma_wait3A_272 : memref<64x128xf32, #tpu.memory_space<hbm>>)
      } else {
      }
      %broadcast_in_dim3A_111 = vector.broadcast %add3A_105 : i32 to vector<16xi32>
      %gather3A_112 = tpu.vector_load_idx %arg14[%broadcast_in_dim3A_111] : memref<128xf32, #tpu.memory_space<vmem>>[vector<16xi32>], vector<16xf32>,
      %gather3A_113 = tpu.vector_load_idx %arg15[%broadcast_in_dim3A_111] : memref<128xf32, #tpu.memory_space<vmem>>[vector<16xi32>], vector<16xf32>,
      %gather3A_114 = tpu.vector_load_idx %arg16[%broadcast_in_dim3A_111] : memref<128xf32, #tpu.memory_space<vmem>>[vector<16xi32>], vector<16xf32>,
      %scan3A_115 = arith.constant 0 : i32
      %scan3A_116 = arith.constant 0 : i32
      %scan3A_117 = arith.constant 256 : i32
      %scan3A_118 = arith.addi %scan3A_116, %scan3A_117 : i32
      %scan3A_119 = arith.constant 1 : i32
      %scan3A_120 = scf.for %scan3A_264 = %scan3A_116 to %scan3A_118 step %scan3A_119 iter_args(%scan3A_265 = %scan3A_115) -> (i32)  : i32 {
        %mul3A_266 = arith.constant 16 : i32
        %mul3A_267 = arith.muli %scan3A_264, %mul3A_266 : i32
        %get3A = arith.index_cast %mul3A_267 : i32 to index
        %get3A_268 = tpu.vector_load %arg11[%get3A] {strides = array<i32>} : memref<4096xf32, #tpu.memory_space<vmem>>, vector<16xf32>,
        %sub3A_269 = arith.subf %get3A_268, %gather3A_112 : vector<16xf32>
        %get3A_270 = arith.index_cast %mul3A_267 : i32 to index
        %get3A_271 = tpu.vector_load %arg12[%get3A_270] {strides = array<i32>} : memref<4096xf32, #tpu.memory_space<vmem>>, vector<16xf32>,
        %sub3A_272 = arith.subf %get3A_271, %gather3A_113 : vector<16xf32>
        %get3A_273 = arith.index_cast %mul3A_267 : i32 to index
        %get3A_274 = tpu.vector_load %arg13[%get3A_273] {strides = array<i32>} : memref<4096xf32, #tpu.memory_space<vmem>>, vector<16xf32>,
        %sub3A_275 = arith.subf %get3A_274, %gather3A_114 : vector<16xf32>
        %mul3A_276 = arith.mulf %sub3A_269, %sub3A_269 : vector<16xf32>
        %mul3A_277 = arith.mulf %sub3A_272, %sub3A_272 : vector<16xf32>
        %add3A_278 = arith.addf %mul3A_276, %mul3A_277 : vector<16xf32>
        %mul3A_279 = arith.mulf %sub3A_275, %sub3A_275 : vector<16xf32>
        %add3A_280 = arith.addf %add3A_278, %mul3A_279 : vector<16xf32>
        %le3A_281 = arith.constant 2.250000e-02 : f32
        %le3A_282 = vector.broadcast %le3A_281 : f32 to vector<16xf32>
        %le3A_283 = arith.cmpf ole, %add3A_280, %le3A_282 : vector<16xf32>
        %swap3A = arith.index_cast %scan3A_265 : i32 to index
        %swap3A_284 = tpu.vector_load %arg17[%swap3A] masked %le3A_283 {strides = array<i32>} : memref<4112xf32, #tpu.memory_space<vmem>>, vector<16xf32>, vector<16xi1>
        tpu.vector_store %arg17[%swap3A], %add3A_280 masked %le3A_283 {strides = array<i32>} : memref<4112xf32, #tpu.memory_space<vmem>>, vector<16xf32>, vector<16xi1>
        %add3A_285 = arith.addi %mul3A_267, %mul3A_20 : i32
        %add3A_286 = vector.broadcast %add3A_285 : i32 to vector<16xi32>
        %add3A_287 = arith.addi %add3A_286, %iota3A : vector<16xi32>
        %swap3A_288 = arith.index_cast %scan3A_265 : i32 to index
        %swap3A_289 = tpu.vector_load %arg18[%swap3A_288] masked %le3A_283 {strides = array<i32>} : memref<4112xi32, #tpu.memory_space<vmem>>, vector<16xi32>, vector<16xi1>
        tpu.vector_store %arg18[%swap3A_288], %add3A_287 masked %le3A_283 {strides = array<i32>} : memref<4112xi32, #tpu.memory_space<vmem>>, vector<16xi32>, vector<16xi1>
        %all_reduce_population_count3A = tpu.all_reduce %le3A_283 {dim = 0 : i64, kind = #tpu.reduction_kind<sum>} : vector<16xi1> -> vector<16xi32>
        %reduce_max3A = arith.constant true
        %reduce_max3A_290 = vector.broadcast %reduce_max3A : i1 to vector<16xi1>
        %reduce_max3A_291 = arith.constant -2147483648 : i32
        %reduce_max3A_292 = vector.broadcast %reduce_max3A_291 : i32 to vector<16xi32>
        %reduce_max3A_293 = arith.xori %all_reduce_population_count3A, %reduce_max3A_292 : vector<16xi32>
        %reduce_max3A_294 = tpu.scan <max>, %reduce_max3A_293 masked %reduce_max3A_290 : vector<16xi32>, vector<16xi1> -> vector<16xi32>
        %reduce_max3A_295 = arith.xori %reduce_max3A_294, %reduce_max3A_292 : vector<16xi32>
        %reduce_max3A_296 = vector.extract %reduce_max3A_295[15] : i32 from vector<16xi32>
        %add3A_297 = arith.addi %scan3A_265, %reduce_max3A_296 : i32
        scf.yield %add3A_297 : i32
      }
      %scan3A_121 = arith.constant 256 : i32
      %broadcast_in_dim3A_122 = arith.constant 1 : i32
      %broadcast_in_dim3A_123 = vector.broadcast %broadcast_in_dim3A_122 : i32 to vector<16xi32>
      %mul3A_124 = vector.broadcast %scan3A_120 : i32 to vector<16xi32>
      %mul3A_125 = arith.muli %broadcast_in_dim3A_123, %mul3A_124 : vector<16xi32>
      %le3A_126 = arith.constant 64 : i32
      %le3A_127 = arith.cmpi sle, %scan3A_120, %le3A_126 : i32
      %convert_element_type3A_128 = arith.extui %le3A_127 : i1 to i32
      %cond3A_129 = arith.constant 0 : i32
      %cond3A_130 = arith.cmpi ne, %convert_element_type3A_128, %cond3A_129 : i32
      scf.if %cond3A_130 {
        %add3A_264 = arith.constant 0 : i32
        %add3A_265 = vector.broadcast %add3A_264 : i32 to vector<16xi32>
        %add3A_266 = arith.addi %add3A_265, %iota3A : vector<16xi32>
        %lt3A = arith.cmpi slt, %add3A_266, %mul3A_125 : vector<16xi32>
        %get3A = arith.constant 0 : index
        %get3A_267 = tpu.vector_load %arg18[%get3A] {strides = array<i32>} : memref<4112xi32, #tpu.memory_space<vmem>>, vector<16xi32>,
        %broadcast_in_dim3A_268 = arith.constant 1 : i32
        %broadcast_in_dim3A_269 = vector.broadcast %broadcast_in_dim3A_268 : i32 to vector<16xi32>
        %mul3A_270 = vector.broadcast %mul3A_20 : i32 to vector<16xi32>
        %mul3A_271 = arith.muli %broadcast_in_dim3A_269, %mul3A_270 : vector<16xi32>
        %select_n3A_272 = arith.select %lt3A, %get3A_267, %mul3A_271 : vector<16xi1>, vector<16xi32>
        %swap3A = arith.constant 0 : index
        %swap3A_273 = tpu.vector_load %arg24[%swap3A] {strides = array<i32>} : memref<64xi32, #tpu.memory_space<vmem>>, vector<16xi32>,
        tpu.vector_store %arg24[%swap3A], %select_n3A_272 {strides = array<i32>} : memref<64xi32, #tpu.memory_space<vmem>>, vector<16xi32>,
        %add3A_274 = arith.constant 16 : i32
        %add3A_275 = vector.broadcast %add3A_274 : i32 to vector<16xi32>
        %add3A_276 = arith.addi %add3A_275, %iota3A : vector<16xi32>
        %lt3A_277 = arith.cmpi slt, %add3A_276, %mul3A_125 : vector<16xi32>
        %get3A_278 = arith.constant 16 : index
        %get3A_279 = tpu.vector_load %arg18[%get3A_278] {strides = array<i32>} : memref<4112xi32, #tpu.memory_space<vmem>>, vector<16xi32>,
        %broadcast_in_dim3A_280 = arith.constant 1 : i32
        %broadcast_in_dim3A_281 = vector.broadcast %broadcast_in_dim3A_280 : i32 to vector<16xi32>
        %mul3A_282 = vector.broadcast %mul3A_20 : i32 to vector<16xi32>
        %mul3A_283 = arith.muli %broadcast_in_dim3A_281, %mul3A_282 : vector<16xi32>
        %select_n3A_284 = arith.select %lt3A_277, %get3A_279, %mul3A_283 : vector<16xi1>, vector<16xi32>
        %swap3A_285 = arith.constant 16 : index
        %swap3A_286 = tpu.vector_load %arg24[%swap3A_285] {strides = array<i32>} : memref<64xi32, #tpu.memory_space<vmem>>, vector<16xi32>,
        tpu.vector_store %arg24[%swap3A_285], %select_n3A_284 {strides = array<i32>} : memref<64xi32, #tpu.memory_space<vmem>>, vector<16xi32>,
        %add3A_287 = arith.constant 32 : i32
        %add3A_288 = vector.broadcast %add3A_287 : i32 to vector<16xi32>
        %add3A_289 = arith.addi %add3A_288, %iota3A : vector<16xi32>
        %lt3A_290 = arith.cmpi slt, %add3A_289, %mul3A_125 : vector<16xi32>
        %get3A_291 = arith.constant 32 : index
        %get3A_292 = tpu.vector_load %arg18[%get3A_291] {strides = array<i32>} : memref<4112xi32, #tpu.memory_space<vmem>>, vector<16xi32>,
        %broadcast_in_dim3A_293 = arith.constant 1 : i32
        %broadcast_in_dim3A_294 = vector.broadcast %broadcast_in_dim3A_293 : i32 to vector<16xi32>
        %mul3A_295 = vector.broadcast %mul3A_20 : i32 to vector<16xi32>
        %mul3A_296 = arith.muli %broadcast_in_dim3A_294, %mul3A_295 : vector<16xi32>
        %select_n3A_297 = arith.select %lt3A_290, %get3A_292, %mul3A_296 : vector<16xi1>, vector<16xi32>
        %swap3A_298 = arith.constant 32 : index
        %swap3A_299 = tpu.vector_load %arg24[%swap3A_298] {strides = array<i32>} : memref<64xi32, #tpu.memory_space<vmem>>, vector<16xi32>,
        tpu.vector_store %arg24[%swap3A_298], %select_n3A_297 {strides = array<i32>} : memref<64xi32, #tpu.memory_space<vmem>>, vector<16xi32>,
        %add3A_300 = arith.constant 48 : i32
        %add3A_301 = vector.broadcast %add3A_300 : i32 to vector<16xi32>
        %add3A_302 = arith.addi %add3A_301, %iota3A : vector<16xi32>
        %lt3A_303 = arith.cmpi slt, %add3A_302, %mul3A_125 : vector<16xi32>
        %get3A_304 = arith.constant 48 : index
        %get3A_305 = tpu.vector_load %arg18[%get3A_304] {strides = array<i32>} : memref<4112xi32, #tpu.memory_space<vmem>>, vector<16xi32>,
        %broadcast_in_dim3A_306 = arith.constant 1 : i32
        %broadcast_in_dim3A_307 = vector.broadcast %broadcast_in_dim3A_306 : i32 to vector<16xi32>
        %mul3A_308 = vector.broadcast %mul3A_20 : i32 to vector<16xi32>
        %mul3A_309 = arith.muli %broadcast_in_dim3A_307, %mul3A_308 : vector<16xi32>
        %select_n3A_310 = arith.select %lt3A_303, %get3A_305, %mul3A_309 : vector<16xi1>, vector<16xi32>
        %swap3A_311 = arith.constant 48 : index
        %swap3A_312 = tpu.vector_load %arg24[%swap3A_311] {strides = array<i32>} : memref<64xi32, #tpu.memory_space<vmem>>, vector<16xi32>,
        tpu.vector_store %arg24[%swap3A_311], %select_n3A_310 {strides = array<i32>} : memref<64xi32, #tpu.memory_space<vmem>>, vector<16xi32>,
      } else {
      }
      %gt3A_131 = arith.constant 64 : i32
      %gt3A_132 = arith.cmpi sgt, %scan3A_120, %gt3A_131 : i32
      %convert_element_type3A_133 = arith.extui %gt3A_132 : i1 to i32
      %cond3A_134 = arith.constant 0 : i32
      %cond3A_135 = arith.cmpi ne, %convert_element_type3A_133, %cond3A_134 : i32
      scf.if %cond3A_135 {
        %add3A_264 = arith.constant 15 : i32
        %add3A_265 = arith.addi %scan3A_120, %add3A_264 : i32
        %jit3A_266 = arith.constant 16 : i32
        %div3A_267 = arith.divsi %add3A_265, %jit3A_266 : i32
        %sign3A_268 = arith.constant 0 : i32
        %sign3A_269 = arith.cmpi sgt, %add3A_265, %sign3A_268 : i32
        %sign3A_270 = arith.extui %sign3A_269 : i1 to i32
        %sign3A_271 = arith.constant 0 : i32
        %sign3A_272 = arith.cmpi slt, %add3A_265, %sign3A_271 : i32
        %sign3A_273 = arith.extui %sign3A_272 : i1 to i32
        %sign3A_274 = arith.subi %sign3A_270, %sign3A_273 : i32
        %sign3A_275 = arith.constant 0 : i32
        %sign3A_276 = arith.cmpi sgt, %jit3A_266, %sign3A_275 : i32
        %sign3A_277 = arith.extui %sign3A_276 : i1 to i32
        %sign3A_278 = arith.constant 0 : i32
        %sign3A_279 = arith.cmpi slt, %jit3A_266, %sign3A_278 : i32
        %sign3A_280 = arith.extui %sign3A_279 : i1 to i32
        %sign3A_281 = arith.subi %sign3A_277, %sign3A_280 : i32
        %ne3A_282 = arith.cmpi ne, %sign3A_274, %sign3A_281 : i32
        %rem3A_283 = arith.remsi %add3A_265, %jit3A_266 : i32
        %ne3A_284 = arith.constant 0 : i32
        %ne3A_285 = arith.cmpi ne, %rem3A_283, %ne3A_284 : i32
        %and3A_286 = arith.andi %ne3A_282, %ne3A_285 : i1
        %sub3A_287 = arith.constant 1 : i32
        %sub3A_288 = arith.subi %div3A_267, %sub3A_287 : i32
        %select_n3A_289 = arith.select %and3A_286, %sub3A_288, %div3A_267 : i32
        %scan3A_290 = arith.constant 0 : i32
        %scan3A_291 = arith.constant 0 : i32
        %scan3A_292 = arith.constant 64 : i32
        %scan3A_293 = arith.addi %scan3A_291, %scan3A_292 : i32
        %scan3A_294 = arith.constant 1 : i32
        scf.for %scan3A_296 = %scan3A_291 to %scan3A_293 step %scan3A_294  : i32 {
          %while3A = arith.constant 0 : i32
          %while3A_297 = arith.constant 0x7F800000 : f32
          %while3A_298 = arith.constant 0 : i32
          %while3A_299 = arith.constant 0 : i32
          %while3A_300 = arith.subi %select_n3A_289, %while3A : i32
          %while3A_301 = arith.addi %while3A, %while3A_300 : i32
          %while3A_302 = arith.constant 1 : i32
          %while3A_303 = arith.divsi %while3A_300, %while3A_302 : i32
          %while3A_304 = arith.muli %while3A_303, %while3A_302 : i32
          %while3A_305 = arith.addi %while3A, %while3A_304 : i32
          %while3A_306 = arith.constant 1 : i32
          %while3A_307:3 = scf.for %while3A_322 = %while3A to %while3A_305 step %while3A_306 iter_args(%while3A_323 = %while3A_297, %while3A_324 = %while3A_298, %while3A_325 = %while3A_299) -> (f32, i32, i32)  : i32 {
            %mul3A_326 = arith.constant 16 : i32
            %mul3A_327 = arith.muli %while3A_322, %mul3A_326 : i32
            %get3A = arith.index_cast %mul3A_327 : i32 to index
            %get3A_328 = tpu.vector_load %arg17[%get3A] {strides = array<i32>} : memref<4112xf32, #tpu.memory_space<vmem>>, vector<16xf32>,
            %mul3A_329 = arith.constant 16 : i32
            %mul3A_330 = arith.muli %while3A_322, %mul3A_329 : i32
            %add3A_331 = vector.broadcast %mul3A_330 : i32 to vector<16xi32>
            %add3A_332 = arith.addi %add3A_331, %iota3A : vector<16xi32>
            %lt3A = arith.cmpi slt, %add3A_332, %mul3A_125 : vector<16xi32>
            %select_n3A_333 = arith.select %lt3A, %get3A_328, %broadcast_in_dim3A_21 : vector<16xi1>, vector<16xf32>
            %reduce_min3A = arith.constant true
            %reduce_min3A_334 = vector.broadcast %reduce_min3A : i1 to vector<16xi1>
            %reduce_min3A_335 = tpu.scan <min>, %select_n3A_333 masked %reduce_min3A_334 : vector<16xf32>, vector<16xi1> -> vector<16xf32>
            %reduce_min3A_336 = vector.extract %reduce_min3A_335[15] : f32 from vector<16xf32>
            %eq3A_337 = vector.broadcast %reduce_min3A_336 : f32 to vector<16xf32>
            %eq3A_338 = arith.cmpf oeq, %select_n3A_333, %eq3A_337 : vector<16xf32>
            %all_reduce_ffs3A = tpu.all_reduce %eq3A_338 {dim = 0 : i64, kind = #tpu.reduction_kind<find_first_set>} : vector<16xi1> -> vector<16xi32>
            %reduce_max3A = arith.constant true
            %reduce_max3A_339 = vector.broadcast %reduce_max3A : i1 to vector<16xi1>
            %reduce_max3A_340 = arith.constant -2147483648 : i32
            %reduce_max3A_341 = vector.broadcast %reduce_max3A_340 : i32 to vector<16xi32>
            %reduce_max3A_342 = arith.xori %all_reduce_ffs3A, %reduce_max3A_341 : vector<16xi32>
            %reduce_max3A_343 = tpu.scan <max>, %reduce_max3A_342 masked %reduce_max3A_339 : vector<16xi32>, vector<16xi1> -> vector<16xi32>
            %reduce_max3A_344 = arith.xori %reduce_max3A_343, %reduce_max3A_341 : vector<16xi32>
            %reduce_max3A_345 = vector.extract %reduce_max3A_344[15] : i32 from vector<16xi32>
            %lt3A_346 = arith.cmpf olt, %reduce_min3A_336, %while3A_323 : f32
            %select_n3A_347 = arith.select %lt3A_346, %reduce_min3A_336, %while3A_323 : f32
            %select_n3A_348 = arith.select %lt3A_346, %while3A_322, %while3A_324 : i32
            %select_n3A_349 = arith.select %lt3A_346, %reduce_max3A_345, %while3A_325 : i32
            scf.yield %select_n3A_347, %select_n3A_348, %select_n3A_349 : f32, i32, i32
          }
          %while3A_308 = arith.constant 1 : i32
          %while3A_309:3 = scf.for %while3A_322 = %while3A_305 to %while3A_301 step %while3A_308 iter_args(%while3A_323 = %while3A_307#0, %while3A_324 = %while3A_307#1, %while3A_325 = %while3A_307#2) -> (f32, i32, i32)  : i32 {
            %mul3A_326 = arith.constant 16 : i32
            %mul3A_327 = arith.muli %while3A_322, %mul3A_326 : i32
            %get3A = arith.index_cast %mul3A_327 : i32 to index
            %get3A_328 = tpu.vector_load %arg17[%get3A] {strides = array<i32>} : memref<4112xf32, #tpu.memory_space<vmem>>, vector<16xf32>,
            %mul3A_329 = arith.constant 16 : i32
            %mul3A_330 = arith.muli %while3A_322, %mul3A_329 : i32
            %add3A_331 = vector.broadcast %mul3A_330 : i32 to vector<16xi32>
            %add3A_332 = arith.addi %add3A_331, %iota3A : vector<16xi32>
            %lt3A = arith.cmpi slt, %add3A_332, %mul3A_125 : vector<16xi32>
            %select_n3A_333 = arith.select %lt3A, %get3A_328, %broadcast_in_dim3A_21 : vector<16xi1>, vector<16xf32>
            %reduce_min3A = arith.constant true
            %reduce_min3A_334 = vector.broadcast %reduce_min3A : i1 to vector<16xi1>
            %reduce_min3A_335 = tpu.scan <min>, %select_n3A_333 masked %reduce_min3A_334 : vector<16xf32>, vector<16xi1> -> vector<16xf32>
            %reduce_min3A_336 = vector.extract %reduce_min3A_335[15] : f32 from vector<16xf32>
            %eq3A_337 = vector.broadcast %reduce_min3A_336 : f32 to vector<16xf32>
            %eq3A_338 = arith.cmpf oeq, %select_n3A_333, %eq3A_337 : vector<16xf32>
            %all_reduce_ffs3A = tpu.all_reduce %eq3A_338 {dim = 0 : i64, kind = #tpu.reduction_kind<find_first_set>} : vector<16xi1> -> vector<16xi32>
            %reduce_max3A = arith.constant true
            %reduce_max3A_339 = vector.broadcast %reduce_max3A : i1 to vector<16xi1>
            %reduce_max3A_340 = arith.constant -2147483648 : i32
            %reduce_max3A_341 = vector.broadcast %reduce_max3A_340 : i32 to vector<16xi32>
            %reduce_max3A_342 = arith.xori %all_reduce_ffs3A, %reduce_max3A_341 : vector<16xi32>
            %reduce_max3A_343 = tpu.scan <max>, %reduce_max3A_342 masked %reduce_max3A_339 : vector<16xi32>, vector<16xi1> -> vector<16xi32>
            %reduce_max3A_344 = arith.xori %reduce_max3A_343, %reduce_max3A_341 : vector<16xi32>
            %reduce_max3A_345 = vector.extract %reduce_max3A_344[15] : i32 from vector<16xi32>
            %lt3A_346 = arith.cmpf olt, %reduce_min3A_336, %while3A_323 : f32
            %select_n3A_347 = arith.select %lt3A_346, %reduce_min3A_336, %while3A_323 : f32
            %select_n3A_348 = arith.select %lt3A_346, %while3A_322, %while3A_324 : i32
            %select_n3A_349 = arith.select %lt3A_346, %reduce_max3A_345, %while3A_325 : i32
            scf.yield %select_n3A_347, %select_n3A_348, %select_n3A_349 : f32, i32, i32
          }
          %mul3A_310 = arith.constant 16 : i32
          %mul3A_311 = arith.muli %while3A_309#1, %mul3A_310 : i32
          %add3A_312 = arith.addi %mul3A_311, %while3A_309#2 : i32
          %broadcast_in_dim3A_313 = arith.constant 1 : i32
          %broadcast_in_dim3A_314 = vector.broadcast %broadcast_in_dim3A_313 : i32 to vector<16xi32>
          %mul3A_315 = vector.broadcast %add3A_312 : i32 to vector<16xi32>
          %mul3A_316 = arith.muli %broadcast_in_dim3A_314, %mul3A_315 : vector<16xi32>
          %gather3A_317 = tpu.vector_load_idx %arg18[%mul3A_316] : memref<4112xi32, #tpu.memory_space<vmem>>[vector<16xi32>], vector<16xi32>,
          %broadcast_in_dim3A_318 = arith.constant 1 : i32
          %broadcast_in_dim3A_319 = vector.broadcast %broadcast_in_dim3A_318 : i32 to vector<16xi32>
          %mul3A_320 = vector.broadcast %scan3A_296 : i32 to vector<16xi32>
          %mul3A_321 = arith.muli %broadcast_in_dim3A_319, %mul3A_320 : vector<16xi32>
          tpu.vector_store_idx %arg24[%mul3A_321], %gather3A_317 masked %eq3A_23 : memref<64xi32, #tpu.memory_space<vmem>>[vector<16xi32>], vector<16xi32>, vector<16xi1>
          tpu.vector_store_idx %arg17[%mul3A_316], %broadcast_in_dim3A_21 masked %eq3A_23 : memref<4112xf32, #tpu.memory_space<vmem>>[vector<16xi32>], vector<16xf32>, vector<16xi1>
        }
        %scan3A_295 = arith.constant 64 : i32
      } else {
      }
      %min3A_136 = arith.constant 64 : i32
      %min3A_137 = vector.broadcast %min3A_136 : i32 to vector<16xi32>
      %min3A_138 = arith.minsi %mul3A_125, %min3A_137 : vector<16xi32>
      tpu.vector_store_idx %arg27[%broadcast_in_dim3A_111], %min3A_138 masked %eq3A_23 : memref<128xi32, #tpu.memory_space<vmem>>[vector<16xi32>], vector<16xi32>, vector<16xi1>
      %dma_start3A_139 = arith.constant 0 : i32
      %dma_start3A_140 = arith.constant 0 : i32
      %dma_start3A_141 = tpu.memref_slice %arg8[%dma_start3A_139, %dma_start3A_140] : memref<16384x128xf32, #tpu.memory_space<hbm>> -> memref<16384x128xf32, #tpu.memory_space<hbm>>
      tpu.enqueue_indirect_dma source(%dma_start3A_141 : memref<16384x128xf32, #tpu.memory_space<hbm>>) target(%arg20 : memref<64x128xf32, #tpu.memory_space<vmem>>) offsets(%arg24 : memref<64xi32, #tpu.memory_space<vmem>>) semaphore(%arg29 : memref<!tpu.dma_semaphore, #tpu.memory_space<semaphore_mem>>)
      %sub3A_142 = arith.constant 1 : i32
      %sub3A_143 = arith.subi %add3A_105, %sub3A_142 : i32
      %dma_wait3A_144 = arith.constant 0 : i32
      %dma_wait3A_145 = arith.constant 0 : i32
      %dma_wait3A_146 = tpu.memref_slice %arg8[%dma_wait3A_144, %dma_wait3A_145] : memref<16384x128xf32, #tpu.memory_space<hbm>> -> memref<16384x128xf32, #tpu.memory_space<hbm>>
      tpu.wait_indirect_dma semaphore(%arg28 : memref<!tpu.dma_semaphore, #tpu.memory_space<semaphore_mem>>) src(%dma_wait3A_146 : memref<16384x128xf32, #tpu.memory_space<hbm>>) dst(%arg19 : memref<64x128xf32, #tpu.memory_space<vmem>>)
      %sub3A_147 = arith.constant 1 : i32
      %sub3A_148 = arith.subi %add3A_105, %sub3A_147 : i32
      %mul3A_149 = arith.constant 64 : i32
      %mul3A_150 = arith.muli %sub3A_148, %mul3A_149 : i32
      %add3A_151 = arith.addi %mul3A_25, %mul3A_150 : i32
      %dma_start3A_152 = arith.constant 0 : i32
      %dma_start3A_153 = tpu.memref_slice %arg9[%add3A_151, %dma_start3A_152] : memref<262144x128xf32, #tpu.memory_space<hbm>> -> memref<64x128xf32, #tpu.memory_space<hbm>>
      %dma_start3A_154 = arith.constant 0 : i32
      %dma_start3A_155 = tpu.memref_slice %arg9[%add3A_151, %dma_start3A_154] : memref<262144x128xf32, #tpu.memory_space<hbm>> -> memref<64x128xf32, #tpu.memory_space<hbm>>
      tpu.enqueue_dma source(%arg19 : memref<64x128xf32, #tpu.memory_space<vmem>>) target(%dma_start3A_155 : memref<64x128xf32, #tpu.memory_space<hbm>>) target_semaphore(%arg32 : memref<!tpu.dma_semaphore, #tpu.memory_space<semaphore_mem>>)
      %mul3A_156 = arith.constant 4 : i32
      %mul3A_157 = arith.muli %scan3A_62, %mul3A_156 : i32
      %add3A_158 = arith.constant 2 : i32
      %add3A_159 = arith.addi %mul3A_157, %add3A_158 : i32
      %gt3A_160 = arith.constant 0 : i32
      %gt3A_161 = arith.cmpi sgt, %scan3A_62, %gt3A_160 : i32
      %convert_element_type3A_162 = arith.extui %gt3A_161 : i1 to i32
      %cond3A_163 = arith.constant 0 : i32
      %cond3A_164 = arith.cmpi ne, %convert_element_type3A_162, %cond3A_163 : i32
      scf.if %cond3A_164 {
        %sub3A_264 = arith.constant 4 : i32
        %sub3A_265 = arith.subi %add3A_159, %sub3A_264 : i32
        %mul3A_266 = arith.constant 64 : i32
        %mul3A_267 = arith.muli %sub3A_265, %mul3A_266 : i32
        %add3A_268 = arith.addi %mul3A_25, %mul3A_267 : i32
        %dma_wait3A_269 = arith.constant 0 : i32
        %dma_wait3A_270 = tpu.memref_slice %arg9[%add3A_268, %dma_wait3A_269] : memref<262144x128xf32, #tpu.memory_space<hbm>> -> memref<64x128xf32, #tpu.memory_space<hbm>>
        %dma_wait3A_271 = arith.constant 0 : i32
        %dma_wait3A_272 = tpu.memref_slice %arg9[%add3A_268, %dma_wait3A_271] : memref<262144x128xf32, #tpu.memory_space<hbm>> -> memref<64x128xf32, #tpu.memory_space<hbm>>
        tpu.wait_dma2 semaphore(%arg34 : memref<!tpu.dma_semaphore, #tpu.memory_space<semaphore_mem>>) src(%arg21 : memref<64x128xf32, #tpu.memory_space<vmem>>) dst(%dma_wait3A_272 : memref<64x128xf32, #tpu.memory_space<hbm>>)
      } else {
      }
      %broadcast_in_dim3A_165 = vector.broadcast %add3A_159 : i32 to vector<16xi32>
      %gather3A_166 = tpu.vector_load_idx %arg14[%broadcast_in_dim3A_165] : memref<128xf32, #tpu.memory_space<vmem>>[vector<16xi32>], vector<16xf32>,
      %gather3A_167 = tpu.vector_load_idx %arg15[%broadcast_in_dim3A_165] : memref<128xf32, #tpu.memory_space<vmem>>[vector<16xi32>], vector<16xf32>,
      %gather3A_168 = tpu.vector_load_idx %arg16[%broadcast_in_dim3A_165] : memref<128xf32, #tpu.memory_space<vmem>>[vector<16xi32>], vector<16xf32>,
      %scan3A_169 = arith.constant 0 : i32
      %scan3A_170 = arith.constant 0 : i32
      %scan3A_171 = arith.constant 256 : i32
      %scan3A_172 = arith.addi %scan3A_170, %scan3A_171 : i32
      %scan3A_173 = arith.constant 1 : i32
      %scan3A_174 = scf.for %scan3A_264 = %scan3A_170 to %scan3A_172 step %scan3A_173 iter_args(%scan3A_265 = %scan3A_169) -> (i32)  : i32 {
        %mul3A_266 = arith.constant 16 : i32
        %mul3A_267 = arith.muli %scan3A_264, %mul3A_266 : i32
        %get3A = arith.index_cast %mul3A_267 : i32 to index
        %get3A_268 = tpu.vector_load %arg11[%get3A] {strides = array<i32>} : memref<4096xf32, #tpu.memory_space<vmem>>, vector<16xf32>,
        %sub3A_269 = arith.subf %get3A_268, %gather3A_166 : vector<16xf32>
        %get3A_270 = arith.index_cast %mul3A_267 : i32 to index
        %get3A_271 = tpu.vector_load %arg12[%get3A_270] {strides = array<i32>} : memref<4096xf32, #tpu.memory_space<vmem>>, vector<16xf32>,
        %sub3A_272 = arith.subf %get3A_271, %gather3A_167 : vector<16xf32>
        %get3A_273 = arith.index_cast %mul3A_267 : i32 to index
        %get3A_274 = tpu.vector_load %arg13[%get3A_273] {strides = array<i32>} : memref<4096xf32, #tpu.memory_space<vmem>>, vector<16xf32>,
        %sub3A_275 = arith.subf %get3A_274, %gather3A_168 : vector<16xf32>
        %mul3A_276 = arith.mulf %sub3A_269, %sub3A_269 : vector<16xf32>
        %mul3A_277 = arith.mulf %sub3A_272, %sub3A_272 : vector<16xf32>
        %add3A_278 = arith.addf %mul3A_276, %mul3A_277 : vector<16xf32>
        %mul3A_279 = arith.mulf %sub3A_275, %sub3A_275 : vector<16xf32>
        %add3A_280 = arith.addf %add3A_278, %mul3A_279 : vector<16xf32>
        %le3A_281 = arith.constant 2.250000e-02 : f32
        %le3A_282 = vector.broadcast %le3A_281 : f32 to vector<16xf32>
        %le3A_283 = arith.cmpf ole, %add3A_280, %le3A_282 : vector<16xf32>
        %swap3A = arith.index_cast %scan3A_265 : i32 to index
        %swap3A_284 = tpu.vector_load %arg17[%swap3A] masked %le3A_283 {strides = array<i32>} : memref<4112xf32, #tpu.memory_space<vmem>>, vector<16xf32>, vector<16xi1>
        tpu.vector_store %arg17[%swap3A], %add3A_280 masked %le3A_283 {strides = array<i32>} : memref<4112xf32, #tpu.memory_space<vmem>>, vector<16xf32>, vector<16xi1>
        %add3A_285 = arith.addi %mul3A_267, %mul3A_20 : i32
        %add3A_286 = vector.broadcast %add3A_285 : i32 to vector<16xi32>
        %add3A_287 = arith.addi %add3A_286, %iota3A : vector<16xi32>
        %swap3A_288 = arith.index_cast %scan3A_265 : i32 to index
        %swap3A_289 = tpu.vector_load %arg18[%swap3A_288] masked %le3A_283 {strides = array<i32>} : memref<4112xi32, #tpu.memory_space<vmem>>, vector<16xi32>, vector<16xi1>
        tpu.vector_store %arg18[%swap3A_288], %add3A_287 masked %le3A_283 {strides = array<i32>} : memref<4112xi32, #tpu.memory_space<vmem>>, vector<16xi32>, vector<16xi1>
        %all_reduce_population_count3A = tpu.all_reduce %le3A_283 {dim = 0 : i64, kind = #tpu.reduction_kind<sum>} : vector<16xi1> -> vector<16xi32>
        %reduce_max3A = arith.constant true
        %reduce_max3A_290 = vector.broadcast %reduce_max3A : i1 to vector<16xi1>
        %reduce_max3A_291 = arith.constant -2147483648 : i32
        %reduce_max3A_292 = vector.broadcast %reduce_max3A_291 : i32 to vector<16xi32>
        %reduce_max3A_293 = arith.xori %all_reduce_population_count3A, %reduce_max3A_292 : vector<16xi32>
        %reduce_max3A_294 = tpu.scan <max>, %reduce_max3A_293 masked %reduce_max3A_290 : vector<16xi32>, vector<16xi1> -> vector<16xi32>
        %reduce_max3A_295 = arith.xori %reduce_max3A_294, %reduce_max3A_292 : vector<16xi32>
        %reduce_max3A_296 = vector.extract %reduce_max3A_295[15] : i32 from vector<16xi32>
        %add3A_297 = arith.addi %scan3A_265, %reduce_max3A_296 : i32
        scf.yield %add3A_297 : i32
      }
      %scan3A_175 = arith.constant 256 : i32
      %broadcast_in_dim3A_176 = arith.constant 1 : i32
      %broadcast_in_dim3A_177 = vector.broadcast %broadcast_in_dim3A_176 : i32 to vector<16xi32>
      %mul3A_178 = vector.broadcast %scan3A_174 : i32 to vector<16xi32>
      %mul3A_179 = arith.muli %broadcast_in_dim3A_177, %mul3A_178 : vector<16xi32>
      %le3A_180 = arith.constant 64 : i32
      %le3A_181 = arith.cmpi sle, %scan3A_174, %le3A_180 : i32
      %convert_element_type3A_182 = arith.extui %le3A_181 : i1 to i32
      %cond3A_183 = arith.constant 0 : i32
      %cond3A_184 = arith.cmpi ne, %convert_element_type3A_182, %cond3A_183 : i32
      scf.if %cond3A_184 {
        %add3A_264 = arith.constant 0 : i32
        %add3A_265 = vector.broadcast %add3A_264 : i32 to vector<16xi32>
        %add3A_266 = arith.addi %add3A_265, %iota3A : vector<16xi32>
        %lt3A = arith.cmpi slt, %add3A_266, %mul3A_179 : vector<16xi32>
        %get3A = arith.constant 0 : index
        %get3A_267 = tpu.vector_load %arg18[%get3A] {strides = array<i32>} : memref<4112xi32, #tpu.memory_space<vmem>>, vector<16xi32>,
        %broadcast_in_dim3A_268 = arith.constant 1 : i32
        %broadcast_in_dim3A_269 = vector.broadcast %broadcast_in_dim3A_268 : i32 to vector<16xi32>
        %mul3A_270 = vector.broadcast %mul3A_20 : i32 to vector<16xi32>
        %mul3A_271 = arith.muli %broadcast_in_dim3A_269, %mul3A_270 : vector<16xi32>
        %select_n3A_272 = arith.select %lt3A, %get3A_267, %mul3A_271 : vector<16xi1>, vector<16xi32>
        %swap3A = arith.constant 0 : index
        %swap3A_273 = tpu.vector_load %arg25[%swap3A] {strides = array<i32>} : memref<64xi32, #tpu.memory_space<vmem>>, vector<16xi32>,
        tpu.vector_store %arg25[%swap3A], %select_n3A_272 {strides = array<i32>} : memref<64xi32, #tpu.memory_space<vmem>>, vector<16xi32>,
        %add3A_274 = arith.constant 16 : i32
        %add3A_275 = vector.broadcast %add3A_274 : i32 to vector<16xi32>
        %add3A_276 = arith.addi %add3A_275, %iota3A : vector<16xi32>
        %lt3A_277 = arith.cmpi slt, %add3A_276, %mul3A_179 : vector<16xi32>
        %get3A_278 = arith.constant 16 : index
        %get3A_279 = tpu.vector_load %arg18[%get3A_278] {strides = array<i32>} : memref<4112xi32, #tpu.memory_space<vmem>>, vector<16xi32>,
        %broadcast_in_dim3A_280 = arith.constant 1 : i32
        %broadcast_in_dim3A_281 = vector.broadcast %broadcast_in_dim3A_280 : i32 to vector<16xi32>
        %mul3A_282 = vector.broadcast %mul3A_20 : i32 to vector<16xi32>
        %mul3A_283 = arith.muli %broadcast_in_dim3A_281, %mul3A_282 : vector<16xi32>
        %select_n3A_284 = arith.select %lt3A_277, %get3A_279, %mul3A_283 : vector<16xi1>, vector<16xi32>
        %swap3A_285 = arith.constant 16 : index
        %swap3A_286 = tpu.vector_load %arg25[%swap3A_285] {strides = array<i32>} : memref<64xi32, #tpu.memory_space<vmem>>, vector<16xi32>,
        tpu.vector_store %arg25[%swap3A_285], %select_n3A_284 {strides = array<i32>} : memref<64xi32, #tpu.memory_space<vmem>>, vector<16xi32>,
        %add3A_287 = arith.constant 32 : i32
        %add3A_288 = vector.broadcast %add3A_287 : i32 to vector<16xi32>
        %add3A_289 = arith.addi %add3A_288, %iota3A : vector<16xi32>
        %lt3A_290 = arith.cmpi slt, %add3A_289, %mul3A_179 : vector<16xi32>
        %get3A_291 = arith.constant 32 : index
        %get3A_292 = tpu.vector_load %arg18[%get3A_291] {strides = array<i32>} : memref<4112xi32, #tpu.memory_space<vmem>>, vector<16xi32>,
        %broadcast_in_dim3A_293 = arith.constant 1 : i32
        %broadcast_in_dim3A_294 = vector.broadcast %broadcast_in_dim3A_293 : i32 to vector<16xi32>
        %mul3A_295 = vector.broadcast %mul3A_20 : i32 to vector<16xi32>
        %mul3A_296 = arith.muli %broadcast_in_dim3A_294, %mul3A_295 : vector<16xi32>
        %select_n3A_297 = arith.select %lt3A_290, %get3A_292, %mul3A_296 : vector<16xi1>, vector<16xi32>
        %swap3A_298 = arith.constant 32 : index
        %swap3A_299 = tpu.vector_load %arg25[%swap3A_298] {strides = array<i32>} : memref<64xi32, #tpu.memory_space<vmem>>, vector<16xi32>,
        tpu.vector_store %arg25[%swap3A_298], %select_n3A_297 {strides = array<i32>} : memref<64xi32, #tpu.memory_space<vmem>>, vector<16xi32>,
        %add3A_300 = arith.constant 48 : i32
        %add3A_301 = vector.broadcast %add3A_300 : i32 to vector<16xi32>
        %add3A_302 = arith.addi %add3A_301, %iota3A : vector<16xi32>
        %lt3A_303 = arith.cmpi slt, %add3A_302, %mul3A_179 : vector<16xi32>
        %get3A_304 = arith.constant 48 : index
        %get3A_305 = tpu.vector_load %arg18[%get3A_304] {strides = array<i32>} : memref<4112xi32, #tpu.memory_space<vmem>>, vector<16xi32>,
        %broadcast_in_dim3A_306 = arith.constant 1 : i32
        %broadcast_in_dim3A_307 = vector.broadcast %broadcast_in_dim3A_306 : i32 to vector<16xi32>
        %mul3A_308 = vector.broadcast %mul3A_20 : i32 to vector<16xi32>
        %mul3A_309 = arith.muli %broadcast_in_dim3A_307, %mul3A_308 : vector<16xi32>
        %select_n3A_310 = arith.select %lt3A_303, %get3A_305, %mul3A_309 : vector<16xi1>, vector<16xi32>
        %swap3A_311 = arith.constant 48 : index
        %swap3A_312 = tpu.vector_load %arg25[%swap3A_311] {strides = array<i32>} : memref<64xi32, #tpu.memory_space<vmem>>, vector<16xi32>,
        tpu.vector_store %arg25[%swap3A_311], %select_n3A_310 {strides = array<i32>} : memref<64xi32, #tpu.memory_space<vmem>>, vector<16xi32>,
      } else {
      }
      %gt3A_185 = arith.constant 64 : i32
      %gt3A_186 = arith.cmpi sgt, %scan3A_174, %gt3A_185 : i32
      %convert_element_type3A_187 = arith.extui %gt3A_186 : i1 to i32
      %cond3A_188 = arith.constant 0 : i32
      %cond3A_189 = arith.cmpi ne, %convert_element_type3A_187, %cond3A_188 : i32
      scf.if %cond3A_189 {
        %add3A_264 = arith.constant 15 : i32
        %add3A_265 = arith.addi %scan3A_174, %add3A_264 : i32
        %jit3A_266 = arith.constant 16 : i32
        %div3A_267 = arith.divsi %add3A_265, %jit3A_266 : i32
        %sign3A_268 = arith.constant 0 : i32
        %sign3A_269 = arith.cmpi sgt, %add3A_265, %sign3A_268 : i32
        %sign3A_270 = arith.extui %sign3A_269 : i1 to i32
        %sign3A_271 = arith.constant 0 : i32
        %sign3A_272 = arith.cmpi slt, %add3A_265, %sign3A_271 : i32
        %sign3A_273 = arith.extui %sign3A_272 : i1 to i32
        %sign3A_274 = arith.subi %sign3A_270, %sign3A_273 : i32
        %sign3A_275 = arith.constant 0 : i32
        %sign3A_276 = arith.cmpi sgt, %jit3A_266, %sign3A_275 : i32
        %sign3A_277 = arith.extui %sign3A_276 : i1 to i32
        %sign3A_278 = arith.constant 0 : i32
        %sign3A_279 = arith.cmpi slt, %jit3A_266, %sign3A_278 : i32
        %sign3A_280 = arith.extui %sign3A_279 : i1 to i32
        %sign3A_281 = arith.subi %sign3A_277, %sign3A_280 : i32
        %ne3A_282 = arith.cmpi ne, %sign3A_274, %sign3A_281 : i32
        %rem3A_283 = arith.remsi %add3A_265, %jit3A_266 : i32
        %ne3A_284 = arith.constant 0 : i32
        %ne3A_285 = arith.cmpi ne, %rem3A_283, %ne3A_284 : i32
        %and3A_286 = arith.andi %ne3A_282, %ne3A_285 : i1
        %sub3A_287 = arith.constant 1 : i32
        %sub3A_288 = arith.subi %div3A_267, %sub3A_287 : i32
        %select_n3A_289 = arith.select %and3A_286, %sub3A_288, %div3A_267 : i32
        %scan3A_290 = arith.constant 0 : i32
        %scan3A_291 = arith.constant 0 : i32
        %scan3A_292 = arith.constant 64 : i32
        %scan3A_293 = arith.addi %scan3A_291, %scan3A_292 : i32
        %scan3A_294 = arith.constant 1 : i32
        scf.for %scan3A_296 = %scan3A_291 to %scan3A_293 step %scan3A_294  : i32 {
          %while3A = arith.constant 0 : i32
          %while3A_297 = arith.constant 0x7F800000 : f32
          %while3A_298 = arith.constant 0 : i32
          %while3A_299 = arith.constant 0 : i32
          %while3A_300 = arith.subi %select_n3A_289, %while3A : i32
          %while3A_301 = arith.addi %while3A, %while3A_300 : i32
          %while3A_302 = arith.constant 1 : i32
          %while3A_303 = arith.divsi %while3A_300, %while3A_302 : i32
          %while3A_304 = arith.muli %while3A_303, %while3A_302 : i32
          %while3A_305 = arith.addi %while3A, %while3A_304 : i32
          %while3A_306 = arith.constant 1 : i32
          %while3A_307:3 = scf.for %while3A_322 = %while3A to %while3A_305 step %while3A_306 iter_args(%while3A_323 = %while3A_297, %while3A_324 = %while3A_298, %while3A_325 = %while3A_299) -> (f32, i32, i32)  : i32 {
            %mul3A_326 = arith.constant 16 : i32
            %mul3A_327 = arith.muli %while3A_322, %mul3A_326 : i32
            %get3A = arith.index_cast %mul3A_327 : i32 to index
            %get3A_328 = tpu.vector_load %arg17[%get3A] {strides = array<i32>} : memref<4112xf32, #tpu.memory_space<vmem>>, vector<16xf32>,
            %mul3A_329 = arith.constant 16 : i32
            %mul3A_330 = arith.muli %while3A_322, %mul3A_329 : i32
            %add3A_331 = vector.broadcast %mul3A_330 : i32 to vector<16xi32>
            %add3A_332 = arith.addi %add3A_331, %iota3A : vector<16xi32>
            %lt3A = arith.cmpi slt, %add3A_332, %mul3A_179 : vector<16xi32>
            %select_n3A_333 = arith.select %lt3A, %get3A_328, %broadcast_in_dim3A_21 : vector<16xi1>, vector<16xf32>
            %reduce_min3A = arith.constant true
            %reduce_min3A_334 = vector.broadcast %reduce_min3A : i1 to vector<16xi1>
            %reduce_min3A_335 = tpu.scan <min>, %select_n3A_333 masked %reduce_min3A_334 : vector<16xf32>, vector<16xi1> -> vector<16xf32>
            %reduce_min3A_336 = vector.extract %reduce_min3A_335[15] : f32 from vector<16xf32>
            %eq3A_337 = vector.broadcast %reduce_min3A_336 : f32 to vector<16xf32>
            %eq3A_338 = arith.cmpf oeq, %select_n3A_333, %eq3A_337 : vector<16xf32>
            %all_reduce_ffs3A = tpu.all_reduce %eq3A_338 {dim = 0 : i64, kind = #tpu.reduction_kind<find_first_set>} : vector<16xi1> -> vector<16xi32>
            %reduce_max3A = arith.constant true
            %reduce_max3A_339 = vector.broadcast %reduce_max3A : i1 to vector<16xi1>
            %reduce_max3A_340 = arith.constant -2147483648 : i32
            %reduce_max3A_341 = vector.broadcast %reduce_max3A_340 : i32 to vector<16xi32>
            %reduce_max3A_342 = arith.xori %all_reduce_ffs3A, %reduce_max3A_341 : vector<16xi32>
            %reduce_max3A_343 = tpu.scan <max>, %reduce_max3A_342 masked %reduce_max3A_339 : vector<16xi32>, vector<16xi1> -> vector<16xi32>
            %reduce_max3A_344 = arith.xori %reduce_max3A_343, %reduce_max3A_341 : vector<16xi32>
            %reduce_max3A_345 = vector.extract %reduce_max3A_344[15] : i32 from vector<16xi32>
            %lt3A_346 = arith.cmpf olt, %reduce_min3A_336, %while3A_323 : f32
            %select_n3A_347 = arith.select %lt3A_346, %reduce_min3A_336, %while3A_323 : f32
            %select_n3A_348 = arith.select %lt3A_346, %while3A_322, %while3A_324 : i32
            %select_n3A_349 = arith.select %lt3A_346, %reduce_max3A_345, %while3A_325 : i32
            scf.yield %select_n3A_347, %select_n3A_348, %select_n3A_349 : f32, i32, i32
          }
          %while3A_308 = arith.constant 1 : i32
          %while3A_309:3 = scf.for %while3A_322 = %while3A_305 to %while3A_301 step %while3A_308 iter_args(%while3A_323 = %while3A_307#0, %while3A_324 = %while3A_307#1, %while3A_325 = %while3A_307#2) -> (f32, i32, i32)  : i32 {
            %mul3A_326 = arith.constant 16 : i32
            %mul3A_327 = arith.muli %while3A_322, %mul3A_326 : i32
            %get3A = arith.index_cast %mul3A_327 : i32 to index
            %get3A_328 = tpu.vector_load %arg17[%get3A] {strides = array<i32>} : memref<4112xf32, #tpu.memory_space<vmem>>, vector<16xf32>,
            %mul3A_329 = arith.constant 16 : i32
            %mul3A_330 = arith.muli %while3A_322, %mul3A_329 : i32
            %add3A_331 = vector.broadcast %mul3A_330 : i32 to vector<16xi32>
            %add3A_332 = arith.addi %add3A_331, %iota3A : vector<16xi32>
            %lt3A = arith.cmpi slt, %add3A_332, %mul3A_179 : vector<16xi32>
            %select_n3A_333 = arith.select %lt3A, %get3A_328, %broadcast_in_dim3A_21 : vector<16xi1>, vector<16xf32>
            %reduce_min3A = arith.constant true
            %reduce_min3A_334 = vector.broadcast %reduce_min3A : i1 to vector<16xi1>
            %reduce_min3A_335 = tpu.scan <min>, %select_n3A_333 masked %reduce_min3A_334 : vector<16xf32>, vector<16xi1> -> vector<16xf32>
            %reduce_min3A_336 = vector.extract %reduce_min3A_335[15] : f32 from vector<16xf32>
            %eq3A_337 = vector.broadcast %reduce_min3A_336 : f32 to vector<16xf32>
            %eq3A_338 = arith.cmpf oeq, %select_n3A_333, %eq3A_337 : vector<16xf32>
            %all_reduce_ffs3A = tpu.all_reduce %eq3A_338 {dim = 0 : i64, kind = #tpu.reduction_kind<find_first_set>} : vector<16xi1> -> vector<16xi32>
            %reduce_max3A = arith.constant true
            %reduce_max3A_339 = vector.broadcast %reduce_max3A : i1 to vector<16xi1>
            %reduce_max3A_340 = arith.constant -2147483648 : i32
            %reduce_max3A_341 = vector.broadcast %reduce_max3A_340 : i32 to vector<16xi32>
            %reduce_max3A_342 = arith.xori %all_reduce_ffs3A, %reduce_max3A_341 : vector<16xi32>
            %reduce_max3A_343 = tpu.scan <max>, %reduce_max3A_342 masked %reduce_max3A_339 : vector<16xi32>, vector<16xi1> -> vector<16xi32>
            %reduce_max3A_344 = arith.xori %reduce_max3A_343, %reduce_max3A_341 : vector<16xi32>
            %reduce_max3A_345 = vector.extract %reduce_max3A_344[15] : i32 from vector<16xi32>
            %lt3A_346 = arith.cmpf olt, %reduce_min3A_336, %while3A_323 : f32
            %select_n3A_347 = arith.select %lt3A_346, %reduce_min3A_336, %while3A_323 : f32
            %select_n3A_348 = arith.select %lt3A_346, %while3A_322, %while3A_324 : i32
            %select_n3A_349 = arith.select %lt3A_346, %reduce_max3A_345, %while3A_325 : i32
            scf.yield %select_n3A_347, %select_n3A_348, %select_n3A_349 : f32, i32, i32
          }
          %mul3A_310 = arith.constant 16 : i32
          %mul3A_311 = arith.muli %while3A_309#1, %mul3A_310 : i32
          %add3A_312 = arith.addi %mul3A_311, %while3A_309#2 : i32
          %broadcast_in_dim3A_313 = arith.constant 1 : i32
          %broadcast_in_dim3A_314 = vector.broadcast %broadcast_in_dim3A_313 : i32 to vector<16xi32>
          %mul3A_315 = vector.broadcast %add3A_312 : i32 to vector<16xi32>
          %mul3A_316 = arith.muli %broadcast_in_dim3A_314, %mul3A_315 : vector<16xi32>
          %gather3A_317 = tpu.vector_load_idx %arg18[%mul3A_316] : memref<4112xi32, #tpu.memory_space<vmem>>[vector<16xi32>], vector<16xi32>,
          %broadcast_in_dim3A_318 = arith.constant 1 : i32
          %broadcast_in_dim3A_319 = vector.broadcast %broadcast_in_dim3A_318 : i32 to vector<16xi32>
          %mul3A_320 = vector.broadcast %scan3A_296 : i32 to vector<16xi32>
          %mul3A_321 = arith.muli %broadcast_in_dim3A_319, %mul3A_320 : vector<16xi32>
          tpu.vector_store_idx %arg25[%mul3A_321], %gather3A_317 masked %eq3A_23 : memref<64xi32, #tpu.memory_space<vmem>>[vector<16xi32>], vector<16xi32>, vector<16xi1>
          tpu.vector_store_idx %arg17[%mul3A_316], %broadcast_in_dim3A_21 masked %eq3A_23 : memref<4112xf32, #tpu.memory_space<vmem>>[vector<16xi32>], vector<16xf32>, vector<16xi1>
        }
        %scan3A_295 = arith.constant 64 : i32
      } else {
      }
      %min3A_190 = arith.constant 64 : i32
      %min3A_191 = vector.broadcast %min3A_190 : i32 to vector<16xi32>
      %min3A_192 = arith.minsi %mul3A_179, %min3A_191 : vector<16xi32>
      tpu.vector_store_idx %arg27[%broadcast_in_dim3A_165], %min3A_192 masked %eq3A_23 : memref<128xi32, #tpu.memory_space<vmem>>[vector<16xi32>], vector<16xi32>, vector<16xi1>
      %dma_start3A_193 = arith.constant 0 : i32
      %dma_start3A_194 = arith.constant 0 : i32
      %dma_start3A_195 = tpu.memref_slice %arg8[%dma_start3A_193, %dma_start3A_194] : memref<16384x128xf32, #tpu.memory_space<hbm>> -> memref<16384x128xf32, #tpu.memory_space<hbm>>
      tpu.enqueue_indirect_dma source(%dma_start3A_195 : memref<16384x128xf32, #tpu.memory_space<hbm>>) target(%arg21 : memref<64x128xf32, #tpu.memory_space<vmem>>) offsets(%arg25 : memref<64xi32, #tpu.memory_space<vmem>>) semaphore(%arg30 : memref<!tpu.dma_semaphore, #tpu.memory_space<semaphore_mem>>)
      %sub3A_196 = arith.constant 1 : i32
      %sub3A_197 = arith.subi %add3A_159, %sub3A_196 : i32
      %dma_wait3A_198 = arith.constant 0 : i32
      %dma_wait3A_199 = arith.constant 0 : i32
      %dma_wait3A_200 = tpu.memref_slice %arg8[%dma_wait3A_198, %dma_wait3A_199] : memref<16384x128xf32, #tpu.memory_space<hbm>> -> memref<16384x128xf32, #tpu.memory_space<hbm>>
      tpu.wait_indirect_dma semaphore(%arg29 : memref<!tpu.dma_semaphore, #tpu.memory_space<semaphore_mem>>) src(%dma_wait3A_200 : memref<16384x128xf32, #tpu.memory_space<hbm>>) dst(%arg20 : memref<64x128xf32, #tpu.memory_space<vmem>>)
      %sub3A_201 = arith.constant 1 : i32
      %sub3A_202 = arith.subi %add3A_159, %sub3A_201 : i32
      %mul3A_203 = arith.constant 64 : i32
      %mul3A_204 = arith.muli %sub3A_202, %mul3A_203 : i32
      %add3A_205 = arith.addi %mul3A_25, %mul3A_204 : i32
      %dma_start3A_206 = arith.constant 0 : i32
      %dma_start3A_207 = tpu.memref_slice %arg9[%add3A_205, %dma_start3A_206] : memref<262144x128xf32, #tpu.memory_space<hbm>> -> memref<64x128xf32, #tpu.memory_space<hbm>>
      %dma_start3A_208 = arith.constant 0 : i32
      %dma_start3A_209 = tpu.memref_slice %arg9[%add3A_205, %dma_start3A_208] : memref<262144x128xf32, #tpu.memory_space<hbm>> -> memref<64x128xf32, #tpu.memory_space<hbm>>
      tpu.enqueue_dma source(%arg20 : memref<64x128xf32, #tpu.memory_space<vmem>>) target(%dma_start3A_209 : memref<64x128xf32, #tpu.memory_space<hbm>>) target_semaphore(%arg33 : memref<!tpu.dma_semaphore, #tpu.memory_space<semaphore_mem>>)
      %mul3A_210 = arith.constant 4 : i32
      %mul3A_211 = arith.muli %scan3A_62, %mul3A_210 : i32
      %add3A_212 = arith.constant 3 : i32
      %add3A_213 = arith.addi %mul3A_211, %add3A_212 : i32
      %gt3A_214 = arith.constant 0 : i32
      %gt3A_215 = arith.cmpi sgt, %scan3A_62, %gt3A_214 : i32
      %convert_element_type3A_216 = arith.extui %gt3A_215 : i1 to i32
      %cond3A_217 = arith.constant 0 : i32
      %cond3A_218 = arith.cmpi ne, %convert_element_type3A_216, %cond3A_217 : i32
      scf.if %cond3A_218 {
        %sub3A_264 = arith.constant 4 : i32
        %sub3A_265 = arith.subi %add3A_213, %sub3A_264 : i32
        %mul3A_266 = arith.constant 64 : i32
        %mul3A_267 = arith.muli %sub3A_265, %mul3A_266 : i32
        %add3A_268 = arith.addi %mul3A_25, %mul3A_267 : i32
        %dma_wait3A_269 = arith.constant 0 : i32
        %dma_wait3A_270 = tpu.memref_slice %arg9[%add3A_268, %dma_wait3A_269] : memref<262144x128xf32, #tpu.memory_space<hbm>> -> memref<64x128xf32, #tpu.memory_space<hbm>>
        %dma_wait3A_271 = arith.constant 0 : i32
        %dma_wait3A_272 = tpu.memref_slice %arg9[%add3A_268, %dma_wait3A_271] : memref<262144x128xf32, #tpu.memory_space<hbm>> -> memref<64x128xf32, #tpu.memory_space<hbm>>
        tpu.wait_dma2 semaphore(%arg35 : memref<!tpu.dma_semaphore, #tpu.memory_space<semaphore_mem>>) src(%arg22 : memref<64x128xf32, #tpu.memory_space<vmem>>) dst(%dma_wait3A_272 : memref<64x128xf32, #tpu.memory_space<hbm>>)
      } else {
      }
      %broadcast_in_dim3A_219 = vector.broadcast %add3A_213 : i32 to vector<16xi32>
      %gather3A_220 = tpu.vector_load_idx %arg14[%broadcast_in_dim3A_219] : memref<128xf32, #tpu.memory_space<vmem>>[vector<16xi32>], vector<16xf32>,
      %gather3A_221 = tpu.vector_load_idx %arg15[%broadcast_in_dim3A_219] : memref<128xf32, #tpu.memory_space<vmem>>[vector<16xi32>], vector<16xf32>,
      %gather3A_222 = tpu.vector_load_idx %arg16[%broadcast_in_dim3A_219] : memref<128xf32, #tpu.memory_space<vmem>>[vector<16xi32>], vector<16xf32>,
      %scan3A_223 = arith.constant 0 : i32
      %scan3A_224 = arith.constant 0 : i32
      %scan3A_225 = arith.constant 256 : i32
      %scan3A_226 = arith.addi %scan3A_224, %scan3A_225 : i32
      %scan3A_227 = arith.constant 1 : i32
      %scan3A_228 = scf.for %scan3A_264 = %scan3A_224 to %scan3A_226 step %scan3A_227 iter_args(%scan3A_265 = %scan3A_223) -> (i32)  : i32 {
        %mul3A_266 = arith.constant 16 : i32
        %mul3A_267 = arith.muli %scan3A_264, %mul3A_266 : i32
        %get3A = arith.index_cast %mul3A_267 : i32 to index
        %get3A_268 = tpu.vector_load %arg11[%get3A] {strides = array<i32>} : memref<4096xf32, #tpu.memory_space<vmem>>, vector<16xf32>,
        %sub3A_269 = arith.subf %get3A_268, %gather3A_220 : vector<16xf32>
        %get3A_270 = arith.index_cast %mul3A_267 : i32 to index
        %get3A_271 = tpu.vector_load %arg12[%get3A_270] {strides = array<i32>} : memref<4096xf32, #tpu.memory_space<vmem>>, vector<16xf32>,
        %sub3A_272 = arith.subf %get3A_271, %gather3A_221 : vector<16xf32>
        %get3A_273 = arith.index_cast %mul3A_267 : i32 to index
        %get3A_274 = tpu.vector_load %arg13[%get3A_273] {strides = array<i32>} : memref<4096xf32, #tpu.memory_space<vmem>>, vector<16xf32>,
        %sub3A_275 = arith.subf %get3A_274, %gather3A_222 : vector<16xf32>
        %mul3A_276 = arith.mulf %sub3A_269, %sub3A_269 : vector<16xf32>
        %mul3A_277 = arith.mulf %sub3A_272, %sub3A_272 : vector<16xf32>
        %add3A_278 = arith.addf %mul3A_276, %mul3A_277 : vector<16xf32>
        %mul3A_279 = arith.mulf %sub3A_275, %sub3A_275 : vector<16xf32>
        %add3A_280 = arith.addf %add3A_278, %mul3A_279 : vector<16xf32>
        %le3A_281 = arith.constant 2.250000e-02 : f32
        %le3A_282 = vector.broadcast %le3A_281 : f32 to vector<16xf32>
        %le3A_283 = arith.cmpf ole, %add3A_280, %le3A_282 : vector<16xf32>
        %swap3A = arith.index_cast %scan3A_265 : i32 to index
        %swap3A_284 = tpu.vector_load %arg17[%swap3A] masked %le3A_283 {strides = array<i32>} : memref<4112xf32, #tpu.memory_space<vmem>>, vector<16xf32>, vector<16xi1>
        tpu.vector_store %arg17[%swap3A], %add3A_280 masked %le3A_283 {strides = array<i32>} : memref<4112xf32, #tpu.memory_space<vmem>>, vector<16xf32>, vector<16xi1>
        %add3A_285 = arith.addi %mul3A_267, %mul3A_20 : i32
        %add3A_286 = vector.broadcast %add3A_285 : i32 to vector<16xi32>
        %add3A_287 = arith.addi %add3A_286, %iota3A : vector<16xi32>
        %swap3A_288 = arith.index_cast %scan3A_265 : i32 to index
        %swap3A_289 = tpu.vector_load %arg18[%swap3A_288] masked %le3A_283 {strides = array<i32>} : memref<4112xi32, #tpu.memory_space<vmem>>, vector<16xi32>, vector<16xi1>
        tpu.vector_store %arg18[%swap3A_288], %add3A_287 masked %le3A_283 {strides = array<i32>} : memref<4112xi32, #tpu.memory_space<vmem>>, vector<16xi32>, vector<16xi1>
        %all_reduce_population_count3A = tpu.all_reduce %le3A_283 {dim = 0 : i64, kind = #tpu.reduction_kind<sum>} : vector<16xi1> -> vector<16xi32>
        %reduce_max3A = arith.constant true
        %reduce_max3A_290 = vector.broadcast %reduce_max3A : i1 to vector<16xi1>
        %reduce_max3A_291 = arith.constant -2147483648 : i32
        %reduce_max3A_292 = vector.broadcast %reduce_max3A_291 : i32 to vector<16xi32>
        %reduce_max3A_293 = arith.xori %all_reduce_population_count3A, %reduce_max3A_292 : vector<16xi32>
        %reduce_max3A_294 = tpu.scan <max>, %reduce_max3A_293 masked %reduce_max3A_290 : vector<16xi32>, vector<16xi1> -> vector<16xi32>
        %reduce_max3A_295 = arith.xori %reduce_max3A_294, %reduce_max3A_292 : vector<16xi32>
        %reduce_max3A_296 = vector.extract %reduce_max3A_295[15] : i32 from vector<16xi32>
        %add3A_297 = arith.addi %scan3A_265, %reduce_max3A_296 : i32
        scf.yield %add3A_297 : i32
      }
      %scan3A_229 = arith.constant 256 : i32
      %broadcast_in_dim3A_230 = arith.constant 1 : i32
      %broadcast_in_dim3A_231 = vector.broadcast %broadcast_in_dim3A_230 : i32 to vector<16xi32>
      %mul3A_232 = vector.broadcast %scan3A_228 : i32 to vector<16xi32>
      %mul3A_233 = arith.muli %broadcast_in_dim3A_231, %mul3A_232 : vector<16xi32>
      %le3A_234 = arith.constant 64 : i32
      %le3A_235 = arith.cmpi sle, %scan3A_228, %le3A_234 : i32
      %convert_element_type3A_236 = arith.extui %le3A_235 : i1 to i32
      %cond3A_237 = arith.constant 0 : i32
      %cond3A_238 = arith.cmpi ne, %convert_element_type3A_236, %cond3A_237 : i32
      scf.if %cond3A_238 {
        %add3A_264 = arith.constant 0 : i32
        %add3A_265 = vector.broadcast %add3A_264 : i32 to vector<16xi32>
        %add3A_266 = arith.addi %add3A_265, %iota3A : vector<16xi32>
        %lt3A = arith.cmpi slt, %add3A_266, %mul3A_233 : vector<16xi32>
        %get3A = arith.constant 0 : index
        %get3A_267 = tpu.vector_load %arg18[%get3A] {strides = array<i32>} : memref<4112xi32, #tpu.memory_space<vmem>>, vector<16xi32>,
        %broadcast_in_dim3A_268 = arith.constant 1 : i32
        %broadcast_in_dim3A_269 = vector.broadcast %broadcast_in_dim3A_268 : i32 to vector<16xi32>
        %mul3A_270 = vector.broadcast %mul3A_20 : i32 to vector<16xi32>
        %mul3A_271 = arith.muli %broadcast_in_dim3A_269, %mul3A_270 : vector<16xi32>
        %select_n3A_272 = arith.select %lt3A, %get3A_267, %mul3A_271 : vector<16xi1>, vector<16xi32>
        %swap3A = arith.constant 0 : index
        %swap3A_273 = tpu.vector_load %arg26[%swap3A] {strides = array<i32>} : memref<64xi32, #tpu.memory_space<vmem>>, vector<16xi32>,
        tpu.vector_store %arg26[%swap3A], %select_n3A_272 {strides = array<i32>} : memref<64xi32, #tpu.memory_space<vmem>>, vector<16xi32>,
        %add3A_274 = arith.constant 16 : i32
        %add3A_275 = vector.broadcast %add3A_274 : i32 to vector<16xi32>
        %add3A_276 = arith.addi %add3A_275, %iota3A : vector<16xi32>
        %lt3A_277 = arith.cmpi slt, %add3A_276, %mul3A_233 : vector<16xi32>
        %get3A_278 = arith.constant 16 : index
        %get3A_279 = tpu.vector_load %arg18[%get3A_278] {strides = array<i32>} : memref<4112xi32, #tpu.memory_space<vmem>>, vector<16xi32>,
        %broadcast_in_dim3A_280 = arith.constant 1 : i32
        %broadcast_in_dim3A_281 = vector.broadcast %broadcast_in_dim3A_280 : i32 to vector<16xi32>
        %mul3A_282 = vector.broadcast %mul3A_20 : i32 to vector<16xi32>
        %mul3A_283 = arith.muli %broadcast_in_dim3A_281, %mul3A_282 : vector<16xi32>
        %select_n3A_284 = arith.select %lt3A_277, %get3A_279, %mul3A_283 : vector<16xi1>, vector<16xi32>
        %swap3A_285 = arith.constant 16 : index
        %swap3A_286 = tpu.vector_load %arg26[%swap3A_285] {strides = array<i32>} : memref<64xi32, #tpu.memory_space<vmem>>, vector<16xi32>,
        tpu.vector_store %arg26[%swap3A_285], %select_n3A_284 {strides = array<i32>} : memref<64xi32, #tpu.memory_space<vmem>>, vector<16xi32>,
        %add3A_287 = arith.constant 32 : i32
        %add3A_288 = vector.broadcast %add3A_287 : i32 to vector<16xi32>
        %add3A_289 = arith.addi %add3A_288, %iota3A : vector<16xi32>
        %lt3A_290 = arith.cmpi slt, %add3A_289, %mul3A_233 : vector<16xi32>
        %get3A_291 = arith.constant 32 : index
        %get3A_292 = tpu.vector_load %arg18[%get3A_291] {strides = array<i32>} : memref<4112xi32, #tpu.memory_space<vmem>>, vector<16xi32>,
        %broadcast_in_dim3A_293 = arith.constant 1 : i32
        %broadcast_in_dim3A_294 = vector.broadcast %broadcast_in_dim3A_293 : i32 to vector<16xi32>
        %mul3A_295 = vector.broadcast %mul3A_20 : i32 to vector<16xi32>
        %mul3A_296 = arith.muli %broadcast_in_dim3A_294, %mul3A_295 : vector<16xi32>
        %select_n3A_297 = arith.select %lt3A_290, %get3A_292, %mul3A_296 : vector<16xi1>, vector<16xi32>
        %swap3A_298 = arith.constant 32 : index
        %swap3A_299 = tpu.vector_load %arg26[%swap3A_298] {strides = array<i32>} : memref<64xi32, #tpu.memory_space<vmem>>, vector<16xi32>,
        tpu.vector_store %arg26[%swap3A_298], %select_n3A_297 {strides = array<i32>} : memref<64xi32, #tpu.memory_space<vmem>>, vector<16xi32>,
        %add3A_300 = arith.constant 48 : i32
        %add3A_301 = vector.broadcast %add3A_300 : i32 to vector<16xi32>
        %add3A_302 = arith.addi %add3A_301, %iota3A : vector<16xi32>
        %lt3A_303 = arith.cmpi slt, %add3A_302, %mul3A_233 : vector<16xi32>
        %get3A_304 = arith.constant 48 : index
        %get3A_305 = tpu.vector_load %arg18[%get3A_304] {strides = array<i32>} : memref<4112xi32, #tpu.memory_space<vmem>>, vector<16xi32>,
        %broadcast_in_dim3A_306 = arith.constant 1 : i32
        %broadcast_in_dim3A_307 = vector.broadcast %broadcast_in_dim3A_306 : i32 to vector<16xi32>
        %mul3A_308 = vector.broadcast %mul3A_20 : i32 to vector<16xi32>
        %mul3A_309 = arith.muli %broadcast_in_dim3A_307, %mul3A_308 : vector<16xi32>
        %select_n3A_310 = arith.select %lt3A_303, %get3A_305, %mul3A_309 : vector<16xi1>, vector<16xi32>
        %swap3A_311 = arith.constant 48 : index
        %swap3A_312 = tpu.vector_load %arg26[%swap3A_311] {strides = array<i32>} : memref<64xi32, #tpu.memory_space<vmem>>, vector<16xi32>,
        tpu.vector_store %arg26[%swap3A_311], %select_n3A_310 {strides = array<i32>} : memref<64xi32, #tpu.memory_space<vmem>>, vector<16xi32>,
      } else {
      }
      %gt3A_239 = arith.constant 64 : i32
      %gt3A_240 = arith.cmpi sgt, %scan3A_228, %gt3A_239 : i32
      %convert_element_type3A_241 = arith.extui %gt3A_240 : i1 to i32
      %cond3A_242 = arith.constant 0 : i32
      %cond3A_243 = arith.cmpi ne, %convert_element_type3A_241, %cond3A_242 : i32
      scf.if %cond3A_243 {
        %add3A_264 = arith.constant 15 : i32
        %add3A_265 = arith.addi %scan3A_228, %add3A_264 : i32
        %jit3A_266 = arith.constant 16 : i32
        %div3A_267 = arith.divsi %add3A_265, %jit3A_266 : i32
        %sign3A_268 = arith.constant 0 : i32
        %sign3A_269 = arith.cmpi sgt, %add3A_265, %sign3A_268 : i32
        %sign3A_270 = arith.extui %sign3A_269 : i1 to i32
        %sign3A_271 = arith.constant 0 : i32
        %sign3A_272 = arith.cmpi slt, %add3A_265, %sign3A_271 : i32
        %sign3A_273 = arith.extui %sign3A_272 : i1 to i32
        %sign3A_274 = arith.subi %sign3A_270, %sign3A_273 : i32
        %sign3A_275 = arith.constant 0 : i32
        %sign3A_276 = arith.cmpi sgt, %jit3A_266, %sign3A_275 : i32
        %sign3A_277 = arith.extui %sign3A_276 : i1 to i32
        %sign3A_278 = arith.constant 0 : i32
        %sign3A_279 = arith.cmpi slt, %jit3A_266, %sign3A_278 : i32
        %sign3A_280 = arith.extui %sign3A_279 : i1 to i32
        %sign3A_281 = arith.subi %sign3A_277, %sign3A_280 : i32
        %ne3A_282 = arith.cmpi ne, %sign3A_274, %sign3A_281 : i32
        %rem3A_283 = arith.remsi %add3A_265, %jit3A_266 : i32
        %ne3A_284 = arith.constant 0 : i32
        %ne3A_285 = arith.cmpi ne, %rem3A_283, %ne3A_284 : i32
        %and3A_286 = arith.andi %ne3A_282, %ne3A_285 : i1
        %sub3A_287 = arith.constant 1 : i32
        %sub3A_288 = arith.subi %div3A_267, %sub3A_287 : i32
        %select_n3A_289 = arith.select %and3A_286, %sub3A_288, %div3A_267 : i32
        %scan3A_290 = arith.constant 0 : i32
        %scan3A_291 = arith.constant 0 : i32
        %scan3A_292 = arith.constant 64 : i32
        %scan3A_293 = arith.addi %scan3A_291, %scan3A_292 : i32
        %scan3A_294 = arith.constant 1 : i32
        scf.for %scan3A_296 = %scan3A_291 to %scan3A_293 step %scan3A_294  : i32 {
          %while3A = arith.constant 0 : i32
          %while3A_297 = arith.constant 0x7F800000 : f32
          %while3A_298 = arith.constant 0 : i32
          %while3A_299 = arith.constant 0 : i32
          %while3A_300 = arith.subi %select_n3A_289, %while3A : i32
          %while3A_301 = arith.addi %while3A, %while3A_300 : i32
          %while3A_302 = arith.constant 1 : i32
          %while3A_303 = arith.divsi %while3A_300, %while3A_302 : i32
          %while3A_304 = arith.muli %while3A_303, %while3A_302 : i32
          %while3A_305 = arith.addi %while3A, %while3A_304 : i32
          %while3A_306 = arith.constant 1 : i32
          %while3A_307:3 = scf.for %while3A_322 = %while3A to %while3A_305 step %while3A_306 iter_args(%while3A_323 = %while3A_297, %while3A_324 = %while3A_298, %while3A_325 = %while3A_299) -> (f32, i32, i32)  : i32 {
            %mul3A_326 = arith.constant 16 : i32
            %mul3A_327 = arith.muli %while3A_322, %mul3A_326 : i32
            %get3A = arith.index_cast %mul3A_327 : i32 to index
            %get3A_328 = tpu.vector_load %arg17[%get3A] {strides = array<i32>} : memref<4112xf32, #tpu.memory_space<vmem>>, vector<16xf32>,
            %mul3A_329 = arith.constant 16 : i32
            %mul3A_330 = arith.muli %while3A_322, %mul3A_329 : i32
            %add3A_331 = vector.broadcast %mul3A_330 : i32 to vector<16xi32>
            %add3A_332 = arith.addi %add3A_331, %iota3A : vector<16xi32>
            %lt3A = arith.cmpi slt, %add3A_332, %mul3A_233 : vector<16xi32>
            %select_n3A_333 = arith.select %lt3A, %get3A_328, %broadcast_in_dim3A_21 : vector<16xi1>, vector<16xf32>
            %reduce_min3A = arith.constant true
            %reduce_min3A_334 = vector.broadcast %reduce_min3A : i1 to vector<16xi1>
            %reduce_min3A_335 = tpu.scan <min>, %select_n3A_333 masked %reduce_min3A_334 : vector<16xf32>, vector<16xi1> -> vector<16xf32>
            %reduce_min3A_336 = vector.extract %reduce_min3A_335[15] : f32 from vector<16xf32>
            %eq3A_337 = vector.broadcast %reduce_min3A_336 : f32 to vector<16xf32>
            %eq3A_338 = arith.cmpf oeq, %select_n3A_333, %eq3A_337 : vector<16xf32>
            %all_reduce_ffs3A = tpu.all_reduce %eq3A_338 {dim = 0 : i64, kind = #tpu.reduction_kind<find_first_set>} : vector<16xi1> -> vector<16xi32>
            %reduce_max3A = arith.constant true
            %reduce_max3A_339 = vector.broadcast %reduce_max3A : i1 to vector<16xi1>
            %reduce_max3A_340 = arith.constant -2147483648 : i32
            %reduce_max3A_341 = vector.broadcast %reduce_max3A_340 : i32 to vector<16xi32>
            %reduce_max3A_342 = arith.xori %all_reduce_ffs3A, %reduce_max3A_341 : vector<16xi32>
            %reduce_max3A_343 = tpu.scan <max>, %reduce_max3A_342 masked %reduce_max3A_339 : vector<16xi32>, vector<16xi1> -> vector<16xi32>
            %reduce_max3A_344 = arith.xori %reduce_max3A_343, %reduce_max3A_341 : vector<16xi32>
            %reduce_max3A_345 = vector.extract %reduce_max3A_344[15] : i32 from vector<16xi32>
            %lt3A_346 = arith.cmpf olt, %reduce_min3A_336, %while3A_323 : f32
            %select_n3A_347 = arith.select %lt3A_346, %reduce_min3A_336, %while3A_323 : f32
            %select_n3A_348 = arith.select %lt3A_346, %while3A_322, %while3A_324 : i32
            %select_n3A_349 = arith.select %lt3A_346, %reduce_max3A_345, %while3A_325 : i32
            scf.yield %select_n3A_347, %select_n3A_348, %select_n3A_349 : f32, i32, i32
          }
          %while3A_308 = arith.constant 1 : i32
          %while3A_309:3 = scf.for %while3A_322 = %while3A_305 to %while3A_301 step %while3A_308 iter_args(%while3A_323 = %while3A_307#0, %while3A_324 = %while3A_307#1, %while3A_325 = %while3A_307#2) -> (f32, i32, i32)  : i32 {
            %mul3A_326 = arith.constant 16 : i32
            %mul3A_327 = arith.muli %while3A_322, %mul3A_326 : i32
            %get3A = arith.index_cast %mul3A_327 : i32 to index
            %get3A_328 = tpu.vector_load %arg17[%get3A] {strides = array<i32>} : memref<4112xf32, #tpu.memory_space<vmem>>, vector<16xf32>,
            %mul3A_329 = arith.constant 16 : i32
            %mul3A_330 = arith.muli %while3A_322, %mul3A_329 : i32
            %add3A_331 = vector.broadcast %mul3A_330 : i32 to vector<16xi32>
            %add3A_332 = arith.addi %add3A_331, %iota3A : vector<16xi32>
            %lt3A = arith.cmpi slt, %add3A_332, %mul3A_233 : vector<16xi32>
            %select_n3A_333 = arith.select %lt3A, %get3A_328, %broadcast_in_dim3A_21 : vector<16xi1>, vector<16xf32>
            %reduce_min3A = arith.constant true
            %reduce_min3A_334 = vector.broadcast %reduce_min3A : i1 to vector<16xi1>
            %reduce_min3A_335 = tpu.scan <min>, %select_n3A_333 masked %reduce_min3A_334 : vector<16xf32>, vector<16xi1> -> vector<16xf32>
            %reduce_min3A_336 = vector.extract %reduce_min3A_335[15] : f32 from vector<16xf32>
            %eq3A_337 = vector.broadcast %reduce_min3A_336 : f32 to vector<16xf32>
            %eq3A_338 = arith.cmpf oeq, %select_n3A_333, %eq3A_337 : vector<16xf32>
            %all_reduce_ffs3A = tpu.all_reduce %eq3A_338 {dim = 0 : i64, kind = #tpu.reduction_kind<find_first_set>} : vector<16xi1> -> vector<16xi32>
            %reduce_max3A = arith.constant true
            %reduce_max3A_339 = vector.broadcast %reduce_max3A : i1 to vector<16xi1>
            %reduce_max3A_340 = arith.constant -2147483648 : i32
            %reduce_max3A_341 = vector.broadcast %reduce_max3A_340 : i32 to vector<16xi32>
            %reduce_max3A_342 = arith.xori %all_reduce_ffs3A, %reduce_max3A_341 : vector<16xi32>
            %reduce_max3A_343 = tpu.scan <max>, %reduce_max3A_342 masked %reduce_max3A_339 : vector<16xi32>, vector<16xi1> -> vector<16xi32>
            %reduce_max3A_344 = arith.xori %reduce_max3A_343, %reduce_max3A_341 : vector<16xi32>
            %reduce_max3A_345 = vector.extract %reduce_max3A_344[15] : i32 from vector<16xi32>
            %lt3A_346 = arith.cmpf olt, %reduce_min3A_336, %while3A_323 : f32
            %select_n3A_347 = arith.select %lt3A_346, %reduce_min3A_336, %while3A_323 : f32
            %select_n3A_348 = arith.select %lt3A_346, %while3A_322, %while3A_324 : i32
            %select_n3A_349 = arith.select %lt3A_346, %reduce_max3A_345, %while3A_325 : i32
            scf.yield %select_n3A_347, %select_n3A_348, %select_n3A_349 : f32, i32, i32
          }
          %mul3A_310 = arith.constant 16 : i32
          %mul3A_311 = arith.muli %while3A_309#1, %mul3A_310 : i32
          %add3A_312 = arith.addi %mul3A_311, %while3A_309#2 : i32
          %broadcast_in_dim3A_313 = arith.constant 1 : i32
          %broadcast_in_dim3A_314 = vector.broadcast %broadcast_in_dim3A_313 : i32 to vector<16xi32>
          %mul3A_315 = vector.broadcast %add3A_312 : i32 to vector<16xi32>
          %mul3A_316 = arith.muli %broadcast_in_dim3A_314, %mul3A_315 : vector<16xi32>
          %gather3A_317 = tpu.vector_load_idx %arg18[%mul3A_316] : memref<4112xi32, #tpu.memory_space<vmem>>[vector<16xi32>], vector<16xi32>,
          %broadcast_in_dim3A_318 = arith.constant 1 : i32
          %broadcast_in_dim3A_319 = vector.broadcast %broadcast_in_dim3A_318 : i32 to vector<16xi32>
          %mul3A_320 = vector.broadcast %scan3A_296 : i32 to vector<16xi32>
          %mul3A_321 = arith.muli %broadcast_in_dim3A_319, %mul3A_320 : vector<16xi32>
          tpu.vector_store_idx %arg26[%mul3A_321], %gather3A_317 masked %eq3A_23 : memref<64xi32, #tpu.memory_space<vmem>>[vector<16xi32>], vector<16xi32>, vector<16xi1>
          tpu.vector_store_idx %arg17[%mul3A_316], %broadcast_in_dim3A_21 masked %eq3A_23 : memref<4112xf32, #tpu.memory_space<vmem>>[vector<16xi32>], vector<16xf32>, vector<16xi1>
        }
        %scan3A_295 = arith.constant 64 : i32
      } else {
      }
      %min3A_244 = arith.constant 64 : i32
      %min3A_245 = vector.broadcast %min3A_244 : i32 to vector<16xi32>
      %min3A_246 = arith.minsi %mul3A_233, %min3A_245 : vector<16xi32>
      tpu.vector_store_idx %arg27[%broadcast_in_dim3A_219], %min3A_246 masked %eq3A_23 : memref<128xi32, #tpu.memory_space<vmem>>[vector<16xi32>], vector<16xi32>, vector<16xi1>
      %dma_start3A_247 = arith.constant 0 : i32
      %dma_start3A_248 = arith.constant 0 : i32
      %dma_start3A_249 = tpu.memref_slice %arg8[%dma_start3A_247, %dma_start3A_248] : memref<16384x128xf32, #tpu.memory_space<hbm>> -> memref<16384x128xf32, #tpu.memory_space<hbm>>
      tpu.enqueue_indirect_dma source(%dma_start3A_249 : memref<16384x128xf32, #tpu.memory_space<hbm>>) target(%arg22 : memref<64x128xf32, #tpu.memory_space<vmem>>) offsets(%arg26 : memref<64xi32, #tpu.memory_space<vmem>>) semaphore(%arg31 : memref<!tpu.dma_semaphore, #tpu.memory_space<semaphore_mem>>)
      %sub3A_250 = arith.constant 1 : i32
      %sub3A_251 = arith.subi %add3A_213, %sub3A_250 : i32
      %dma_wait3A_252 = arith.constant 0 : i32
      %dma_wait3A_253 = arith.constant 0 : i32
      %dma_wait3A_254 = tpu.memref_slice %arg8[%dma_wait3A_252, %dma_wait3A_253] : memref<16384x128xf32, #tpu.memory_space<hbm>> -> memref<16384x128xf32, #tpu.memory_space<hbm>>
      tpu.wait_indirect_dma semaphore(%arg30 : memref<!tpu.dma_semaphore, #tpu.memory_space<semaphore_mem>>) src(%dma_wait3A_254 : memref<16384x128xf32, #tpu.memory_space<hbm>>) dst(%arg21 : memref<64x128xf32, #tpu.memory_space<vmem>>)
      %sub3A_255 = arith.constant 1 : i32
      %sub3A_256 = arith.subi %add3A_213, %sub3A_255 : i32
      %mul3A_257 = arith.constant 64 : i32
      %mul3A_258 = arith.muli %sub3A_256, %mul3A_257 : i32
      %add3A_259 = arith.addi %mul3A_25, %mul3A_258 : i32
      %dma_start3A_260 = arith.constant 0 : i32
      %dma_start3A_261 = tpu.memref_slice %arg9[%add3A_259, %dma_start3A_260] : memref<262144x128xf32, #tpu.memory_space<hbm>> -> memref<64x128xf32, #tpu.memory_space<hbm>>
      %dma_start3A_262 = arith.constant 0 : i32
      %dma_start3A_263 = tpu.memref_slice %arg9[%add3A_259, %dma_start3A_262] : memref<262144x128xf32, #tpu.memory_space<hbm>> -> memref<64x128xf32, #tpu.memory_space<hbm>>
      tpu.enqueue_dma source(%arg21 : memref<64x128xf32, #tpu.memory_space<vmem>>) target(%dma_start3A_263 : memref<64x128xf32, #tpu.memory_space<hbm>>) target_semaphore(%arg34 : memref<!tpu.dma_semaphore, #tpu.memory_space<semaphore_mem>>)
    }
    %scan3A_30 = arith.constant 32 : i32
    %dma_wait3A = arith.constant 0 : i32
    %dma_wait3A_31 = arith.constant 0 : i32
    %dma_wait3A_32 = tpu.memref_slice %arg8[%dma_wait3A, %dma_wait3A_31] : memref<16384x128xf32, #tpu.memory_space<hbm>> -> memref<16384x128xf32, #tpu.memory_space<hbm>>
    tpu.wait_indirect_dma semaphore(%arg31 : memref<!tpu.dma_semaphore, #tpu.memory_space<semaphore_mem>>) src(%dma_wait3A_32 : memref<16384x128xf32, #tpu.memory_space<hbm>>) dst(%arg22 : memref<64x128xf32, #tpu.memory_space<vmem>>)
    %add3A_33 = arith.constant 8128 : i32
    %add3A_34 = arith.addi %mul3A_25, %add3A_33 : i32
    %dma_start3A = arith.constant 0 : i32
    %dma_start3A_35 = tpu.memref_slice %arg9[%add3A_34, %dma_start3A] : memref<262144x128xf32, #tpu.memory_space<hbm>> -> memref<64x128xf32, #tpu.memory_space<hbm>>
    %dma_start3A_36 = arith.constant 0 : i32
    %dma_start3A_37 = tpu.memref_slice %arg9[%add3A_34, %dma_start3A_36] : memref<262144x128xf32, #tpu.memory_space<hbm>> -> memref<64x128xf32, #tpu.memory_space<hbm>>
    tpu.enqueue_dma source(%arg22 : memref<64x128xf32, #tpu.memory_space<vmem>>) target(%dma_start3A_37 : memref<64x128xf32, #tpu.memory_space<hbm>>) target_semaphore(%arg35 : memref<!tpu.dma_semaphore, #tpu.memory_space<semaphore_mem>>)
    %add3A_38 = arith.constant 7936 : i32
    %add3A_39 = arith.addi %mul3A_25, %add3A_38 : i32
    %dma_wait3A_40 = arith.constant 0 : i32
    %dma_wait3A_41 = tpu.memref_slice %arg9[%add3A_39, %dma_wait3A_40] : memref<262144x128xf32, #tpu.memory_space<hbm>> -> memref<64x128xf32, #tpu.memory_space<hbm>>
    %dma_wait3A_42 = arith.constant 0 : i32
    %dma_wait3A_43 = tpu.memref_slice %arg9[%add3A_39, %dma_wait3A_42] : memref<262144x128xf32, #tpu.memory_space<hbm>> -> memref<64x128xf32, #tpu.memory_space<hbm>>
    tpu.wait_dma2 semaphore(%arg32 : memref<!tpu.dma_semaphore, #tpu.memory_space<semaphore_mem>>) src(%arg19 : memref<64x128xf32, #tpu.memory_space<vmem>>) dst(%dma_wait3A_43 : memref<64x128xf32, #tpu.memory_space<hbm>>)
    %add3A_44 = arith.constant 8000 : i32
    %add3A_45 = arith.addi %mul3A_25, %add3A_44 : i32
    %dma_wait3A_46 = arith.constant 0 : i32
    %dma_wait3A_47 = tpu.memref_slice %arg9[%add3A_45, %dma_wait3A_46] : memref<262144x128xf32, #tpu.memory_space<hbm>> -> memref<64x128xf32, #tpu.memory_space<hbm>>
    %dma_wait3A_48 = arith.constant 0 : i32
    %dma_wait3A_49 = tpu.memref_slice %arg9[%add3A_45, %dma_wait3A_48] : memref<262144x128xf32, #tpu.memory_space<hbm>> -> memref<64x128xf32, #tpu.memory_space<hbm>>
    tpu.wait_dma2 semaphore(%arg33 : memref<!tpu.dma_semaphore, #tpu.memory_space<semaphore_mem>>) src(%arg20 : memref<64x128xf32, #tpu.memory_space<vmem>>) dst(%dma_wait3A_49 : memref<64x128xf32, #tpu.memory_space<hbm>>)
    %add3A_50 = arith.constant 8064 : i32
    %add3A_51 = arith.addi %mul3A_25, %add3A_50 : i32
    %dma_wait3A_52 = arith.constant 0 : i32
    %dma_wait3A_53 = tpu.memref_slice %arg9[%add3A_51, %dma_wait3A_52] : memref<262144x128xf32, #tpu.memory_space<hbm>> -> memref<64x128xf32, #tpu.memory_space<hbm>>
    %dma_wait3A_54 = arith.constant 0 : i32
    %dma_wait3A_55 = tpu.memref_slice %arg9[%add3A_51, %dma_wait3A_54] : memref<262144x128xf32, #tpu.memory_space<hbm>> -> memref<64x128xf32, #tpu.memory_space<hbm>>
    tpu.wait_dma2 semaphore(%arg34 : memref<!tpu.dma_semaphore, #tpu.memory_space<semaphore_mem>>) src(%arg21 : memref<64x128xf32, #tpu.memory_space<vmem>>) dst(%dma_wait3A_55 : memref<64x128xf32, #tpu.memory_space<hbm>>)
    %add3A_56 = arith.constant 8128 : i32
    %add3A_57 = arith.addi %mul3A_25, %add3A_56 : i32
    %dma_wait3A_58 = arith.constant 0 : i32
    %dma_wait3A_59 = tpu.memref_slice %arg9[%add3A_57, %dma_wait3A_58] : memref<262144x128xf32, #tpu.memory_space<hbm>> -> memref<64x128xf32, #tpu.memory_space<hbm>>
    %dma_wait3A_60 = arith.constant 0 : i32
    %dma_wait3A_61 = tpu.memref_slice %arg9[%add3A_57, %dma_wait3A_60] : memref<262144x128xf32, #tpu.memory_space<hbm>> -> memref<64x128xf32, #tpu.memory_space<hbm>>
    tpu.wait_dma2 semaphore(%arg35 : memref<!tpu.dma_semaphore, #tpu.memory_space<semaphore_mem>>) src(%arg22 : memref<64x128xf32, #tpu.memory_space<vmem>>) dst(%dma_wait3A_61 : memref<64x128xf32, #tpu.memory_space<hbm>>)
    "tpu.region"() ({
      %run_scoped3A = tpu.sem_alloc : memref<!tpu.dma_semaphore, #tpu.memory_space<semaphore_mem>>
      %dma_start3A_62 = tpu.memref_slice %arg10[%mul3A_2] : memref<4096xi32, #tpu.memory_space<hbm>> -> memref<128xi32, #tpu.memory_space<hbm>>
      %dma_start3A_63 = tpu.memref_slice %arg10[%mul3A_2] : memref<4096xi32, #tpu.memory_space<hbm>> -> memref<128xi32, #tpu.memory_space<hbm>>
      tpu.enqueue_dma source(%arg27 : memref<128xi32, #tpu.memory_space<vmem>>) target(%dma_start3A_63 : memref<128xi32, #tpu.memory_space<hbm>>) target_semaphore(%run_scoped3A : memref<!tpu.dma_semaphore, #tpu.memory_space<semaphore_mem>>)
      %dma_wait3A_64 = tpu.memref_slice %arg10[%mul3A_2] : memref<4096xi32, #tpu.memory_space<hbm>> -> memref<128xi32, #tpu.memory_space<hbm>>
      %dma_wait3A_65 = tpu.memref_slice %arg10[%mul3A_2] : memref<4096xi32, #tpu.memory_space<hbm>> -> memref<128xi32, #tpu.memory_space<hbm>>
      tpu.wait_dma2 semaphore(%run_scoped3A : memref<!tpu.dma_semaphore, #tpu.memory_space<semaphore_mem>>) src(%arg27 : memref<128xi32, #tpu.memory_space<vmem>>) dst(%dma_wait3A_65 : memref<128xi32, #tpu.memory_space<hbm>>)
      tpu.yield
    }) : () -> ()
    return
  }
}

module attributes {stable_mosaic.version = 14 : i64} {
  func.func @_fps_body(%arg0: memref<4x32x128xf32, #tpu.memory_space<vmem>>, %arg1: memref<4x32x128xf32, #tpu.memory_space<vmem>>, %arg2: memref<4x32x128xf32, #tpu.memory_space<vmem>>, %arg3: memref<4x32x128xf32, #tpu.memory_space<vmem>>, %arg4: memref<4x32x128xi32, #tpu.memory_space<vmem>>, %arg5: memref<4x1024x1xi32, #tpu.memory_space<vmem>>, %arg6: memref<4x1024x3xf32, #tpu.memory_space<vmem>>, %arg7: memref<4x1024x1xf32, #tpu.memory_space<vmem>>, %arg8: memref<4x1024x1xi32, #tpu.memory_space<vmem>>) attributes {dimension_semantics = [], scalar_prefetch = 0 : i64, scratch_operands = 0 : i64, tpu.core_type = #tpu.core_type<tc>} {
    %get3A = arith.constant 0 : index
    %get3A_0 = arith.constant 0 : index
    %get3A_1 = arith.constant 0 : index
    %get3A_2 = vector.load %arg0[%get3A, %get3A_0, %get3A_1] : memref<4x32x128xf32, #tpu.memory_space<vmem>>, vector<4x32x128xf32>
    %get3A_3 = arith.constant 0 : index
    %get3A_4 = arith.constant 0 : index
    %get3A_5 = arith.constant 0 : index
    %get3A_6 = vector.load %arg1[%get3A_3, %get3A_4, %get3A_5] : memref<4x32x128xf32, #tpu.memory_space<vmem>>, vector<4x32x128xf32>
    %get3A_7 = arith.constant 0 : index
    %get3A_8 = arith.constant 0 : index
    %get3A_9 = arith.constant 0 : index
    %get3A_10 = vector.load %arg2[%get3A_7, %get3A_8, %get3A_9] : memref<4x32x128xf32, #tpu.memory_space<vmem>>, vector<4x32x128xf32>
    %get3A_11 = arith.constant 0 : index
    %get3A_12 = arith.constant 0 : index
    %get3A_13 = arith.constant 0 : index
    %get3A_14 = vector.load %arg3[%get3A_11, %get3A_12, %get3A_13] : memref<4x32x128xf32, #tpu.memory_space<vmem>>, vector<4x32x128xf32>
    %iota3A = tpu.iota {dimensions = array<i32: 1>} : vector<4x32x128xi32>
    %mul3A = arith.constant 128 : i32
    %mul3A_15 = vector.broadcast %mul3A : i32 to vector<4x32x128xi32>
    %mul3A_16 = arith.muli %iota3A, %mul3A_15 : vector<4x32x128xi32>
    %iota3A_17 = tpu.iota {dimensions = array<i32: 2>} : vector<4x32x128xi32>
    %add3A = arith.addi %mul3A_16, %iota3A_17 : vector<4x32x128xi32>
    %mul3A_18 = arith.constant 1.000000e+01 : f32
    %mul3A_19 = vector.broadcast %mul3A_18 : f32 to vector<4x32x128xf32>
    %mul3A_20 = arith.mulf %mul3A_19, %get3A_14 : vector<4x32x128xf32>
    %mul3A_21 = arith.constant 1.000000e+01 : f32
    %mul3A_22 = arith.constant 4.097000e+03 : f32
    %mul3A_23 = arith.mulf %mul3A_21, %mul3A_22 : f32
    %sub3A = arith.constant 1.000000e+01 : f32
    %sub3A_24 = arith.subf %mul3A_23, %sub3A : f32
    %sub3A_25 = arith.subf %mul3A_23, %sub3A_24 : f32
    %sub3A_26 = arith.constant 1.000000e+01 : f32
    %sub3A_27 = arith.subf %sub3A_26, %sub3A_25 : f32
    %mul3A_28 = arith.constant 4.097000e+03 : f32
    %mul3A_29 = vector.broadcast %mul3A_28 : f32 to vector<4x32x128xf32>
    %mul3A_30 = arith.mulf %get3A_14, %mul3A_29 : vector<4x32x128xf32>
    %sub3A_31 = arith.subf %mul3A_30, %get3A_14 : vector<4x32x128xf32>
    %sub3A_32 = arith.subf %mul3A_30, %sub3A_31 : vector<4x32x128xf32>
    %sub3A_33 = arith.subf %get3A_14, %sub3A_32 : vector<4x32x128xf32>
    %mul3A_34 = vector.broadcast %sub3A_25 : f32 to vector<4x32x128xf32>
    %mul3A_35 = arith.mulf %mul3A_34, %sub3A_32 : vector<4x32x128xf32>
    %sub3A_36 = arith.subf %mul3A_35, %mul3A_20 : vector<4x32x128xf32>
    %mul3A_37 = vector.broadcast %sub3A_25 : f32 to vector<4x32x128xf32>
    %mul3A_38 = arith.mulf %mul3A_37, %sub3A_33 : vector<4x32x128xf32>
    %add3A_39 = arith.addf %sub3A_36, %mul3A_38 : vector<4x32x128xf32>
    %mul3A_40 = vector.broadcast %sub3A_27 : f32 to vector<4x32x128xf32>
    %mul3A_41 = arith.mulf %mul3A_40, %sub3A_32 : vector<4x32x128xf32>
    %add3A_42 = arith.addf %add3A_39, %mul3A_41 : vector<4x32x128xf32>
    %mul3A_43 = vector.broadcast %sub3A_27 : f32 to vector<4x32x128xf32>
    %mul3A_44 = arith.mulf %mul3A_43, %sub3A_33 : vector<4x32x128xf32>
    %add3A_45 = arith.addf %add3A_42, %mul3A_44 : vector<4x32x128xf32>
    %add3A_46 = arith.constant 1.000000e+00 : f32
    %add3A_47 = vector.broadcast %add3A_46 : f32 to vector<4x32x128xf32>
    %add3A_48 = arith.addf %add3A_47, %mul3A_20 : vector<4x32x128xf32>
    %sub3A_49 = arith.constant 1.000000e+00 : f32
    %sub3A_50 = vector.broadcast %sub3A_49 : f32 to vector<4x32x128xf32>
    %sub3A_51 = arith.subf %add3A_48, %sub3A_50 : vector<4x32x128xf32>
    %sub3A_52 = arith.subf %add3A_48, %sub3A_51 : vector<4x32x128xf32>
    %sub3A_53 = arith.constant 1.000000e+00 : f32
    %sub3A_54 = vector.broadcast %sub3A_53 : f32 to vector<4x32x128xf32>
    %sub3A_55 = arith.subf %sub3A_54, %sub3A_52 : vector<4x32x128xf32>
    %sub3A_56 = arith.subf %mul3A_20, %sub3A_51 : vector<4x32x128xf32>
    %add3A_57 = arith.addf %sub3A_55, %sub3A_56 : vector<4x32x128xf32>
    %add3A_58 = arith.constant 0.000000e+00 : f32
    %add3A_59 = vector.broadcast %add3A_58 : f32 to vector<4x32x128xf32>
    %add3A_60 = arith.addf %add3A_59, %add3A_45 : vector<4x32x128xf32>
    %add3A_61 = arith.addf %add3A_57, %add3A_60 : vector<4x32x128xf32>
    %add3A_62 = arith.addf %add3A_48, %add3A_61 : vector<4x32x128xf32>
    %sub3A_63 = arith.subf %add3A_62, %add3A_48 : vector<4x32x128xf32>
    %sub3A_64 = arith.subf %add3A_61, %sub3A_63 : vector<4x32x128xf32>
    %broadcast_in_dim3A = arith.constant 0x7F800000 : f32
    %broadcast_in_dim3A_65 = vector.broadcast %broadcast_in_dim3A : f32 to vector<4x32x128xf32>
    %broadcast_in_dim3A_66 = arith.constant 0.000000e+00 : f32
    %broadcast_in_dim3A_67 = vector.broadcast %broadcast_in_dim3A_66 : f32 to vector<4x32x128xf32>
    %broadcast_in_dim3A_68 = arith.constant 0 : i32
    %broadcast_in_dim3A_69 = vector.broadcast %broadcast_in_dim3A_68 : i32 to vector<4x1x1xi32>
    %scan3A = arith.constant 0 : i32
    %scan3A_70 = arith.constant 1024 : i32
    %scan3A_71 = arith.addi %scan3A, %scan3A_70 : i32
    %scan3A_72 = arith.constant 1 : i32
    %scan3A_73:3 = scf.for %scan3A_75 = %scan3A to %scan3A_71 step %scan3A_72 iter_args(%scan3A_76 = %broadcast_in_dim3A_65, %scan3A_77 = %broadcast_in_dim3A_67, %scan3A_78 = %broadcast_in_dim3A_69) -> (vector<4x32x128xf32>, vector<4x32x128xf32>, vector<4x1x1xi32>)  : i32 {
      %eq3A = vector.broadcast %scan3A_78 : vector<4x1x1xi32> to vector<4x32x128xi32>
      %eq3A_79 = arith.cmpi eq, %add3A, %eq3A : vector<4x32x128xi32>
      %jit3A = arith.constant 0.000000e+00 : f32
      %broadcast_in_dim3A_80 = vector.broadcast %jit3A : f32 to vector<4x32x128xf32>
      %select_n3A = arith.select %eq3A_79, %get3A_2, %broadcast_in_dim3A_80 : vector<4x32x128xi1>, vector<4x32x128xf32>
      %reduce_sum3A = arith.constant dense<0.000000e+00> : vector<4x32xf32>
      %reduce_sum3A_81 = vector.multi_reduction <add>, %select_n3A, %reduce_sum3A [2] : vector<4x32x128xf32> to vector<4x32xf32>
      %broadcast_in_dim3A_82 = vector.shape_cast %reduce_sum3A_81 : vector<4x32xf32> to vector<4x32x1xf32>
      %reduce_sum3A_83 = arith.constant dense<0.000000e+00> : vector<4x1xf32>
      %reduce_sum3A_84 = vector.multi_reduction <add>, %broadcast_in_dim3A_82, %reduce_sum3A_83 [1] : vector<4x32x1xf32> to vector<4x1xf32>
      %broadcast_in_dim3A_85 = vector.shape_cast %reduce_sum3A_84 : vector<4x1xf32> to vector<4x1x1xf32>
      %jit3A_86 = arith.constant 0.000000e+00 : f32
      %broadcast_in_dim3A_87 = vector.broadcast %jit3A_86 : f32 to vector<4x32x128xf32>
      %select_n3A_88 = arith.select %eq3A_79, %get3A_6, %broadcast_in_dim3A_87 : vector<4x32x128xi1>, vector<4x32x128xf32>
      %reduce_sum3A_89 = arith.constant dense<0.000000e+00> : vector<4x32xf32>
      %reduce_sum3A_90 = vector.multi_reduction <add>, %select_n3A_88, %reduce_sum3A_89 [2] : vector<4x32x128xf32> to vector<4x32xf32>
      %broadcast_in_dim3A_91 = vector.shape_cast %reduce_sum3A_90 : vector<4x32xf32> to vector<4x32x1xf32>
      %reduce_sum3A_92 = arith.constant dense<0.000000e+00> : vector<4x1xf32>
      %reduce_sum3A_93 = vector.multi_reduction <add>, %broadcast_in_dim3A_91, %reduce_sum3A_92 [1] : vector<4x32x1xf32> to vector<4x1xf32>
      %broadcast_in_dim3A_94 = vector.shape_cast %reduce_sum3A_93 : vector<4x1xf32> to vector<4x1x1xf32>
      %jit3A_95 = arith.constant 0.000000e+00 : f32
      %broadcast_in_dim3A_96 = vector.broadcast %jit3A_95 : f32 to vector<4x32x128xf32>
      %select_n3A_97 = arith.select %eq3A_79, %get3A_10, %broadcast_in_dim3A_96 : vector<4x32x128xi1>, vector<4x32x128xf32>
      %reduce_sum3A_98 = arith.constant dense<0.000000e+00> : vector<4x32xf32>
      %reduce_sum3A_99 = vector.multi_reduction <add>, %select_n3A_97, %reduce_sum3A_98 [2] : vector<4x32x128xf32> to vector<4x32xf32>
      %broadcast_in_dim3A_100 = vector.shape_cast %reduce_sum3A_99 : vector<4x32xf32> to vector<4x32x1xf32>
      %reduce_sum3A_101 = arith.constant dense<0.000000e+00> : vector<4x1xf32>
      %reduce_sum3A_102 = vector.multi_reduction <add>, %broadcast_in_dim3A_100, %reduce_sum3A_101 [1] : vector<4x32x1xf32> to vector<4x1xf32>
      %broadcast_in_dim3A_103 = vector.shape_cast %reduce_sum3A_102 : vector<4x1xf32> to vector<4x1x1xf32>
      %jit3A_104 = arith.constant 0.000000e+00 : f32
      %broadcast_in_dim3A_105 = vector.broadcast %jit3A_104 : f32 to vector<4x32x128xf32>
      %select_n3A_106 = arith.select %eq3A_79, %get3A_14, %broadcast_in_dim3A_105 : vector<4x32x128xi1>, vector<4x32x128xf32>
      %reduce_sum3A_107 = arith.constant dense<0.000000e+00> : vector<4x32xf32>
      %reduce_sum3A_108 = vector.multi_reduction <add>, %select_n3A_106, %reduce_sum3A_107 [2] : vector<4x32x128xf32> to vector<4x32xf32>
      %broadcast_in_dim3A_109 = vector.shape_cast %reduce_sum3A_108 : vector<4x32xf32> to vector<4x32x1xf32>
      %reduce_sum3A_110 = arith.constant dense<0.000000e+00> : vector<4x1xf32>
      %reduce_sum3A_111 = vector.multi_reduction <add>, %broadcast_in_dim3A_109, %reduce_sum3A_110 [1] : vector<4x32x1xf32> to vector<4x1xf32>
      %broadcast_in_dim3A_112 = vector.shape_cast %reduce_sum3A_111 : vector<4x1xf32> to vector<4x1x1xf32>
      %get3A_113 = arith.constant 0 : index
      %get3A_114 = arith.constant 0 : index
      %get3A_115 = arith.constant 0 : index
      %get3A_116 = vector.load %arg4[%get3A_113, %get3A_114, %get3A_115] : memref<4x32x128xi32, #tpu.memory_space<vmem>>, vector<4x32x128xi32>
      %jit3A_117 = arith.constant 0 : i32
      %broadcast_in_dim3A_118 = vector.broadcast %jit3A_117 : i32 to vector<4x32x128xi32>
      %select_n3A_119 = arith.select %eq3A_79, %get3A_116, %broadcast_in_dim3A_118 : vector<4x32x128xi1>, vector<4x32x128xi32>
      %reduce_sum3A_120 = arith.constant dense<0> : vector<4x32xi32>
      %reduce_sum3A_121 = vector.multi_reduction <add>, %select_n3A_119, %reduce_sum3A_120 [2] : vector<4x32x128xi32> to vector<4x32xi32>
      %broadcast_in_dim3A_122 = vector.shape_cast %reduce_sum3A_121 : vector<4x32xi32> to vector<4x32x1xi32>
      %reduce_sum3A_123 = arith.constant dense<0> : vector<4x1xi32>
      %reduce_sum3A_124 = vector.multi_reduction <add>, %broadcast_in_dim3A_122, %reduce_sum3A_123 [1] : vector<4x32x1xi32> to vector<4x1xi32>
      %broadcast_in_dim3A_125 = vector.shape_cast %reduce_sum3A_124 : vector<4x1xi32> to vector<4x1x1xi32>
      %swap3A = arith.constant 0 : index
      %swap3A_126 = arith.index_cast %scan3A_75 : i32 to index
      %swap3A_127 = arith.constant 0 : index
      %swap3A_128 = vector.load %arg5[%swap3A, %swap3A_126, %swap3A_127] : memref<4x1024x1xi32, #tpu.memory_space<vmem>>, vector<4x1x1xi32>
      tpu.vector_store %arg5[%swap3A, %swap3A_126, %swap3A_127], %scan3A_78 {strides = array<i32>} : memref<4x1024x1xi32, #tpu.memory_space<vmem>>, vector<4x1x1xi32>,
      %concatenate3A = tpu.concatenate %broadcast_in_dim3A_85, %broadcast_in_dim3A_94, %broadcast_in_dim3A_103 in 2 : vector<4x1x1xf32>, vector<4x1x1xf32>, vector<4x1x1xf32> -> vector<4x1x3xf32>
      %swap3A_129 = arith.constant 0 : index
      %swap3A_130 = arith.index_cast %scan3A_75 : i32 to index
      %swap3A_131 = arith.constant 0 : index
      %swap3A_132 = vector.load %arg6[%swap3A_129, %swap3A_130, %swap3A_131] : memref<4x1024x3xf32, #tpu.memory_space<vmem>>, vector<4x1x3xf32>
      tpu.vector_store %arg6[%swap3A_129, %swap3A_130, %swap3A_131], %concatenate3A {strides = array<i32>} : memref<4x1024x3xf32, #tpu.memory_space<vmem>>, vector<4x1x3xf32>,
      %swap3A_133 = arith.constant 0 : index
      %swap3A_134 = arith.index_cast %scan3A_75 : i32 to index
      %swap3A_135 = arith.constant 0 : index
      %swap3A_136 = vector.load %arg7[%swap3A_133, %swap3A_134, %swap3A_135] : memref<4x1024x1xf32, #tpu.memory_space<vmem>>, vector<4x1x1xf32>
      tpu.vector_store %arg7[%swap3A_133, %swap3A_134, %swap3A_135], %broadcast_in_dim3A_112 {strides = array<i32>} : memref<4x1024x1xf32, #tpu.memory_space<vmem>>, vector<4x1x1xf32>,
      %swap3A_137 = arith.constant 0 : index
      %swap3A_138 = arith.index_cast %scan3A_75 : i32 to index
      %swap3A_139 = arith.constant 0 : index
      %swap3A_140 = vector.load %arg8[%swap3A_137, %swap3A_138, %swap3A_139] : memref<4x1024x1xi32, #tpu.memory_space<vmem>>, vector<4x1x1xi32>
      tpu.vector_store %arg8[%swap3A_137, %swap3A_138, %swap3A_139], %broadcast_in_dim3A_125 {strides = array<i32>} : memref<4x1024x1xi32, #tpu.memory_space<vmem>>, vector<4x1x1xi32>,
      %broadcast_in_dim3A_141 = arith.constant 0.000000e+00 : f32
      %broadcast_in_dim3A_142 = vector.broadcast %broadcast_in_dim3A_141 : f32 to vector<4x32x128xf32>
      %broadcast_in_dim3A_143 = arith.constant 0.000000e+00 : f32
      %broadcast_in_dim3A_144 = vector.broadcast %broadcast_in_dim3A_143 : f32 to vector<4x32x128xf32>
      %neg3A = arith.constant 0.000000e+00 : f32
      %neg3A_145 = vector.broadcast %neg3A : f32 to vector<4x1x1xf32>
      %neg3A_146 = arith.subf %neg3A_145, %broadcast_in_dim3A_85 : vector<4x1x1xf32>
      %add3A_147 = vector.broadcast %neg3A_146 : vector<4x1x1xf32> to vector<4x32x128xf32>
      %add3A_148 = arith.addf %get3A_2, %add3A_147 : vector<4x32x128xf32>
      %sub3A_149 = arith.subf %add3A_148, %get3A_2 : vector<4x32x128xf32>
      %sub3A_150 = arith.subf %add3A_148, %sub3A_149 : vector<4x32x128xf32>
      %sub3A_151 = arith.subf %get3A_2, %sub3A_150 : vector<4x32x128xf32>
      %sub3A_152 = vector.broadcast %neg3A_146 : vector<4x1x1xf32> to vector<4x32x128xf32>
      %sub3A_153 = arith.subf %sub3A_152, %sub3A_149 : vector<4x32x128xf32>
      %add3A_154 = arith.addf %sub3A_151, %sub3A_153 : vector<4x32x128xf32>
      %mul3A_155 = arith.mulf %add3A_148, %add3A_148 : vector<4x32x128xf32>
      %mul3A_156 = arith.constant 4.097000e+03 : f32
      %mul3A_157 = vector.broadcast %mul3A_156 : f32 to vector<4x32x128xf32>
      %mul3A_158 = arith.mulf %add3A_148, %mul3A_157 : vector<4x32x128xf32>
      %sub3A_159 = arith.subf %mul3A_158, %add3A_148 : vector<4x32x128xf32>
      %sub3A_160 = arith.subf %mul3A_158, %sub3A_159 : vector<4x32x128xf32>
      %sub3A_161 = arith.subf %add3A_148, %sub3A_160 : vector<4x32x128xf32>
      %mul3A_162 = arith.constant 4.097000e+03 : f32
      %mul3A_163 = vector.broadcast %mul3A_162 : f32 to vector<4x32x128xf32>
      %mul3A_164 = arith.mulf %add3A_148, %mul3A_163 : vector<4x32x128xf32>
      %sub3A_165 = arith.subf %mul3A_164, %add3A_148 : vector<4x32x128xf32>
      %sub3A_166 = arith.subf %mul3A_164, %sub3A_165 : vector<4x32x128xf32>
      %sub3A_167 = arith.subf %add3A_148, %sub3A_166 : vector<4x32x128xf32>
      %mul3A_168 = arith.mulf %sub3A_160, %sub3A_166 : vector<4x32x128xf32>
      %sub3A_169 = arith.subf %mul3A_168, %mul3A_155 : vector<4x32x128xf32>
      %mul3A_170 = arith.mulf %sub3A_160, %sub3A_167 : vector<4x32x128xf32>
      %add3A_171 = arith.addf %sub3A_169, %mul3A_170 : vector<4x32x128xf32>
      %mul3A_172 = arith.mulf %sub3A_161, %sub3A_166 : vector<4x32x128xf32>
      %add3A_173 = arith.addf %add3A_171, %mul3A_172 : vector<4x32x128xf32>
      %mul3A_174 = arith.mulf %sub3A_161, %sub3A_167 : vector<4x32x128xf32>
      %add3A_175 = arith.addf %add3A_173, %mul3A_174 : vector<4x32x128xf32>
      %mul3A_176 = arith.mulf %add3A_148, %add3A_154 : vector<4x32x128xf32>
      %mul3A_177 = arith.mulf %add3A_154, %add3A_148 : vector<4x32x128xf32>
      %add3A_178 = arith.addf %mul3A_176, %mul3A_177 : vector<4x32x128xf32>
      %add3A_179 = arith.addf %add3A_175, %add3A_178 : vector<4x32x128xf32>
      %add3A_180 = arith.addf %mul3A_155, %add3A_179 : vector<4x32x128xf32>
      %sub3A_181 = arith.subf %add3A_180, %mul3A_155 : vector<4x32x128xf32>
      %sub3A_182 = arith.subf %add3A_179, %sub3A_181 : vector<4x32x128xf32>
      %add3A_183 = arith.addf %broadcast_in_dim3A_142, %add3A_180 : vector<4x32x128xf32>
      %sub3A_184 = arith.subf %add3A_183, %broadcast_in_dim3A_142 : vector<4x32x128xf32>
      %sub3A_185 = arith.subf %add3A_183, %sub3A_184 : vector<4x32x128xf32>
      %sub3A_186 = arith.subf %broadcast_in_dim3A_142, %sub3A_185 : vector<4x32x128xf32>
      %sub3A_187 = arith.subf %add3A_180, %sub3A_184 : vector<4x32x128xf32>
      %add3A_188 = arith.addf %sub3A_186, %sub3A_187 : vector<4x32x128xf32>
      %add3A_189 = arith.addf %broadcast_in_dim3A_144, %sub3A_182 : vector<4x32x128xf32>
      %add3A_190 = arith.addf %add3A_188, %add3A_189 : vector<4x32x128xf32>
      %add3A_191 = arith.addf %add3A_183, %add3A_190 : vector<4x32x128xf32>
      %sub3A_192 = arith.subf %add3A_191, %add3A_183 : vector<4x32x128xf32>
      %sub3A_193 = arith.subf %add3A_190, %sub3A_192 : vector<4x32x128xf32>
      %neg3A_194 = arith.constant 0.000000e+00 : f32
      %neg3A_195 = vector.broadcast %neg3A_194 : f32 to vector<4x1x1xf32>
      %neg3A_196 = arith.subf %neg3A_195, %broadcast_in_dim3A_94 : vector<4x1x1xf32>
      %add3A_197 = vector.broadcast %neg3A_196 : vector<4x1x1xf32> to vector<4x32x128xf32>
      %add3A_198 = arith.addf %get3A_6, %add3A_197 : vector<4x32x128xf32>
      %sub3A_199 = arith.subf %add3A_198, %get3A_6 : vector<4x32x128xf32>
      %sub3A_200 = arith.subf %add3A_198, %sub3A_199 : vector<4x32x128xf32>
      %sub3A_201 = arith.subf %get3A_6, %sub3A_200 : vector<4x32x128xf32>
      %sub3A_202 = vector.broadcast %neg3A_196 : vector<4x1x1xf32> to vector<4x32x128xf32>
      %sub3A_203 = arith.subf %sub3A_202, %sub3A_199 : vector<4x32x128xf32>
      %add3A_204 = arith.addf %sub3A_201, %sub3A_203 : vector<4x32x128xf32>
      %mul3A_205 = arith.mulf %add3A_198, %add3A_198 : vector<4x32x128xf32>
      %mul3A_206 = arith.constant 4.097000e+03 : f32
      %mul3A_207 = vector.broadcast %mul3A_206 : f32 to vector<4x32x128xf32>
      %mul3A_208 = arith.mulf %add3A_198, %mul3A_207 : vector<4x32x128xf32>
      %sub3A_209 = arith.subf %mul3A_208, %add3A_198 : vector<4x32x128xf32>
      %sub3A_210 = arith.subf %mul3A_208, %sub3A_209 : vector<4x32x128xf32>
      %sub3A_211 = arith.subf %add3A_198, %sub3A_210 : vector<4x32x128xf32>
      %mul3A_212 = arith.constant 4.097000e+03 : f32
      %mul3A_213 = vector.broadcast %mul3A_212 : f32 to vector<4x32x128xf32>
      %mul3A_214 = arith.mulf %add3A_198, %mul3A_213 : vector<4x32x128xf32>
      %sub3A_215 = arith.subf %mul3A_214, %add3A_198 : vector<4x32x128xf32>
      %sub3A_216 = arith.subf %mul3A_214, %sub3A_215 : vector<4x32x128xf32>
      %sub3A_217 = arith.subf %add3A_198, %sub3A_216 : vector<4x32x128xf32>
      %mul3A_218 = arith.mulf %sub3A_210, %sub3A_216 : vector<4x32x128xf32>
      %sub3A_219 = arith.subf %mul3A_218, %mul3A_205 : vector<4x32x128xf32>
      %mul3A_220 = arith.mulf %sub3A_210, %sub3A_217 : vector<4x32x128xf32>
      %add3A_221 = arith.addf %sub3A_219, %mul3A_220 : vector<4x32x128xf32>
      %mul3A_222 = arith.mulf %sub3A_211, %sub3A_216 : vector<4x32x128xf32>
      %add3A_223 = arith.addf %add3A_221, %mul3A_222 : vector<4x32x128xf32>
      %mul3A_224 = arith.mulf %sub3A_211, %sub3A_217 : vector<4x32x128xf32>
      %add3A_225 = arith.addf %add3A_223, %mul3A_224 : vector<4x32x128xf32>
      %mul3A_226 = arith.mulf %add3A_198, %add3A_204 : vector<4x32x128xf32>
      %mul3A_227 = arith.mulf %add3A_204, %add3A_198 : vector<4x32x128xf32>
      %add3A_228 = arith.addf %mul3A_226, %mul3A_227 : vector<4x32x128xf32>
      %add3A_229 = arith.addf %add3A_225, %add3A_228 : vector<4x32x128xf32>
      %add3A_230 = arith.addf %mul3A_205, %add3A_229 : vector<4x32x128xf32>
      %sub3A_231 = arith.subf %add3A_230, %mul3A_205 : vector<4x32x128xf32>
      %sub3A_232 = arith.subf %add3A_229, %sub3A_231 : vector<4x32x128xf32>
      %add3A_233 = arith.addf %add3A_191, %add3A_230 : vector<4x32x128xf32>
      %sub3A_234 = arith.subf %add3A_233, %add3A_191 : vector<4x32x128xf32>
      %sub3A_235 = arith.subf %add3A_233, %sub3A_234 : vector<4x32x128xf32>
      %sub3A_236 = arith.subf %add3A_191, %sub3A_235 : vector<4x32x128xf32>
      %sub3A_237 = arith.subf %add3A_230, %sub3A_234 : vector<4x32x128xf32>
      %add3A_238 = arith.addf %sub3A_236, %sub3A_237 : vector<4x32x128xf32>
      %add3A_239 = arith.addf %sub3A_193, %sub3A_232 : vector<4x32x128xf32>
      %add3A_240 = arith.addf %add3A_238, %add3A_239 : vector<4x32x128xf32>
      %add3A_241 = arith.addf %add3A_233, %add3A_240 : vector<4x32x128xf32>
      %sub3A_242 = arith.subf %add3A_241, %add3A_233 : vector<4x32x128xf32>
      %sub3A_243 = arith.subf %add3A_240, %sub3A_242 : vector<4x32x128xf32>
      %neg3A_244 = arith.constant 0.000000e+00 : f32
      %neg3A_245 = vector.broadcast %neg3A_244 : f32 to vector<4x1x1xf32>
      %neg3A_246 = arith.subf %neg3A_245, %broadcast_in_dim3A_103 : vector<4x1x1xf32>
      %add3A_247 = vector.broadcast %neg3A_246 : vector<4x1x1xf32> to vector<4x32x128xf32>
      %add3A_248 = arith.addf %get3A_10, %add3A_247 : vector<4x32x128xf32>
      %sub3A_249 = arith.subf %add3A_248, %get3A_10 : vector<4x32x128xf32>
      %sub3A_250 = arith.subf %add3A_248, %sub3A_249 : vector<4x32x128xf32>
      %sub3A_251 = arith.subf %get3A_10, %sub3A_250 : vector<4x32x128xf32>
      %sub3A_252 = vector.broadcast %neg3A_246 : vector<4x1x1xf32> to vector<4x32x128xf32>
      %sub3A_253 = arith.subf %sub3A_252, %sub3A_249 : vector<4x32x128xf32>
      %add3A_254 = arith.addf %sub3A_251, %sub3A_253 : vector<4x32x128xf32>
      %mul3A_255 = arith.mulf %add3A_248, %add3A_248 : vector<4x32x128xf32>
      %mul3A_256 = arith.constant 4.097000e+03 : f32
      %mul3A_257 = vector.broadcast %mul3A_256 : f32 to vector<4x32x128xf32>
      %mul3A_258 = arith.mulf %add3A_248, %mul3A_257 : vector<4x32x128xf32>
      %sub3A_259 = arith.subf %mul3A_258, %add3A_248 : vector<4x32x128xf32>
      %sub3A_260 = arith.subf %mul3A_258, %sub3A_259 : vector<4x32x128xf32>
      %sub3A_261 = arith.subf %add3A_248, %sub3A_260 : vector<4x32x128xf32>
      %mul3A_262 = arith.constant 4.097000e+03 : f32
      %mul3A_263 = vector.broadcast %mul3A_262 : f32 to vector<4x32x128xf32>
      %mul3A_264 = arith.mulf %add3A_248, %mul3A_263 : vector<4x32x128xf32>
      %sub3A_265 = arith.subf %mul3A_264, %add3A_248 : vector<4x32x128xf32>
      %sub3A_266 = arith.subf %mul3A_264, %sub3A_265 : vector<4x32x128xf32>
      %sub3A_267 = arith.subf %add3A_248, %sub3A_266 : vector<4x32x128xf32>
      %mul3A_268 = arith.mulf %sub3A_260, %sub3A_266 : vector<4x32x128xf32>
      %sub3A_269 = arith.subf %mul3A_268, %mul3A_255 : vector<4x32x128xf32>
      %mul3A_270 = arith.mulf %sub3A_260, %sub3A_267 : vector<4x32x128xf32>
      %add3A_271 = arith.addf %sub3A_269, %mul3A_270 : vector<4x32x128xf32>
      %mul3A_272 = arith.mulf %sub3A_261, %sub3A_266 : vector<4x32x128xf32>
      %add3A_273 = arith.addf %add3A_271, %mul3A_272 : vector<4x32x128xf32>
      %mul3A_274 = arith.mulf %sub3A_261, %sub3A_267 : vector<4x32x128xf32>
      %add3A_275 = arith.addf %add3A_273, %mul3A_274 : vector<4x32x128xf32>
      %mul3A_276 = arith.mulf %add3A_248, %add3A_254 : vector<4x32x128xf32>
      %mul3A_277 = arith.mulf %add3A_254, %add3A_248 : vector<4x32x128xf32>
      %add3A_278 = arith.addf %mul3A_276, %mul3A_277 : vector<4x32x128xf32>
      %add3A_279 = arith.addf %add3A_275, %add3A_278 : vector<4x32x128xf32>
      %add3A_280 = arith.addf %mul3A_255, %add3A_279 : vector<4x32x128xf32>
      %sub3A_281 = arith.subf %add3A_280, %mul3A_255 : vector<4x32x128xf32>
      %sub3A_282 = arith.subf %add3A_279, %sub3A_281 : vector<4x32x128xf32>
      %add3A_283 = arith.addf %add3A_241, %add3A_280 : vector<4x32x128xf32>
      %sub3A_284 = arith.subf %add3A_283, %add3A_241 : vector<4x32x128xf32>
      %sub3A_285 = arith.subf %add3A_283, %sub3A_284 : vector<4x32x128xf32>
      %sub3A_286 = arith.subf %add3A_241, %sub3A_285 : vector<4x32x128xf32>
      %sub3A_287 = arith.subf %add3A_280, %sub3A_284 : vector<4x32x128xf32>
      %add3A_288 = arith.addf %sub3A_286, %sub3A_287 : vector<4x32x128xf32>
      %add3A_289 = arith.addf %sub3A_243, %sub3A_282 : vector<4x32x128xf32>
      %add3A_290 = arith.addf %add3A_288, %add3A_289 : vector<4x32x128xf32>
      %add3A_291 = arith.addf %add3A_283, %add3A_290 : vector<4x32x128xf32>
      %sub3A_292 = arith.subf %add3A_291, %add3A_283 : vector<4x32x128xf32>
      %sub3A_293 = arith.subf %add3A_290, %sub3A_292 : vector<4x32x128xf32>
      %lt3A = arith.cmpf olt, %add3A_291, %scan3A_76 : vector<4x32x128xf32>
      %eq3A_294 = arith.cmpf oeq, %add3A_291, %scan3A_76 : vector<4x32x128xf32>
      %lt3A_295 = arith.cmpf olt, %sub3A_293, %scan3A_77 : vector<4x32x128xf32>
      %and3A = arith.andi %eq3A_294, %lt3A_295 : vector<4x32x128xi1>
      %or3A = arith.ori %lt3A, %and3A : vector<4x32x128xi1>
      %select_n3A_296 = arith.select %or3A, %add3A_291, %scan3A_76 : vector<4x32x128xi1>, vector<4x32x128xf32>
      %select_n3A_297 = arith.select %or3A, %sub3A_293, %scan3A_77 : vector<4x32x128xi1>, vector<4x32x128xf32>
      %mul3A_298 = arith.mulf %select_n3A_296, %add3A_62 : vector<4x32x128xf32>
      %mul3A_299 = arith.constant 4.097000e+03 : f32
      %mul3A_300 = vector.broadcast %mul3A_299 : f32 to vector<4x32x128xf32>
      %mul3A_301 = arith.mulf %select_n3A_296, %mul3A_300 : vector<4x32x128xf32>
      %sub3A_302 = arith.subf %mul3A_301, %select_n3A_296 : vector<4x32x128xf32>
      %sub3A_303 = arith.subf %mul3A_301, %sub3A_302 : vector<4x32x128xf32>
      %sub3A_304 = arith.subf %select_n3A_296, %sub3A_303 : vector<4x32x128xf32>
      %mul3A_305 = arith.constant 4.097000e+03 : f32
      %mul3A_306 = vector.broadcast %mul3A_305 : f32 to vector<4x32x128xf32>
      %mul3A_307 = arith.mulf %add3A_62, %mul3A_306 : vector<4x32x128xf32>
      %sub3A_308 = arith.subf %mul3A_307, %add3A_62 : vector<4x32x128xf32>
      %sub3A_309 = arith.subf %mul3A_307, %sub3A_308 : vector<4x32x128xf32>
      %sub3A_310 = arith.subf %add3A_62, %sub3A_309 : vector<4x32x128xf32>
      %mul3A_311 = arith.mulf %sub3A_303, %sub3A_309 : vector<4x32x128xf32>
      %sub3A_312 = arith.subf %mul3A_311, %mul3A_298 : vector<4x32x128xf32>
      %mul3A_313 = arith.mulf %sub3A_303, %sub3A_310 : vector<4x32x128xf32>
      %add3A_314 = arith.addf %sub3A_312, %mul3A_313 : vector<4x32x128xf32>
      %mul3A_315 = arith.mulf %sub3A_304, %sub3A_309 : vector<4x32x128xf32>
      %add3A_316 = arith.addf %add3A_314, %mul3A_315 : vector<4x32x128xf32>
      %mul3A_317 = arith.mulf %sub3A_304, %sub3A_310 : vector<4x32x128xf32>
      %add3A_318 = arith.addf %add3A_316, %mul3A_317 : vector<4x32x128xf32>
      %mul3A_319 = arith.mulf %select_n3A_296, %sub3A_64 : vector<4x32x128xf32>
      %mul3A_320 = arith.mulf %select_n3A_297, %add3A_62 : vector<4x32x128xf32>
      %add3A_321 = arith.addf %mul3A_319, %mul3A_320 : vector<4x32x128xf32>
      %add3A_322 = arith.addf %add3A_318, %add3A_321 : vector<4x32x128xf32>
      %add3A_323 = arith.addf %mul3A_298, %add3A_322 : vector<4x32x128xf32>
      %sub3A_324 = arith.subf %add3A_323, %mul3A_298 : vector<4x32x128xf32>
      %sub3A_325 = arith.subf %add3A_322, %sub3A_324 : vector<4x32x128xf32>
      %reduce_max3A = arith.constant dense<0xFF800000> : vector<4x32xf32>
      %reduce_max3A_326 = vector.multi_reduction <maximumf>, %add3A_323, %reduce_max3A [2] : vector<4x32x128xf32> to vector<4x32xf32>
      %broadcast_in_dim3A_327 = vector.shape_cast %reduce_max3A_326 : vector<4x32xf32> to vector<4x32x1xf32>
      %reduce_max3A_328 = arith.constant dense<0xFF800000> : vector<4x1xf32>
      %reduce_max3A_329 = vector.multi_reduction <maximumf>, %broadcast_in_dim3A_327, %reduce_max3A_328 [1] : vector<4x32x1xf32> to vector<4x1xf32>
      %broadcast_in_dim3A_330 = vector.shape_cast %reduce_max3A_329 : vector<4x1xf32> to vector<4x1x1xf32>
      %eq3A_331 = vector.broadcast %broadcast_in_dim3A_330 : vector<4x1x1xf32> to vector<4x32x128xf32>
      %eq3A_332 = arith.cmpf oeq, %add3A_323, %eq3A_331 : vector<4x32x128xf32>
      %jit3A_333 = arith.constant 0xFF800000 : f32
      %broadcast_in_dim3A_334 = vector.broadcast %jit3A_333 : f32 to vector<4x32x128xf32>
      %select_n3A_335 = arith.select %eq3A_332, %sub3A_325, %broadcast_in_dim3A_334 : vector<4x32x128xi1>, vector<4x32x128xf32>
      %reduce_max3A_336 = arith.constant dense<0xFF800000> : vector<4x32xf32>
      %reduce_max3A_337 = vector.multi_reduction <maximumf>, %select_n3A_335, %reduce_max3A_336 [2] : vector<4x32x128xf32> to vector<4x32xf32>
      %broadcast_in_dim3A_338 = vector.shape_cast %reduce_max3A_337 : vector<4x32xf32> to vector<4x32x1xf32>
      %reduce_max3A_339 = arith.constant dense<0xFF800000> : vector<4x1xf32>
      %reduce_max3A_340 = vector.multi_reduction <maximumf>, %broadcast_in_dim3A_338, %reduce_max3A_339 [1] : vector<4x32x1xf32> to vector<4x1xf32>
      %broadcast_in_dim3A_341 = vector.shape_cast %reduce_max3A_340 : vector<4x1xf32> to vector<4x1x1xf32>
      %eq3A_342 = vector.broadcast %broadcast_in_dim3A_330 : vector<4x1x1xf32> to vector<4x32x128xf32>
      %eq3A_343 = arith.cmpf oeq, %add3A_323, %eq3A_342 : vector<4x32x128xf32>
      %eq3A_344 = vector.broadcast %broadcast_in_dim3A_341 : vector<4x1x1xf32> to vector<4x32x128xf32>
      %eq3A_345 = arith.cmpf oeq, %sub3A_325, %eq3A_344 : vector<4x32x128xf32>
      %and3A_346 = arith.andi %eq3A_343, %eq3A_345 : vector<4x32x128xi1>
      %jit3A_347 = arith.constant 4096 : i32
      %broadcast_in_dim3A_348 = vector.broadcast %jit3A_347 : i32 to vector<4x32x128xi32>
      %select_n3A_349 = arith.select %and3A_346, %add3A, %broadcast_in_dim3A_348 : vector<4x32x128xi1>, vector<4x32x128xi32>
      %reduce_min3A = arith.constant dense<2147483647> : vector<4x32xi32>
      %reduce_min3A_350 = vector.multi_reduction <minsi>, %select_n3A_349, %reduce_min3A [2] : vector<4x32x128xi32> to vector<4x32xi32>
      %broadcast_in_dim3A_351 = vector.shape_cast %reduce_min3A_350 : vector<4x32xi32> to vector<4x32x1xi32>
      %reduce_min3A_352 = arith.constant dense<2147483647> : vector<4x1xi32>
      %reduce_min3A_353 = vector.multi_reduction <minsi>, %broadcast_in_dim3A_351, %reduce_min3A_352 [1] : vector<4x32x1xi32> to vector<4x1xi32>
      %broadcast_in_dim3A_354 = vector.shape_cast %reduce_min3A_353 : vector<4x1xi32> to vector<4x1x1xi32>
      scf.yield %select_n3A_296, %select_n3A_297, %broadcast_in_dim3A_354 : vector<4x32x128xf32>, vector<4x32x128xf32>, vector<4x1x1xi32>
    }
    %scan3A_74 = arith.constant 1024 : i32
    return
  }
}

module attributes {stable_mosaic.version = 14 : i64} {
  func.func @_u_body(%arg0: i32, %arg1: memref<2048x128xf32, #tpu.memory_space<vmem>>, %arg2: memref<2048x8xf32, #tpu.memory_space<vmem>>, %arg3: memref<128x128xf32, #tpu.memory_space<vmem>>, %arg4: memref<8x128xf32, #tpu.memory_space<vmem>>, %arg5: memref<1x128xf32, #tpu.memory_space<vmem>>, %arg6: memref<2048x128xf32, #tpu.memory_space<vmem>>) attributes {dimension_semantics = [#tpu.dimension_semantics<arbitrary>], iteration_bounds = array<i64: 8>, scalar_prefetch = 0 : i64, scratch_operands = 0 : i64, tpu.core_type = #tpu.core_type<tc>, window_params = [{transform_indices = @transform_0, window_bounds = array<i64: 2048, 128>}, {transform_indices = @transform_1, window_bounds = array<i64: 2048, 8>}, {pipeline_mode = #tpu.pipeline_mode<synchronous>, transform_indices = @transform_2, window_bounds = array<i64: 128, 128>}, {pipeline_mode = #tpu.pipeline_mode<synchronous>, transform_indices = @transform_3, window_bounds = array<i64: 8, 128>}, {pipeline_mode = #tpu.pipeline_mode<synchronous>, transform_indices = @transform_4, window_bounds = array<i64: 1, 128>}, {transform_indices = @transform_5, window_bounds = array<i64: 2048, 128>}]} {
    %get3A = arith.constant 0 : index
    %get3A_0 = arith.constant 0 : index
    %get3A_1 = vector.load %arg1[%get3A, %get3A_0] : memref<2048x128xf32, #tpu.memory_space<vmem>>, vector<2048x128xf32>
    %get3A_2 = arith.constant 0 : index
    %get3A_3 = arith.constant 0 : index
    %get3A_4 = vector.load %arg3[%get3A_2, %get3A_3] : memref<128x128xf32, #tpu.memory_space<vmem>>, vector<128x128xf32>
    %dot_general3A = arith.constant dense<0.000000e+00> : vector<2048x128xf32>
    %dot_general3A_5 = tpu.matmul %get3A_1, %get3A_4, %dot_general3A {dimension_numbers = #tpu.dot_dimension_numbers<[1], [0], [0], [1], [0, 0, 1, 1], [], []>, transpose_lhs_hint = false} : vector<2048x128xf32>, vector<128x128xf32>, vector<2048x128xf32> -> vector<2048x128xf32>
    %get3A_6 = arith.constant 0 : index
    %get3A_7 = arith.constant 0 : index
    %get3A_8 = vector.load %arg2[%get3A_6, %get3A_7] : memref<2048x8xf32, #tpu.memory_space<vmem>>, vector<2048x8xf32>
    %get3A_9 = arith.constant 0 : index
    %get3A_10 = arith.constant 0 : index
    %get3A_11 = vector.load %arg4[%get3A_9, %get3A_10] : memref<8x128xf32, #tpu.memory_space<vmem>>, vector<8x128xf32>
    %dot_general3A_12 = arith.constant dense<0.000000e+00> : vector<2048x128xf32>
    %dot_general3A_13 = tpu.matmul %get3A_8, %get3A_11, %dot_general3A_12 {dimension_numbers = #tpu.dot_dimension_numbers<[1], [0], [0], [1], [0, 0, 1, 1], [], []>, transpose_lhs_hint = false} : vector<2048x8xf32>, vector<8x128xf32>, vector<2048x128xf32> -> vector<2048x128xf32>
    %add3A = arith.addf %dot_general3A_5, %dot_general3A_13 : vector<2048x128xf32>
    %get3A_14 = arith.constant 0 : index
    %get3A_15 = arith.constant 0 : index
    %get3A_16 = vector.load %arg5[%get3A_14, %get3A_15] : memref<1x128xf32, #tpu.memory_space<vmem>>, vector<1x128xf32>
    %add3A_17 = vector.broadcast %get3A_16 : vector<1x128xf32> to vector<2048x128xf32>
    %add3A_18 = arith.addf %add3A, %add3A_17 : vector<2048x128xf32>
    %swap3A = arith.constant 0 : index
    %swap3A_19 = arith.constant 0 : index
    %swap3A_20 = vector.load %arg6[%swap3A, %swap3A_19] : memref<2048x128xf32, #tpu.memory_space<vmem>>, vector<2048x128xf32>
    tpu.vector_store %arg6[%swap3A, %swap3A_19], %add3A_18 {strides = array<i32>} : memref<2048x128xf32, #tpu.memory_space<vmem>>, vector<2048x128xf32>,
    return
  }
  func.func @transform_0(%arg0: i32) -> (i32, i32) {
    %c0_i32 = arith.constant 0 : i32
    %c0_i32_0 = arith.constant 0 : i32
    return %arg0, %c0_i32 : i32, i32
  }
  func.func @transform_1(%arg0: i32) -> (i32, i32) {
    %c0_i32 = arith.constant 0 : i32
    %c0_i32_0 = arith.constant 0 : i32
    return %arg0, %c0_i32 : i32, i32
  }
  func.func @transform_2(%arg0: i32) -> (i32, i32) {
    %c0_i32 = arith.constant 0 : i32
    %c0_i32_0 = arith.constant 0 : i32
    %c0_i32_1 = arith.constant 0 : i32
    return %c0_i32, %c0_i32_0 : i32, i32
  }
  func.func @transform_3(%arg0: i32) -> (i32, i32) {
    %c0_i32 = arith.constant 0 : i32
    %c0_i32_0 = arith.constant 0 : i32
    %c0_i32_1 = arith.constant 0 : i32
    return %c0_i32, %c0_i32_0 : i32, i32
  }
  func.func @transform_4(%arg0: i32) -> (i32, i32) {
    %c0_i32 = arith.constant 0 : i32
    %c0_i32_0 = arith.constant 0 : i32
    %c0_i32_1 = arith.constant 0 : i32
    return %c0_i32, %c0_i32_0 : i32, i32
  }
  func.func @transform_5(%arg0: i32) -> (i32, i32) {
    %c0_i32 = arith.constant 0 : i32
    %c0_i32_0 = arith.constant 0 : i32
    return %arg0, %c0_i32 : i32, i32
  }
}

module attributes {stable_mosaic.version = 14 : i64} {
  func.func @_mlp_body(%arg0: i32, %arg1: memref<8192x128xf32, #tpu.memory_space<vmem>>, %arg2: memref<128x8xf32, #tpu.memory_space<vmem>>, %arg3: memref<8x128xf32, #tpu.memory_space<vmem>>, %arg4: memref<128x256xf32, #tpu.memory_space<vmem>>, %arg5: memref<1x256xf32, #tpu.memory_space<vmem>>, %arg6: memref<128x1xi32, #tpu.memory_space<vmem>>, %arg7: memref<128x256xf32, #tpu.memory_space<vmem>>) attributes {dimension_semantics = [#tpu.dimension_semantics<arbitrary>], iteration_bounds = array<i64: 32>, scalar_prefetch = 0 : i64, scratch_operands = 0 : i64, tpu.core_type = #tpu.core_type<tc>, window_params = [{transform_indices = @transform_0, window_bounds = array<i64: 8192, 128>}, {transform_indices = @transform_1, window_bounds = array<i64: 128, 8>}, {pipeline_mode = #tpu.pipeline_mode<synchronous>, transform_indices = @transform_2, window_bounds = array<i64: 8, 128>}, {pipeline_mode = #tpu.pipeline_mode<synchronous>, transform_indices = @transform_3, window_bounds = array<i64: 128, 256>}, {pipeline_mode = #tpu.pipeline_mode<synchronous>, transform_indices = @transform_4, window_bounds = array<i64: 1, 256>}, {transform_indices = @transform_5, window_bounds = array<i64: 128, 1>}, {transform_indices = @transform_6, window_bounds = array<i64: 128, 256>}]} {
    %get3A = arith.constant 0 : index
    %get3A_0 = arith.constant 0 : index
    %get3A_1 = vector.load %arg2[%get3A, %get3A_0] : memref<128x8xf32, #tpu.memory_space<vmem>>, vector<128x8xf32>
    %get3A_2 = arith.constant 0 : index
    %get3A_3 = arith.constant 0 : index
    %get3A_4 = vector.load %arg3[%get3A_2, %get3A_3] : memref<8x128xf32, #tpu.memory_space<vmem>>, vector<8x128xf32>
    %dot_general3A = arith.constant dense<0.000000e+00> : vector<128x128xf32>
    %dot_general3A_5 = tpu.matmul %get3A_1, %get3A_4, %dot_general3A {dimension_numbers = #tpu.dot_dimension_numbers<[1], [0], [0], [1], [0, 0, 1, 1], [], []>, transpose_lhs_hint = false} : vector<128x8xf32>, vector<8x128xf32>, vector<128x128xf32> -> vector<128x128xf32>
    %get3A_6 = arith.constant 0 : index
    %get3A_7 = arith.constant 0 : index
    %get3A_8 = vector.load %arg1[%get3A_6, %get3A_7] : memref<8192x128xf32, #tpu.memory_space<vmem>>, vector<8192x128xf32>
    %reshape3A = vector.shape_cast %get3A_8 : vector<8192x128xf32> to vector<128x64x128xf32>
    %broadcast_in_dim3A = vector.shape_cast %dot_general3A_5 : vector<128x128xf32> to vector<128x1x128xf32>
    %sub3A = vector.broadcast %broadcast_in_dim3A : vector<128x1x128xf32> to vector<128x64x128xf32>
    %sub3A_9 = arith.subf %reshape3A, %sub3A : vector<128x64x128xf32>
    %max3A = arith.constant 0.000000e+00 : f32
    %max3A_10 = vector.broadcast %max3A : f32 to vector<128x64x128xf32>
    %max3A_11 = arith.maximumf %sub3A_9, %max3A_10 : vector<128x64x128xf32>
    %reshape3A_12 = vector.shape_cast %max3A_11 : vector<128x64x128xf32> to vector<8192x128xf32>
    %get3A_13 = arith.constant 0 : index
    %get3A_14 = arith.constant 0 : index
    %get3A_15 = vector.load %arg4[%get3A_13, %get3A_14] : memref<128x256xf32, #tpu.memory_space<vmem>>, vector<128x256xf32>
    %dot_general3A_16 = arith.constant dense<0.000000e+00> : vector<8192x256xf32>
    %dot_general3A_17 = tpu.matmul %reshape3A_12, %get3A_15, %dot_general3A_16 {dimension_numbers = #tpu.dot_dimension_numbers<[1], [0], [0], [1], [0, 0, 1, 1], [], []>, transpose_lhs_hint = false} : vector<8192x128xf32>, vector<128x256xf32>, vector<8192x256xf32> -> vector<8192x256xf32>
    %get3A_18 = arith.constant 0 : index
    %get3A_19 = arith.constant 0 : index
    %get3A_20 = vector.load %arg5[%get3A_18, %get3A_19] : memref<1x256xf32, #tpu.memory_space<vmem>>, vector<1x256xf32>
    %add3A = vector.broadcast %get3A_20 : vector<1x256xf32> to vector<8192x256xf32>
    %add3A_21 = arith.addf %dot_general3A_17, %add3A : vector<8192x256xf32>
    %max3A_22 = arith.constant 0.000000e+00 : f32
    %max3A_23 = vector.broadcast %max3A_22 : f32 to vector<8192x256xf32>
    %max3A_24 = arith.maximumf %add3A_21, %max3A_23 : vector<8192x256xf32>
    %reshape3A_25 = vector.shape_cast %max3A_24 : vector<8192x256xf32> to vector<128x64x256xf32>
    %iota3A = tpu.iota {dimensions = array<i32: 1>} : vector<128x64x1xi32>
    %get3A_26 = arith.constant 0 : index
    %get3A_27 = arith.constant 0 : index
    %get3A_28 = vector.load %arg6[%get3A_26, %get3A_27] : memref<128x1xi32, #tpu.memory_space<vmem>>, vector<128x1xi32>
    %broadcast_in_dim3A_29 = vector.shape_cast %get3A_28 : vector<128x1xi32> to vector<128x1x1xi32>
    %lt3A = vector.broadcast %broadcast_in_dim3A_29 : vector<128x1x1xi32> to vector<128x64x1xi32>
    %lt3A_30 = arith.cmpi slt, %iota3A, %lt3A : vector<128x64x1xi32>
    %jit3A = arith.constant -1.000000e+00 : f32
    %broadcast_in_dim3A_31 = vector.shape_cast %lt3A_30 : vector<128x64x1xi1> to vector<128x64x1xi1>
    %broadcast_in_dim3A_32 = vector.broadcast %broadcast_in_dim3A_31 : vector<128x64x1xi1> to vector<128x64x256xi1>
    %broadcast_in_dim3A_33 = vector.broadcast %jit3A : f32 to vector<128x64x256xf32>
    %select_n3A = arith.select %broadcast_in_dim3A_32, %reshape3A_25, %broadcast_in_dim3A_33 : vector<128x64x256xi1>, vector<128x64x256xf32>
    %reduce_max3A = arith.constant dense<0xFF800000> : vector<128x256xf32>
    %reduce_max3A_34 = vector.multi_reduction <maximumf>, %select_n3A, %reduce_max3A [1] : vector<128x64x256xf32> to vector<128x256xf32>
    %get3A_35 = arith.constant 0 : index
    %get3A_36 = arith.constant 0 : index
    %get3A_37 = vector.load %arg6[%get3A_35, %get3A_36] : memref<128x1xi32, #tpu.memory_space<vmem>>, vector<128x1xi32>
    %gt3A = arith.constant 0 : i32
    %gt3A_38 = vector.broadcast %gt3A : i32 to vector<128x1xi32>
    %gt3A_39 = arith.cmpi sgt, %get3A_37, %gt3A_38 : vector<128x1xi32>
    %jit3A_40 = arith.constant 0.000000e+00 : f32
    %broadcast_in_dim3A_41 = vector.shape_cast %gt3A_39 : vector<128x1xi1> to vector<128x1xi1>
    %broadcast_in_dim3A_42 = vector.broadcast %broadcast_in_dim3A_41 : vector<128x1xi1> to vector<128x256xi1>
    %broadcast_in_dim3A_43 = vector.broadcast %jit3A_40 : f32 to vector<128x256xf32>
    %select_n3A_44 = arith.select %broadcast_in_dim3A_42, %reduce_max3A_34, %broadcast_in_dim3A_43 : vector<128x256xi1>, vector<128x256xf32>
    %swap3A = arith.constant 0 : index
    %swap3A_45 = arith.constant 0 : index
    %swap3A_46 = vector.load %arg7[%swap3A, %swap3A_45] : memref<128x256xf32, #tpu.memory_space<vmem>>, vector<128x256xf32>
    tpu.vector_store %arg7[%swap3A, %swap3A_45], %select_n3A_44 {strides = array<i32>} : memref<128x256xf32, #tpu.memory_space<vmem>>, vector<128x256xf32>,
    return
  }
  func.func @transform_0(%arg0: i32) -> (i32, i32) {
    %c0_i32 = arith.constant 0 : i32
    %c0_i32_0 = arith.constant 0 : i32
    return %arg0, %c0_i32 : i32, i32
  }
  func.func @transform_1(%arg0: i32) -> (i32, i32) {
    %c0_i32 = arith.constant 0 : i32
    %c0_i32_0 = arith.constant 0 : i32
    return %arg0, %c0_i32 : i32, i32
  }
  func.func @transform_2(%arg0: i32) -> (i32, i32) {
    %c0_i32 = arith.constant 0 : i32
    %c0_i32_0 = arith.constant 0 : i32
    %c0_i32_1 = arith.constant 0 : i32
    return %c0_i32, %c0_i32_0 : i32, i32
  }
  func.func @transform_3(%arg0: i32) -> (i32, i32) {
    %c0_i32 = arith.constant 0 : i32
    %c0_i32_0 = arith.constant 0 : i32
    %c0_i32_1 = arith.constant 0 : i32
    return %c0_i32, %c0_i32_0 : i32, i32
  }
  func.func @transform_4(%arg0: i32) -> (i32, i32) {
    %c0_i32 = arith.constant 0 : i32
    %c0_i32_0 = arith.constant 0 : i32
    %c0_i32_1 = arith.constant 0 : i32
    return %c0_i32, %c0_i32_0 : i32, i32
  }
  func.func @transform_5(%arg0: i32) -> (i32, i32) {
    %c0_i32 = arith.constant 0 : i32
    %c0_i32_0 = arith.constant 0 : i32
    return %arg0, %c0_i32 : i32, i32
  }
  func.func @transform_6(%arg0: i32) -> (i32, i32) {
    %c0_i32 = arith.constant 0 : i32
    %c0_i32_0 = arith.constant 0 : i32
    return %arg0, %c0_i32 : i32, i32
  }
}

</mosaic_0001>

<sc_bundles>
// kernel: kernel.6.cloned.1.call-start
scs
__scs_entry_jumppad:
0x0: {  	(pc) =	sbr.rel $0x88, $3  }
0x1: {  	(tag) =	ssettag $0x0;
	lr =	simm.s32 $0x1  }
0x2: {  	[smem:$0x3F99] =	sst lr;
	_ =	strace $0xD0000000  }
0x3: {  	_ = 	snop  }
0x4: {  	_ = 	snop  }
0x5: {  	_ = 	snop  }
0x6: {  	_ = 	snop  }
0x7: {  	_ = 	snop  }
__scs_overlays_trampoline_lowered:
0x8: {  	[smem:$0x3FA8] =	sst s0  }
0x9: {  	[smem:$0x3FA9] =	sst s1  }
0xa: {  	[smem:$0x3FAA] =	sst s2  }
0xb: {  	[smem:$0x3FAB] =	sst s3  }
0xc: {  	[smem:$0x3FAC] =	sst s4  }
0xd: {  	[smem:$0x3FAD] =	sst s5  }
0xe: {  	[smem:$0x3FAE] =	sst s6  }
0xf: {  	[smem:$0x3FAF] =	sst s7  }
0x10: {  	[smem:$0x3FB0] =	sst s8  }
0x11: {  	[smem:$0x3FB1] =	sst s9;
	s0 =	simm.s32 @!p0 $0x0  }
0x12: {  	s1 =	sld [smem:$0x3F97];
	s0 =	simm.s32 @p0 $0x1  }
0x13: {  	[smem:$0x3FB2] =	sst s0;
	s0 =	simm.s32 @!p1 $0x0  }
0x14: {  	s2 =	sld [smem:$0x3F96];
	s0 =	simm.s32 @p1 $0x1  }
0x15: {  	[smem:$0x3FB3] =	sst s0;
	s0 =	simm.s32 @!p2 $0x0  }
0x16: {  	s3 =	sld [smem:$0x3FDB];
	s0 =	simm.s32 @p2 $0x1  }
0x17: {  	s4 =	simm.s32 $0x1BF5;
	[smem:$0x3FB5] =	sst s0  }
0x18: {  	s0 =	sld [smem:$0x3F98];
	_ =	swait.ge [sflag:s4], $0x0  }
0x19: {  	s7 =	sld [smem:$0x3F99]  }
0x1a: {  	s8 =	sadd.s32 $0xFFFFE003, lr  }
0x1b: {  	s9 =	sadd.s32 $0xFFFFFEF7, lr;
	s5 =	simm.s32 $0xFFFFFFFF;
	p2 =	slt.u32 s8, $0xFFFFF086  }
0x1c: {  	p1 =	slt.u32 s9, $0xF7A;
	s5 =	simm.s32 @!p2 $0x0  }
0x1d: {  	s5 =	simm.s32 @p1 $0x1;
	p0 =	seq.s32 s7, s2  }
0x1e: {  	s7 =	smul.u32 @!p0 $0xF7A, s2;
	p2 =	seq.s32 @!p0 s5, $0x0  }
0x1f: {  	s9 =	smul.u32 $0xF7A, s1;
	s8 =	simm.s32 @!p0 $0x1BF5;
	p2 =	por !p2, p0  }
0x20: {  	[sflag:s8] =	ssyncset.s32 @!p0 $0xFFFFF086;
	s6 =	sadd.s32 @!p0 s3, s7;
	s7 =	simm.s32 @!p0 $0x108  }
0x21: {  	s3 =	sadd.s32 s3, s9;
	s6 =	sadd.s32 @!p0 $0x88, s6;
	s7 =	simm.s32 @p2 $0x1082  }
0x22: {  	[simem:s7], [sflag:s8] =	dma.local @!p0 [hbm:s6], $0xF7A  }
0x23: {  	s9 =	sor.u32 $0xD0000000, s2;
	s6 =	simm.s32 $0x108;
	_ =	swait.ge @!p0 [sflag:s8], $0x0  }
0x24: {  	s3 =	sadd.s32 $0x88, s3;
	s6 =	simm.s32 @!p1 $0x1082;
	[sflag:s4] =	ssyncset.s32 $0xFFFFF086  }
0x25: {  	[simem:s6], [sflag:s4] =	dma.local [hbm:s3], $0xF7A  }
0x26: {  	[smem:$0x3F99] =	sst s1;
	(tag) =	ssettag s2;
	_ =	strace s9  }
0x27: {  	s1 =	sld [smem:$0x3FA9]  }
0x28: {  	s2 =	sld [smem:$0x3FAA]  }
0x29: {  	s4 =	sld [smem:$0x3FAC]  }
0x2a: {  	p0 =	seq.s32 s5, $0x0;
	s5 =	sld [smem:$0x3FAD]  }
0x2b: {  	s6 =	sld [smem:$0x3FAE]  }
0x2c: {  	s7 =	sld [smem:$0x3FAF]  }
0x2d: {  	s3 =	simm.s32 $0x108;
	s8 =	sld [smem:$0x3FB0]  }
0x2e: {  	s3 =	simm.s32 @!p0 $0x1082;
	s9 =	sld [smem:$0x3FB1]  }
0x2f: {  	lr =	sadd.s32 s0, s3;
	s0 =	sld [smem:$0x3FA8]  }
0x30: {  	s3 =	sld [smem:$0x3FAB]  }
0x31: {  	[smem:$0x3FB4] =	sst s10  }
0x32: {  	s10 =	sld [smem:$0x3FB2];
	_ =	sdelay $0x3  }
0x33: {  	p0 =	seq.s32 s10, $0x1;
	s10 =	sld [smem:$0x3FB4];
	_ =	sdelay $0x3  }
0x34: {  	[smem:$0x3FB4] =	sst s10  }
0x35: {  	s10 =	sld [smem:$0x3FB3];
	_ =	sdelay $0x3  }
0x36: {  	p1 =	seq.s32 s10, $0x1;
	s10 =	sld [smem:$0x3FB4];
	_ =	sdelay $0x3  }
0x37: {  	[smem:$0x3FB4] =	sst s10  }
0x38: {  	s10 =	sld [smem:$0x3FB5]  }
0x39: {  	_ = 	snop;
	(pc) =	sbr.ind lr, $3  }
0x3a: {  	_ = 	snop  }
0x3b: {  	_ = 	snop  }
0x3c: {  	p2 =	seq.s32 s10, $0x1;
	s10 =	sld [smem:$0x3FB4]  }
0x3d: {  	_ =	shalt  }
0x3e: {  	_ =	shalt  }
0x3f: {  	_ =	shalt  }
0x40: {  	_ =	shalt  }
0x41: {  	_ =	shalt  }
0x42: {  	_ =	shalt  }
0x43: {  	_ =	shalt  }
0x44: {  	_ =	shalt  }
0x45: {  	_ =	shalt  }
0x46: {  	_ =	shalt  }
0x47: {  	_ =	shalt  }
0x48: {  	_ =	shalt  }
0x49: {  	_ =	shalt  }
0x4a: {  	_ =	shalt  }
0x4b: {  	_ =	shalt  }
0x4c: {  	_ =	shalt  }
0x4d: {  	_ =	shalt  }
0x4e: {  	_ =	shalt  }
0x4f: {  	_ =	shalt  }
0x50: {  	_ =	shalt  }
0x51: {  	_ =	shalt  }
0x52: {  	_ =	shalt  }
0x53: {  	_ =	shalt  }
0x54: {  	_ =	shalt  }
0x55: {  	_ =	shalt  }
0x56: {  	_ =	shalt  }
0x57: {  	_ =	shalt  }
0x58: {  	_ =	shalt  }
0x59: {  	_ =	shalt  }
0x5a: {  	_ =	shalt  }
0x5b: {  	_ =	shalt  }
0x5c: {  	_ =	shalt  }
0x5d: {  	_ =	shalt  }
0x5e: {  	_ =	shalt  }
0x5f: {  	_ =	shalt  }
0x60: {  	_ =	shalt  }
0x61: {  	_ =	shalt  }
0x62: {  	_ =	shalt  }
0x63: {  	_ =	shalt  }
0x64: {  	_ =	shalt  }
0x65: {  	_ =	shalt  }
0x66: {  	_ =	shalt  }
0x67: {  	_ =	shalt  }
0x68: {  	_ =	shalt  }
0x69: {  	_ =	shalt  }
0x6a: {  	_ =	shalt  }
0x6b: {  	_ =	shalt  }
0x6c: {  	_ =	shalt  }
0x6d: {  	_ =	shalt  }
0x6e: {  	_ =	shalt  }
0x6f: {  	_ =	shalt  }
0x70: {  	_ =	shalt  }
0x71: {  	_ =	shalt  }
0x72: {  	_ =	shalt  }
0x73: {  	_ =	shalt  }
0x74: {  	_ =	shalt  }
0x75: {  	_ =	shalt  }
0x76: {  	_ =	shalt  }
0x77: {  	_ =	shalt  }
0x78: {  	_ =	shalt  }
0x79: {  	_ =	shalt  }
0x7a: {  	_ =	shalt  }
0x7b: {  	_ =	shalt  }
0x7c: {  	_ =	shalt  }
0x7d: {  	_ =	shalt  }
0x7e: {  	_ =	shalt  }
0x7f: {  	_ =	shalt  }
0x80: {  	_ =	shalt  }
0x81: {  	_ =	shalt  }
0x82: {  	_ =	shalt  }
0x83: {  	_ =	shalt  }
0x84: {  	_ =	shalt  }
0x85: {  	_ =	shalt  }
0x86: {  	_ =	shalt  }
0x87: {  	_ =	shalt  }
.Lfunc_end0:
.L_simem_size_0:
called_computation_lowered:
.L_overlay_start_0:
0x88: {  	s2 =	sld [smem:$0x3FD9]  }
0x89: {  	s3 =	sld [smem:$0x3FFE];
	_ =	sdelay $0x1  }
0x8a: {  	s1 =	srdreg.scid  }
0x8b: {  	s0 =	sand.u32 $0x1, s1  }
0x8c: {  	s14 =	sshll.u32 s0, $0xA;
	s2 =	sadd.s32 s3, s2  }
0x8d: {  	s2 =	sadd.s32 s2, s14  }
0x8e: {  	[smem:$0x3FC0] =	sst s2  }
0x8f: {  	_ = 	snop  }
0x90: {  	s2 =	sld [smem:$0x3FD0];
	_ =	sdelay $0x2  }
0x91: {  	s15 =	simm.s32 $0xA;
	s4 =	simm.s32 $0x10  }
0x92: {  	[smem:s4], [sflag:s15] =	dma.local [hbm:s2], $0x1  }
0x93: {  	_ =	swait.eq [sflag:s15], $0x1  }
0x94: {  	[sflag:s15] =	ssyncset.done $0x0  }
0x95: {  	[sflag:s15] =	ssyncadd.s32 $0xFFFFFFFF  }
0x96: {  	s16 =	sld [smem:$0x10];
	(tm) =	ssettm $0x1  }
0x97: {  	s17 =	sld [smem:$0x3FFB];
	_ =	sdelay $0x3  }
0x98: {  	_ =	strace s17  }
0x99: {  	s3 =	sld [smem:$0x3FFC];
	_ =	sdelay $0x3  }
0x9a: {  	_ =	strace s3  }
0x9b: {  	s3 =	sld [smem:$0x3FFD];
	_ =	sdelay $0x3  }
0x9c: {  	_ =	strace s3  }
0x9d: {  	_ =	strace $0x8FFFFFFF  }
0x9e: {  	s18 =	sld [smem:$0x3FDB];
	_ =	sdelay $0x1  }
0x9f: {  	s19 =	simm.s32 $_scs_section_size  }
0xa0: {  	s5 =	simm.s32 $_size__tile_overlayer_lowered;
	s6 =	simm.s32 $_tile_overlayer_lowered  }
0xa1: {  	s22 =	simm.s32 $0x1BFF;
	s21 =	sshll.u32 s6, $0x1;
	s3 =	sadd.s32 s19, s18  }
0xa2: {  	s7 =	simm.s32 $0x0;
	s20 =	sshll.u32 s5, $0x1;
	s5 =	sadd.s32 s21, s3  }
0xa3: {  	[timem:s7], [sflag:s22] =	dma.local [hbm:s5], s20  }
0xa4: {  	_ =	swait.ge [sflag:s22], s20  }
0xa5: {  	s4 =	ssub.s32 $0x0, s20;
	[sflag:s22] =	ssyncset.done $0x0  }
0xa6: {  	[sflag:s22] =	ssyncadd.s32 s4;
	_ =	sdelay $0x1  }
0xa7: {  	s23 =	simm.s32 $0x1B8B  }
0xa8: {  	_ =	swait.ge [sflag:s23], $0x1  }
0xa9: {  	[sflag:s23] =	ssyncset.done $0x0  }
0xaa: {  	s25 =	simm.s32 $0x1B8E;
	s24 =	sld [smem:$0x3FFE];
	[sflag:s23] =	ssyncadd.s32 $0xFFFFFFFF  }
0xab: {  	s26 =	simm.s32 $execute0_lowered;
	[smem:$0x3FD2] =	sst s25  }
0xac: {  	s5 =	sshll.u32 s26, $0x1;
	_ =	strace $0x80000046;
	[dreg:$0x1] =	wrdreg $0xFFFFFFFF  }
0xad: {  	s28 =	simm.s32 $_size_execute0_lowered;
	s3 =	sadd.s32 s3, s5;
	[dreg:$0x0] =	wrdreg $0x0  }
0xae: {  	s5 =	sshll.u32 s28, $0x1;
	[dreg:$0x2] =	wrdreg s3  }
0xaf: {  	[dreg:$0x3] =	wrdreg s5  }
0xb0: {  	[dreg:$0x4] =	wrdreg $0xC0  }
0xb1: {  	_ =	task [dreg:s7], $0x5FFFF  }
0xb2: {  	[dreg:$0x1] =	wrdreg $0xFFFFFFFF  }
0xb3: {  	[dreg:$0x0] =	wrdreg $0x60  }
0xb4: {  	[dreg:$0x2] =	wrdreg s24  }
0xb5: {  	[dreg:$0x3] =	wrdreg s16  }
0xb6: {  	[dreg:$0x4] =	wrdreg $0x9  }
0xb7: {  	_ =	task.clear_ibuf [dreg:s7], $0x5FFFF;
	_ =	strace $0x90000046  }
0xb8: {  	s29 =	simm.s32 $0x9;
	_ =	strace $0x80000048  }
0xb9: {  	_ =	swait.ge [sflag:s29], $0x1  }
0xba: {  	[sflag:s29] =	ssyncadd.s32 $0xFFFFFFFF  }
0xbb: {  	_ =	strace $0x90000048  }
0xbc: {  	_ =	sfence  }
0xbd: {  	s30 =	sld [smem:$0x0];
	_ =	sdelay $0x2  }
0xbe: {  	s31 =	sshll.u32 s1, $0xD;
	s1 =	sshrl.u32 s1, $0x2  }
0xbf: {  	s3 =	sand.u32 $0x4000, s31;
	s1 =	sadd.s32 s1, s30  }
0xc0: {  	s0 =	sor.u32 s3, s0;
	s1 =	sshll.u32 s1, $0x11  }
0xc1: {  	s0 =	sor.u32 s1, s0  }
0xc2: {  	s0 =	sadd.s32 $0x8F2B, s0  }
0xc3: {  	[sflag:s0] =	ssyncadd.remote.s32 $0x1  }
0xc4: {  	_ =	sfence.sel $0xFFFF  }
0xc5: {  	[dreg:$0x0] =	wrdreg $0xFFFFFFFF;
	(pc) =	sbr.abs _section_cstart, $3  }
0xc6: {  	[dreg:$0x1] =	wrdreg $0xFFFFFFFF  }
0xc7: {  	_ =	task.clear_ibuf [dreg:s7], $0x2FFFF;
	_ =	strace $0x9FFFFFFF  }
0xc8: {  	(tm) =	ssettm $0x7FFFFFFF  }
0xc9: {  	_ =	shalt  }
tec
execute0_lowered:
.L_overlay_start_1:
0x0: {  	(tag) =	ssettag $0x1  }
0x1: {  	s0 =	srdreg.scid  }
0x2: {  	s2 =	stileid.u32;
	s3 =	rddreg [dreg:$0x0]  }
0x3: {  	s5 =	rddreg [dreg:$0x1];
	s7 =	simm.s32 $0x0;
	s0 =	sand.u32 $0x1, s0  }
0x4: {  	[smem:$0x7FF] =	sst s7;
	s20 =	sadd.s32 $0x2A00, s3;
	s1 =	sshll.u32 s0, $0x4  }
0x5: {  	_ =	strace $0x80000047;
	s1 =	sor.u32 s2, s1;
	s2 =	sand.u32 $0x7, s2  }
0x6: {  	s0 =	ssub.s32 $0x2, s0;
	p0 =	seq.s32 s1, $0x0;
	p1 =	sne.s32 s2, $0x0  }
0x7: {  	[dreg:$0x4] =	wrdreg s20;
	s6 =	sshrl.u32 s0, $0x1;
	p0 =	por !p1, !p0  }
0x8: {  	s2 =	simm.s32 $0x1;
	s4 =	sshrl.u32 s1, $0x3;
	p0 =	por !p0, !p0  }
0x9: {  	s21 =	sshll.u32 s1, $0x11;
	s0 =	ssub.s32 s0, s6;
	s2 =	simm.s32 @!p0 $0x0  }
0xa: {  	s0 =	smax.u32 s0, $0x1;
	s2 =	ssub.s32 s4, s2;
	s4 =	sadd.s32 s21, s3  }
0xb: {  	[dreg:$0xf] =	wrdreg s0;
	s26 =	sadd.s32 $0x42800, s4  }
0xc: {  	s28 =	sadd.s32 $0x42C00, s4;
	[dreg:$0xb] =	wrdreg s26  }
0xd: {  	s29 =	sadd.s32 $0x62800, s4;
	[dreg:$0xc] =	wrdreg s28  }
0xe: {  	s8 =	sshll.u32 s2, $0xC;
	[dreg:$0xd] =	wrdreg s29  }
0xf: {  	s1 =	sshll.u32 s1, $0x4;
	s2 =	sshrl.u32 s8, $0x3;
	[dreg:$0x3] =	wrdreg s8  }
0x10: {  	s2 =	sadd.s32 s2, s3;
	s3 =	sadd.s32 s1, s3;
	s1 =	sadd.s32 s5, s1  }
0x11: {  	s22 =	sadd.s32 $0x1E00, s2;
	[dreg:$0xa] =	wrdreg s1  }
0x12: {  	s30 =	simm.s32 $0xD380;
	s23 =	sadd.s32 $0x1600, s2;
	[dreg:$0x5] =	wrdreg s22  }
.Ltmp0:
0x13: {  	s2 =	sadd.s32 $0xE00, s2;
	[dreg:$0x6] =	wrdreg s23;
	(pc) =	sbr.rel .LBB2_1-.Ltmp0, $4  }
0x14: {  	s11 =	simm.s32 $0x4200;
	s24 =	sadd.s32 $0x2800, s3;
	[dreg:$0x7] =	wrdreg s2  }
0x15: {  	v0 =	vlaneseq.u32;
	s14 =	simm.s32 $0x3180;
	s25 =	sadd.s32 $0x2600, s3;
	[dreg:$0x8] =	wrdreg s24  }
0x16: {  	v5 =	vimm.f32 $+Inf;
	v2 =	vor.u32 $0x10, v0;
	s0 =	simm.s32 $0xD400;
	s31 =	sadd.s32 $0x42A00, s3;
	[dreg:$0x9] =	wrdreg s25  }
0x17: {  	v3 =	vor.u32 $0x20, v0;
	v4 =	vor.u32 $0x30, v0;
	v1 =	vmov s8;
	s3 =	simm.s32 $0x0;
	[dreg:$0xe] =	wrdreg s31;
	s2 =	simm.s32 $0x9  }
.LBB2_107:
0x18: {  	s1 =	simm.s32 $0x4  }
0x19: {  	_ =	swait.ge [sflag:s1], $0x2000  }
0x1a: {  	s2 =	simm.s32 $0xB280;
	[sflag:s1] =	ssyncset.done $0x0  }
0x1b: {  	s23 =	simm.s32 $0x5;
	s22 =	rddreg [dreg:$0xd];
	[sflag:s1] =	ssyncadd.s32 $0xFFFFE000  }
0x1c: {  	[hbm4b:s22+s7] =	stream.linear.scatter [tilespmem:s2], [sflag:$0x8], $0x2000, $0x38;
	[tilespmem:$0xD500] =	vst v63  }
0x1d: {  	_ =	swait.ge [sflag:s23], $0x2000  }
0x1e: {  	[sflag:s23] =	ssyncset.done $0x0  }
0x1f: {  	s24 =	simm.s32 $0x6;
	[sflag:s23] =	ssyncadd.s32 $0xFFFFE000  }
0x20: {  	_ =	swait.ge [sflag:s24], $0x2000  }
0x21: {  	[sflag:s24] =	ssyncset.done $0x0  }
0x22: {  	s25 =	simm.s32 $0x7;
	[sflag:s24] =	ssyncadd.s32 $0xFFFFE000  }
0x23: {  	_ =	swait.ge [sflag:s25], $0x2000  }
0x24: {  	[sflag:s25] =	ssyncset.done $0x0  }
0x25: {  	s26 =	simm.s32 $0x8;
	[sflag:s25] =	ssyncadd.s32 $0xFFFFE000  }
0x26: {  	_ =	swait.ge [sflag:s26], $0x2000  }
0x27: {  	s29 =	simm.s32 $0xD480;
	[sflag:s26] =	ssyncset.done $0x0  }
0x28: {  	s2 =	simm.s32 $0x9;
	s28 =	rddreg [dreg:$0xe];
	[sflag:s26] =	ssyncadd.s32 $0xFFFFE000  }
0x29: {  	[hbm4b:s28+s7] =	stream.linear.scatter [tilespmem:s29], [sflag:$0x9], $0x80, $0x38;
	[tilespmem:$0xD500] =	vst v63  }
0x2a: {  	_ =	swait.ge [sflag:s2], $0x80  }
0x2b: {  	s3 =	rddreg [dreg:$0x10]  }
0x2c: {  	s31 =	rddreg [dreg:$0xf];
	s3 =	sadd.s32 $0x1, s3  }
0x2d: {  	p0 =	sne.s32 s3, s31  }
.Ltmp1:
0x2e: {  	_ = 	snop;
	(pc) =	sbr.rel @!p0 .LBB2_108-.Ltmp1, $3  }
0x2f: {  	_ =	sdelay $0x1  }
0x30: {  	[sflag:s2] =	ssyncset.done $0x0  }
0x31: {  	[sflag:s2] =	ssyncadd.s32 $0xFFFFFF80  }
.LBB2_1:
0x32: {  	[dreg:$0x10] =	wrdreg s3  }
0x33: {  	s1 =	rddreg [dreg:$0x5]  }
0x34: {  	[tilespmem:s7], [sflag:$0x9] =	stream.linear.gather [hbm4b:s1+s7], $0x1000, $0x38;
	[tilespmem:$0xD500] =	vst v63  }
0x35: {  	_ =	swait.ge [sflag:s2], $0x1000  }
0x36: {  	[sflag:s2] =	ssyncset.done $0x0  }
0x37: {  	s21 =	simm.s32 $0x1000;
	s20 =	rddreg [dreg:$0x6];
	[sflag:s2] =	ssyncadd.s32 $0xFFFFF000  }
0x38: {  	[tilespmem:s21], [sflag:$0x9] =	stream.linear.gather [hbm4b:s20+s7], $0x1000, $0x38;
	[tilespmem:$0xD500] =	vst v63  }
0x39: {  	_ =	swait.ge [sflag:s2], $0x1000  }
0x3a: {  	[sflag:s2] =	ssyncset.done $0x0  }
0x3b: {  	s23 =	simm.s32 $0x2000;
	s22 =	rddreg [dreg:$0x7];
	[sflag:s2] =	ssyncadd.s32 $0xFFFFF000  }
0x3c: {  	[tilespmem:s23], [sflag:$0x9] =	stream.linear.gather [hbm4b:s22+s7], $0x1000, $0x38;
	[tilespmem:$0xD500] =	vst v63  }
0x3d: {  	_ =	swait.ge [sflag:s2], $0x1000  }
0x3e: {  	[sflag:s2] =	ssyncset.done $0x0  }
0x3f: {  	s25 =	simm.s32 $0x3000;
	s24 =	rddreg [dreg:$0x8];
	[sflag:s2] =	ssyncadd.s32 $0xFFFFF000  }
0x40: {  	[tilespmem:s25], [sflag:$0x9] =	stream.linear.gather [hbm4b:s24+s7], $0x80, $0x38;
	[tilespmem:$0xD500] =	vst v63  }
0x41: {  	_ =	swait.ge [sflag:s2], $0x80  }
0x42: {  	[sflag:s2] =	ssyncset.done $0x0  }
0x43: {  	s28 =	simm.s32 $0x3080;
	s26 =	rddreg [dreg:$0x9];
	[sflag:s2] =	ssyncadd.s32 $0xFFFFFF80  }
0x44: {  	[tilespmem:s28], [sflag:$0x9] =	stream.linear.gather [hbm4b:s26+s7], $0x80, $0x38;
	[tilespmem:$0xD500] =	vst v63  }
0x45: {  	_ =	swait.ge [sflag:s2], $0x80  }
0x46: {  	s31 =	simm.s32 $0x3100;
	[sflag:s2] =	ssyncset.done $0x0  }
.Ltmp2:
0x47: {  	s29 =	rddreg [dreg:$0xa];
	[sflag:s2] =	ssyncadd.s32 $0xFFFFFF80;
	(pc) =	sbr.rel .LBB2_2-.Ltmp2, $4  }
0x48: {  	[tilespmem:s31], [sflag:$0x9] =	stream.linear.gather [hbm4b:s29+s7], $0x80, $0x38;
	[tilespmem:$0xD500] =	vst v63  }
0x49: {  	_ =	swait.ge [sflag:s2], $0x80  }
0x4a: {  	[sflag:s2] =	ssyncset.done $0x0  }
0x4b: {  	s16 =	simm.s32 $0x0;
	[sflag:s2] =	ssyncadd.s32 $0xFFFFFF80  }
.LBB2_83:
0x4c: {  	v8 =	vld [tilespmem:$0x4200]  }
0x4d: {  	v9 =	vld [tilespmem:$0x4210]  }
0x4e: {  	v10 =	vld [tilespmem:$0x4220]  }
0x4f: {  	v11 =	vld [tilespmem:$0x4230]  }
0x50: {  	vm0 =	vgt.s32 v6, v0  }
0x51: {  	vm13 =	vgt.s32 v6, v2;
	v8 =	vsel vm0, v8, v1  }
0x52: {  	vm14 =	vgt.s32 v6, v3;
	[tilespmem:$0xD400] =	vst v8;
	v8 =	vsel vm13, v9, v1  }
0x53: {  	vm15 =	vgt.s32 v6, v4;
	[tilespmem:$0xD410] =	vst v8;
	v8 =	vsel vm14, v10, v1  }
0x54: {  	[tilespmem:$0xD420] =	vst v8;
	v8 =	vsel vm15, v11, v1  }
0x55: {  	[tilespmem:$0xD430] =	vst v8  }
.LBB2_106:
0x56: {  	_ =	sdelay $0x1  }
0x57: {  	vm0 =	vlt.s32 v6, $0x40;
	s1 =	simm.s32 $0xD480  }
0x58: {  	s25 =	rddreg [dreg:$0x4];
	s2 =	simm.s32 $0x40;
	s16 =	sadd.s32 $0x1, s16;
	v6 =	vnsel vm0, $0x40, v6  }
0x59: {  	s3 =	simm.s32 $0xB280;
	s26 =	simm.s32 $0x3;
	p0 =	sne.s32 s16, $0x20;
	[tilespmem:v7+s1+$0x0] =	vst.idx.msk $0x1, v6  }
0x5a: {  	[tilespmem:s3], [sflag:$0x4] =	stream.indirect.gather [hbm4b:s25+s2], $0x80, s0, s2, $0xb8;
	[tilespmem:$0xD500] =	vst v63  }
.Ltmp3:
0x5b: {  	_ =	swait.ge [sflag:s26], $0x2000;
	(pc) =	sbr.rel @!p0 .LBB2_107-.Ltmp3, $4  }
0x5c: {  	s7 =	simm.s32 $0x0;
	s28 =	rddreg [dreg:$0x12]  }
0x5d: {  	[sflag:s26] =	ssyncset.done $0x0;
	s29 =	rddreg [dreg:$0xc];
	s1 =	sshll.u32 s28, $0xA  }
0x5e: {  	s31 =	simm.s32 $0x9280;
	[sflag:s26] =	ssyncadd.s32 $0xFFFFE000;
	s1 =	sadd.s32 s1, s29  }
0x5f: {  	[hbm4b:s1+s7] =	stream.linear.scatter [tilespmem:s31], [sflag:$0x7], $0x2000, $0x38;
	[tilespmem:$0xD500] =	vst v63  }
.LBB2_2:
0x60: {  	s1 =	sshll.u32 s16, $0x2  }
0x61: {  	v6 =	vmov s1  }
0x62: {  	p0 =	seq.s32 s16, $0x0;
	v6 =	vand.u32 $0xFFFFFFFC, v6  }
0x63: {  	[dreg:$0x11] =	wrdreg s1;
	s1 =	simm.s32 @!p0 $0x5;
	v7 =	vbroadcast v6, $0x0  }
0x64: {  	_ =	swait.ge @!p0 [sflag:s1], $0x2000  }
0x65: {  	[sflag:s1] =	ssyncset.done @!p0 $0x0  }
0x66: {  	s29 =	simm.s32 $0x0;
	[sflag:s1] =	ssyncadd.s32 @!p0 $0xFFFFE000  }
0x67: {  	v6 =	vld [tilespmem:s29+$0x1000]  }
0x68: {  	s26 =	simm.s32 $0x3000;
	v11 =	vld [tilespmem:s29+$0x0]  }
0x69: {  	s28 =	simm.s32 $0x3080;
	v8 =	vld.idx.msk [tilespmem:v7+s26+$0x0], $0xffff  }
0x6a: {  	v9 =	vld.idx.msk [tilespmem:v7+s28+$0x0], $0xffff  }
0x6b: {  	s31 =	simm.s32 $0x3100;
	v12 =	vld [tilespmem:s29+$0x2000]  }
0x6c: {  	v10 =	vld.idx.msk [tilespmem:v7+s31+$0x0], $0xffff;
	_ =	sdelay $0x2  }
0x6d: {  	v11 =	vsub.f32 v11, v8;
	v6 =	vsub.f32 v6, v9;
	_ =	sdelay $0x1  }
0x6e: {  	v12 =	vsub.f32 v12, v10;
	v11 =	vmul.f32 v11, v11;
	v6 =	vmul.f32 v6, v6;
	_ =	sdelay $0x1  }
0x6f: {  	v6 =	vadd.f32 v6, v11;
	v11 =	vmul.f32 v12, v12;
	_ =	sdelay $0x1  }
0x70: {  	v6 =	vadd.f32 v11, v6;
	_ =	sdelay $0x1  }
0x71: {  	vm0 =	vle.f32 v6, $2.250000090e-02  }
0x72: {  	v11 =	vmpcnt.ones.xlane vm0;
	_ =	sdelay $0x1  }
0x73: {  	s2 =	simm.s32 @!p0 $0x0;
	v11 =	vxor.u32 $0x80000000, v11  }
0x74: {  	s2 =	simm.s32 @p0 $0x1;
	(xrf0) =	vmax.scan.msk.u32 $0xffff, v11  }
0x75: {  	[smem:$0x7FD] =	sst s2  }
0x76: {  	s2 =	rddreg [dreg:$0x3];
	s1 =	simm.s32 $0x0  }
0x77: {  	[tilespmem:s1+$0x3180] =	vst.msk vm0, v6;
	v6 =	vor.u32 s2, v0  }
0x78: {  	s4 =	simm.s32 $0x10;
	[tilespmem:s1+$0x4200] =	vst.msk vm0, v6  }
0x79: {  	s3 =	simm.s32 $0x80;
	v11 =	vld [tilespmem:s4+$0x1000]  }
.LBB2_3:
0x7a: {  	p0 =	sne.s32 s3, $0x3FC0;
	v12 =	vld [tilespmem:s4+$0x0];
	v13, _, _ =	vpop (xrf0)  }
0x7b: {  	(v2sf) =	vpush v13, $0xF  }
0x7c: {  	v13 =	vld [tilespmem:s4+$0x2000];
	_ =	sdelay $0x2  }
0x7d: {  	v11 =	vsub.f32 v11, v9;
	v12 =	vsub.f32 v12, v8;
	_ =	sdelay $0x1  }
0x7e: {  	v11 =	vmul.f32 v11, v11;
	v13 =	vsub.f32 v13, v10;
	v12 =	vmul.f32 v12, v12;
	_ =	sdelay $0x1  }
0x7f: {  	v11 =	vadd.f32 v11, v12;
	v12 =	vmul.f32 v13, v13;
	_ =	sdelay $0x1  }
0x80: {  	v11 =	vadd.f32 v12, v11;
	_ =	sdelay $0x1  }
0x81: {  	vm0 =	vle.f32 v11, $2.250000090e-02  }
0x82: {  	v12 =	vmpcnt.ones.xlane vm0;
	_ =	sdelay $0x1  }
0x83: {  	v12 =	vxor.u32 $0x80000000, v12;
	s4 =	spop (v2sf)  }
0x84: {  	(xrf0) =	vmax.scan.msk.u32 $0xffff, v12;
	s1 =	sadd.s32 s4, s1  }
.Ltmp4:
0x85: {  	s2 =	sadd.s32 $0x10, s2;
	s1 =	sadd.s32 $0x80000000, s1;
	(pc) =	sbr.rel @p0 .LBB2_3-.Ltmp4, $4  }
0x86: {  	[tilespmem:s1+$0x3180] =	vst.msk vm0, v11;
	v11 =	vor.u32 s2, v0  }
0x87: {  	[tilespmem:s1+$0x4200] =	vst.msk vm0, v11  }
0x88: {  	s4 =	sshra.s32 s3, $0x2  }
0x89: {  	s3 =	sadd.s32 $0x40, s3;
	v11 =	vld [tilespmem:s4+$0x1000]  }
0x8a: {  	v12 =	vld [tilespmem:s4+$0x0];
	_ =	sdelay $0x1  }
0x8b: {  	v13 =	vld [tilespmem:s4+$0x2000];
	_ =	sdelay $0x2  }
0x8c: {  	v9 =	vsub.f32 v11, v9;
	v8 =	vsub.f32 v12, v8;
	_ =	sdelay $0x1  }
0x8d: {  	v10 =	vsub.f32 v13, v10;
	v9 =	vmul.f32 v9, v9;
	v8 =	vmul.f32 v8, v8;
	_ =	sdelay $0x1  }
0x8e: {  	v8 =	vadd.f32 v9, v8;
	v9 =	vmul.f32 v10, v10;
	_ =	sdelay $0x1  }
0x8f: {  	v8 =	vadd.f32 v9, v8;
	_ =	sdelay $0x1  }
0x90: {  	vm0 =	vle.f32 v8, $2.250000090e-02  }
0x91: {  	v9 =	vmpcnt.ones.xlane vm0;
	_ =	sdelay $0x1  }
0x92: {  	v9 =	vxor.u32 $0x80000000, v9  }
0x93: {  	(xrf0) =	vmax.scan.msk.u32 $0xffff, v9;
	_ =	sdelay $0x3  }
0x94: {  	v9, _, _ =	vpop (xrf0)  }
0x95: {  	(v2sf) =	vpush v9, $0xF  }
0x96: {  	v9, _, _ =	vpop (xrf0)  }
0x97: {  	(v2sf) =	vpush v9, $0xF;
	_ =	sdelay $0xc  }
0x98: {  	s3 =	spop (v2sf)  }
0x99: {  	s1 =	sadd.s32 s3, s1  }
0x9a: {  	s3 =	sadd.s32 $0x80000000, s1;
	s31 =	spop (v2sf)  }
0x9b: {  	s1 =	sadd.s32 s31, s3  }
0x9c: {  	s1 =	sadd.s32 $0x80000000, s1  }
0x9d: {  	p0 =	sgt.s32 s1, $0x40  }
.Ltmp5:
0x9e: {  	_ = 	snop;
	(pc) =	sbr.rel @p0 .LBB2_6-.Ltmp5, $4  }
0x9f: {  	_ = 	snop  }
0xa0: {  	s2 =	sadd.s32 $0x10, s2  }
0xa1: {  	[tilespmem:s3+$0x3180] =	vst.msk vm0, v8;
	v8 =	vor.u32 s2, v0  }
0xa2: {  	[tilespmem:s3+$0x4200] =	vst.msk vm0, v8;
	v8 =	vmov s1  }
0xa3: {  	v9 =	vld [tilespmem:$0x4200]  }
0xa4: {  	v10 =	vld [tilespmem:$0x4210]  }
0xa5: {  	v11 =	vld [tilespmem:$0x4220]  }
0xa6: {  	v12 =	vld [tilespmem:$0x4230]  }
0xa7: {  	vm0 =	vgt.s32 v8, v0  }
0xa8: {  	vm13 =	vgt.s32 v8, v2;
	v9 =	vsel vm0, v9, v1  }
0xa9: {  	vm14 =	vgt.s32 v8, v3;
	[tilespmem:$0xD280] =	vst v9;
	v9 =	vsel vm13, v10, v1  }
0xaa: {  	vm15 =	vgt.s32 v8, v4;
	[tilespmem:$0xD290] =	vst v9;
	v9 =	vsel vm14, v11, v1  }
0xab: {  	[tilespmem:$0xD2A0] =	vst v9;
	v9 =	vsel vm15, v12, v1  }
0xac: {  	[tilespmem:$0xD2B0] =	vst v9  }
.LBB2_28:
0xad: {  	_ =	sdelay $0x1  }
0xae: {  	vm0 =	vlt.s32 v8, $0x40;
	s24 =	rddreg [dreg:$0x4]  }
0xaf: {  	s1 =	simm.s32 $0xD480;
	s25 =	sld [smem:$0x7FD];
	v8 =	vnsel vm0, $0x40, v8  }
0xb0: {  	s2 =	simm.s32 $0x40;
	s3 =	simm.s32 $0xD280;
	s4 =	simm.s32 $0x5280;
	[tilespmem:v7+s1+$0x0] =	vst.idx.msk $0x1, v8  }
0xb1: {  	[tilespmem:s4], [sflag:$0x1] =	stream.indirect.gather [hbm4b:s24+s2], $0x80, s3, s2, $0xb8;
	[tilespmem:$0xD500] =	vst v63  }
0xb2: {  	p0 =	seq.s32 s25, $0x1  }
0xb3: {  	s2 =	rddreg [dreg:$0x11];
	s1 =	simm.s32 @!p0 $0x4  }
0xb4: {  	s7 =	sor.u32 @!p0 $0x1, s2;
	_ =	swait.ge @!p0 [sflag:s1], $0x2000  }
0xb5: {  	s7 =	simm.s32 @p0 $0x1;
	[sflag:s1] =	ssyncset.done @!p0 $0x0  }
0xb6: {  	s2 =	rddreg [dreg:$0xb];
	[sflag:s1] =	ssyncadd.s32 @!p0 $0xFFFFE000;
	s1 =	sshll.u32 @!p0 s16, $0xC  }
0xb7: {  	s3 =	simm.s32 @!p0 $0xB280;
	v7 =	vmov s7;
	s1 =	sadd.s32 @!p0 s1, s2;
	s2 =	simm.s32 @!p0 $0x0  }
0xb8: {  	v7 =	vand.u32 $0xFFFFFFFD, v7;
	[hbm4b:s1+s2] =	stream.linear.scatter @!p0 [tilespmem:s3], [sflag:$0x8], $0x2000, $0x38;
	[tilespmem:$0xD500] =	vst v63  }
0xb9: {  	v7 =	vbroadcast v7, $0x0;
	s1 =	simm.s32 @!p0 $0x6  }
0xba: {  	_ =	swait.ge @!p0 [sflag:s1], $0x2000  }
0xbb: {  	[sflag:s1] =	ssyncset.done @!p0 $0x0  }
0xbc: {  	s29 =	simm.s32 $0x0;
	[sflag:s1] =	ssyncadd.s32 @!p0 $0xFFFFE000  }
0xbd: {  	v11 =	vld [tilespmem:s29+$0x1000]  }
0xbe: {  	s26 =	simm.s32 $0x3000;
	v12 =	vld [tilespmem:s29+$0x0]  }
0xbf: {  	s28 =	simm.s32 $0x3080;
	v8 =	vld.idx.msk [tilespmem:v7+s26+$0x0], $0xffff  }
0xc0: {  	v9 =	vld.idx.msk [tilespmem:v7+s28+$0x0], $0xffff  }
0xc1: {  	s31 =	simm.s32 $0x3100;
	v13 =	vld [tilespmem:s29+$0x2000]  }
0xc2: {  	v10 =	vld.idx.msk [tilespmem:v7+s31+$0x0], $0xffff;
	_ =	sdelay $0x2  }
0xc3: {  	v12 =	vsub.f32 v12, v8;
	v11 =	vsub.f32 v11, v9;
	_ =	sdelay $0x1  }
0xc4: {  	v13 =	vsub.f32 v13, v10;
	v12 =	vmul.f32 v12, v12;
	v11 =	vmul.f32 v11, v11;
	_ =	sdelay $0x1  }
0xc5: {  	v62 =	vmul.f32 v13, v13;
	v11 =	vadd.f32 v11, v12;
	_ =	sdelay $0x1  }
0xc6: {  	v11 =	vadd.f32 v62, v11;
	_ =	sdelay $0x1  }
0xc7: {  	vm15 =	vle.f32 v11, $2.250000090e-02  }
0xc8: {  	v63 =	vmpcnt.ones.xlane vm15  }
0xc9: {  	s1 =	simm.s32 $0x0  }
0xca: {  	[tilespmem:s1+$0x3180] =	vst.msk vm15, v11;
	v11 =	vxor.u32 $0x80000000, v63  }
0xcb: {  	(xrf0) =	vmax.scan.msk.u32 $0xffff, v11;
	_ =	sdelay $0x3  }
0xcc: {  	s4 =	simm.s32 $0x10;
	[tilespmem:s1+$0x4200] =	vst.msk vm15, v6  }
0xcd: {  	s3 =	simm.s32 $0x80;
	s2 =	rddreg [dreg:$0x3];
	v11 =	vld [tilespmem:s4+$0x1000]  }
.LBB2_29:
0xce: {  	p0 =	sne.s32 s3, $0x3FC0;
	v12 =	vld [tilespmem:s4+$0x0];
	v13, _, _ =	vpop (xrf0)  }
0xcf: {  	(v2sf) =	vpush v13, $0xF  }
0xd0: {  	v13 =	vld [tilespmem:s4+$0x2000];
	_ =	sdelay $0x2  }
0xd1: {  	v11 =	vsub.f32 v11, v9;
	v12 =	vsub.f32 v12, v8;
	_ =	sdelay $0x1  }
0xd2: {  	v11 =	vmul.f32 v11, v11;
	v13 =	vsub.f32 v13, v10;
	v12 =	vmul.f32 v12, v12;
	_ =	sdelay $0x1  }
0xd3: {  	v11 =	vadd.f32 v11, v12;
	v12 =	vmul.f32 v13, v13;
	_ =	sdelay $0x1  }
0xd4: {  	v11 =	vadd.f32 v12, v11;
	_ =	sdelay $0x1  }
0xd5: {  	vm0 =	vle.f32 v11, $2.250000090e-02  }
0xd6: {  	v12 =	vmpcnt.ones.xlane vm0;
	_ =	sdelay $0x1  }
0xd7: {  	v12 =	vxor.u32 $0x80000000, v12;
	s4 =	spop (v2sf)  }
0xd8: {  	(xrf0) =	vmax.scan.msk.u32 $0xffff, v12;
	s1 =	sadd.s32 s4, s1  }
.Ltmp6:
0xd9: {  	s2 =	sadd.s32 $0x10, s2;
	s1 =	sadd.s32 $0x80000000, s1;
	(pc) =	sbr.rel @p0 .LBB2_29-.Ltmp6, $4  }
0xda: {  	[tilespmem:s1+$0x3180] =	vst.msk vm0, v11;
	v11 =	vor.u32 s2, v0  }
0xdb: {  	[tilespmem:s1+$0x4200] =	vst.msk vm0, v11  }
0xdc: {  	s4 =	sshra.s32 s3, $0x2  }
0xdd: {  	s3 =	sadd.s32 $0x40, s3;
	v11 =	vld [tilespmem:s4+$0x1000]  }
0xde: {  	v12 =	vld [tilespmem:s4+$0x0];
	_ =	sdelay $0x1  }
0xdf: {  	v13 =	vld [tilespmem:s4+$0x2000];
	_ =	sdelay $0x2  }
0xe0: {  	v9 =	vsub.f32 v11, v9;
	v8 =	vsub.f32 v12, v8;
	_ =	sdelay $0x1  }
0xe1: {  	v10 =	vsub.f32 v13, v10;
	v9 =	vmul.f32 v9, v9;
	v8 =	vmul.f32 v8, v8;
	_ =	sdelay $0x1  }
0xe2: {  	v8 =	vadd.f32 v9, v8;
	v9 =	vmul.f32 v10, v10;
	_ =	sdelay $0x1  }
0xe3: {  	v8 =	vadd.f32 v9, v8;
	_ =	sdelay $0x1  }
0xe4: {  	vm0 =	vle.f32 v8, $2.250000090e-02  }
0xe5: {  	v9 =	vmpcnt.ones.xlane vm0;
	_ =	sdelay $0x1  }
0xe6: {  	v9 =	vxor.u32 $0x80000000, v9  }
0xe7: {  	(xrf0) =	vmax.scan.msk.u32 $0xffff, v9;
	_ =	sdelay $0x3  }
0xe8: {  	v9, _, _ =	vpop (xrf0)  }
0xe9: {  	(v2sf) =	vpush v9, $0xF  }
0xea: {  	v9, _, _ =	vpop (xrf0)  }
0xeb: {  	(v2sf) =	vpush v9, $0xF;
	_ =	sdelay $0xc  }
0xec: {  	s3 =	spop (v2sf)  }
0xed: {  	s1 =	sadd.s32 s3, s1  }
0xee: {  	s3 =	sadd.s32 $0x80000000, s1;
	s31 =	spop (v2sf)  }
0xef: {  	s1 =	sadd.s32 s31, s3  }
0xf0: {  	s1 =	sadd.s32 $0x80000000, s1  }
0xf1: {  	p0 =	sgt.s32 s1, $0x40  }
.Ltmp7:
0xf2: {  	_ = 	snop;
	(pc) =	sbr.rel @p0 .LBB2_32-.Ltmp7, $4  }
0xf3: {  	_ = 	snop  }
0xf4: {  	s2 =	sadd.s32 $0x10, s2  }
0xf5: {  	[tilespmem:s3+$0x3180] =	vst.msk vm0, v8;
	v8 =	vor.u32 s2, v0  }
0xf6: {  	[tilespmem:s3+$0x4200] =	vst.msk vm0, v8;
	v8 =	vmov s1  }
0xf7: {  	v9 =	vld [tilespmem:$0x4200]  }
0xf8: {  	v10 =	vld [tilespmem:$0x4210]  }
0xf9: {  	v11 =	vld [tilespmem:$0x4220]  }
0xfa: {  	v12 =	vld [tilespmem:$0x4230]  }
0xfb: {  	vm0 =	vgt.s32 v8, v0  }
0xfc: {  	vm13 =	vgt.s32 v8, v2;
	v9 =	vsel vm0, v9, v1  }
0xfd: {  	vm14 =	vgt.s32 v8, v3;
	[tilespmem:$0xD300] =	vst v9;
	v9 =	vsel vm13, v10, v1  }
0xfe: {  	vm15 =	vgt.s32 v8, v4;
	[tilespmem:$0xD310] =	vst v9;
	v9 =	vsel vm14, v11, v1  }
0xff: {  	[tilespmem:$0xD320] =	vst v9;
	v9 =	vsel vm15, v12, v1  }
0x100: {  	[tilespmem:$0xD330] =	vst v9  }
.LBB2_54:
0x101: {  	_ =	sdelay $0x1  }
0x102: {  	vm0 =	vlt.s32 v8, $0x40  }
0x103: {  	s1 =	simm.s32 $0xD480;
	s18 =	rddreg [dreg:$0x4];
	s2 =	simm.s32 $0x40;
	v8 =	vnsel vm0, $0x40, v8  }
0x104: {  	s3 =	simm.s32 $0xD300;
	s4 =	simm.s32 $0x7280;
	s20 =	simm.s32 $0x1;
	[tilespmem:v7+s1+$0x0] =	vst.idx.msk $0x1, v8  }
0x105: {  	[tilespmem:s4], [sflag:$0x2] =	stream.indirect.gather [hbm4b:s18+s2], $0x80, s3, s2, $0xb8;
	[tilespmem:$0xD500] =	vst v63  }
0x106: {  	s19 =	rddreg [dreg:$0x11];
	s21 =	sshll.u32 s16, $0xC;
	_ =	swait.ge [sflag:s20], $0x2000  }
0x107: {  	s23 =	simm.s32 $0x0;
	s1 =	sor.u32 $0x2, s19;
	s22 =	rddreg [dreg:$0xc]  }
0x108: {  	s24 =	simm.s32 $0x5280;
	v7 =	vmov s1;
	[sflag:s20] =	ssyncset.done $0x0;
	s25 =	sld [smem:$0x7FD]  }
0x109: {  	[dreg:$0x12] =	wrdreg s1;
	v7 =	vand.u32 $0xFFFFFFFE, v7;
	[sflag:s20] =	ssyncadd.s32 $0xFFFFE000;
	s1 =	sadd.s32 s21, s22  }
0x10a: {  	v7 =	vbroadcast v7, $0x0;
	[hbm4b:s1+s23] =	stream.linear.scatter [tilespmem:s24], [sflag:$0x5], $0x2000, $0x38;
	[tilespmem:$0xD500] =	vst v63  }
0x10b: {  	p0 =	seq.s32 s25, $0x1  }
0x10c: {  	s1 =	simm.s32 @!p0 $0x7  }
0x10d: {  	_ =	swait.ge @!p0 [sflag:s1], $0x2000  }
0x10e: {  	[sflag:s1] =	ssyncset.done @!p0 $0x0  }
0x10f: {  	s26 =	simm.s32 $0x3000;
	[sflag:s1] =	ssyncadd.s32 @!p0 $0xFFFFE000  }
0x110: {  	s28 =	simm.s32 $0x3080;
	v8 =	vld.idx.msk [tilespmem:v7+s26+$0x0], $0xffff  }
0x111: {  	s29 =	simm.s32 $0x0;
	v9 =	vld.idx.msk [tilespmem:v7+s28+$0x0], $0xffff  }
0x112: {  	v11 =	vld [tilespmem:s29+$0x1000]  }
0x113: {  	s31 =	simm.s32 $0x3100;
	v12 =	vld [tilespmem:s29+$0x0]  }
0x114: {  	v10 =	vld.idx.msk [tilespmem:v7+s31+$0x0], $0xffff  }
0x115: {  	v13 =	vld [tilespmem:s29+$0x2000];
	_ =	sdelay $0x2  }
0x116: {  	v12 =	vsub.f32 v12, v8;
	v11 =	vsub.f32 v11, v9;
	_ =	sdelay $0x1  }
0x117: {  	v13 =	vsub.f32 v13, v10;
	v12 =	vmul.f32 v12, v12;
	v11 =	vmul.f32 v11, v11;
	_ =	sdelay $0x1  }
0x118: {  	v62 =	vmul.f32 v13, v13;
	v11 =	vadd.f32 v11, v12;
	_ =	sdelay $0x1  }
0x119: {  	v11 =	vadd.f32 v62, v11;
	_ =	sdelay $0x1  }
0x11a: {  	vm15 =	vle.f32 v11, $2.250000090e-02  }
0x11b: {  	v63 =	vmpcnt.ones.xlane vm15  }
0x11c: {  	s1 =	simm.s32 $0x0  }
0x11d: {  	[tilespmem:s1+$0x3180] =	vst.msk vm15, v11;
	v11 =	vxor.u32 $0x80000000, v63  }
0x11e: {  	(xrf0) =	vmax.scan.msk.u32 $0xffff, v11;
	_ =	sdelay $0x3  }
0x11f: {  	s4 =	simm.s32 $0x10;
	[tilespmem:s1+$0x4200] =	vst.msk vm15, v6  }
0x120: {  	s3 =	simm.s32 $0x80;
	s2 =	rddreg [dreg:$0x3];
	v11 =	vld [tilespmem:s4+$0x1000]  }
.LBB2_55:
0x121: {  	p0 =	sne.s32 s3, $0x3FC0;
	v12 =	vld [tilespmem:s4+$0x0];
	v13, _, _ =	vpop (xrf0)  }
0x122: {  	(v2sf) =	vpush v13, $0xF  }
0x123: {  	v13 =	vld [tilespmem:s4+$0x2000];
	_ =	sdelay $0x2  }
0x124: {  	v11 =	vsub.f32 v11, v9;
	v12 =	vsub.f32 v12, v8;
	_ =	sdelay $0x1  }
0x125: {  	v11 =	vmul.f32 v11, v11;
	v13 =	vsub.f32 v13, v10;
	v12 =	vmul.f32 v12, v12;
	_ =	sdelay $0x1  }
0x126: {  	v11 =	vadd.f32 v11, v12;
	v12 =	vmul.f32 v13, v13;
	_ =	sdelay $0x1  }
0x127: {  	v11 =	vadd.f32 v12, v11;
	_ =	sdelay $0x1  }
0x128: {  	vm0 =	vle.f32 v11, $2.250000090e-02  }
0x129: {  	v12 =	vmpcnt.ones.xlane vm0;
	_ =	sdelay $0x1  }
0x12a: {  	v12 =	vxor.u32 $0x80000000, v12;
	s4 =	spop (v2sf)  }
0x12b: {  	(xrf0) =	vmax.scan.msk.u32 $0xffff, v12;
	s1 =	sadd.s32 s4, s1  }
.Ltmp8:
0x12c: {  	s2 =	sadd.s32 $0x10, s2;
	s1 =	sadd.s32 $0x80000000, s1;
	(pc) =	sbr.rel @p0 .LBB2_55-.Ltmp8, $4  }
0x12d: {  	[tilespmem:s1+$0x3180] =	vst.msk vm0, v11;
	v11 =	vor.u32 s2, v0  }
0x12e: {  	[tilespmem:s1+$0x4200] =	vst.msk vm0, v11  }
0x12f: {  	s4 =	sshra.s32 s3, $0x2  }
0x130: {  	s3 =	sadd.s32 $0x40, s3;
	v11 =	vld [tilespmem:s4+$0x1000]  }
0x131: {  	v12 =	vld [tilespmem:s4+$0x0];
	_ =	sdelay $0x1  }
0x132: {  	v13 =	vld [tilespmem:s4+$0x2000];
	_ =	sdelay $0x2  }
0x133: {  	v9 =	vsub.f32 v11, v9;
	v8 =	vsub.f32 v12, v8;
	_ =	sdelay $0x1  }
0x134: {  	v10 =	vsub.f32 v13, v10;
	v9 =	vmul.f32 v9, v9;
	v8 =	vmul.f32 v8, v8;
	_ =	sdelay $0x1  }
0x135: {  	v8 =	vadd.f32 v9, v8;
	v9 =	vmul.f32 v10, v10;
	_ =	sdelay $0x1  }
0x136: {  	v8 =	vadd.f32 v9, v8;
	_ =	sdelay $0x1  }
0x137: {  	vm0 =	vle.f32 v8, $2.250000090e-02  }
0x138: {  	v9 =	vmpcnt.ones.xlane vm0;
	_ =	sdelay $0x1  }
0x139: {  	v9 =	vxor.u32 $0x80000000, v9  }
0x13a: {  	(xrf0) =	vmax.scan.msk.u32 $0xffff, v9;
	_ =	sdelay $0x3  }
0x13b: {  	v9, _, _ =	vpop (xrf0)  }
0x13c: {  	(v2sf) =	vpush v9, $0xF  }
0x13d: {  	v9, _, _ =	vpop (xrf0)  }
0x13e: {  	(v2sf) =	vpush v9, $0xF;
	_ =	sdelay $0xc  }
0x13f: {  	s3 =	spop (v2sf)  }
0x140: {  	s1 =	sadd.s32 s3, s1  }
0x141: {  	s3 =	sadd.s32 $0x80000000, s1;
	s31 =	spop (v2sf)  }
0x142: {  	s1 =	sadd.s32 s31, s3  }
0x143: {  	s1 =	sadd.s32 $0x80000000, s1  }
0x144: {  	p0 =	sgt.s32 s1, $0x40  }
.Ltmp9:
0x145: {  	_ = 	snop;
	(pc) =	sbr.rel @p0 .LBB2_58-.Ltmp9, $4  }
0x146: {  	_ = 	snop  }
0x147: {  	s2 =	sadd.s32 $0x10, s2  }
0x148: {  	[tilespmem:s3+$0x3180] =	vst.msk vm0, v8;
	v8 =	vor.u32 s2, v0  }
0x149: {  	[tilespmem:s3+$0x4200] =	vst.msk vm0, v8;
	v8 =	vmov s1  }
0x14a: {  	v9 =	vld [tilespmem:$0x4200]  }
0x14b: {  	v10 =	vld [tilespmem:$0x4210]  }
0x14c: {  	v11 =	vld [tilespmem:$0x4220]  }
0x14d: {  	v12 =	vld [tilespmem:$0x4230]  }
0x14e: {  	vm0 =	vgt.s32 v8, v0  }
0x14f: {  	vm13 =	vgt.s32 v8, v2;
	v9 =	vsel vm0, v9, v1  }
0x150: {  	vm14 =	vgt.s32 v8, v3;
	[tilespmem:$0xD380] =	vst v9;
	v9 =	vsel vm13, v10, v1  }
0x151: {  	vm15 =	vgt.s32 v8, v4;
	[tilespmem:$0xD390] =	vst v9;
	v9 =	vsel vm14, v11, v1  }
0x152: {  	[tilespmem:$0xD3A0] =	vst v9;
	v9 =	vsel vm15, v12, v1  }
0x153: {  	[tilespmem:$0xD3B0] =	vst v9  }
.LBB2_80:
0x154: {  	_ =	sdelay $0x1  }
0x155: {  	vm0 =	vlt.s32 v8, $0x40  }
0x156: {  	s1 =	simm.s32 $0xD480;
	s19 =	rddreg [dreg:$0x4];
	v8 =	vnsel vm0, $0x40, v8  }
0x157: {  	s2 =	simm.s32 $0x40;
	s3 =	simm.s32 $0x9280;
	s20 =	simm.s32 $0x2;
	[tilespmem:v7+s1+$0x0] =	vst.idx.msk $0x1, v8  }
0x158: {  	[tilespmem:s3], [sflag:$0x3] =	stream.indirect.gather [hbm4b:s19+s2], $0x80, s30, s2, $0xb8;
	[tilespmem:$0xD500] =	vst v63  }
0x159: {  	_ =	swait.ge [sflag:s20], $0x2000  }
0x15a: {  	s22 =	rddreg [dreg:$0xc]  }
0x15b: {  	s21 =	sshll.u32 s7, $0xA;
	s24 =	simm.s32 $0x0;
	s23 =	rddreg [dreg:$0x11]  }
0x15c: {  	s4 =	simm.s32 $0x7280;
	[sflag:s20] =	ssyncset.done $0x0;
	s25 =	sld [smem:$0x7FD]  }
0x15d: {  	[sflag:s20] =	ssyncadd.s32 $0xFFFFE000;
	s1 =	sadd.s32 s21, s22;
	s2 =	sor.u32 $0x3, s23  }
0x15e: {  	[hbm4b:s1+s24] =	stream.linear.scatter [tilespmem:s4], [sflag:$0x6], $0x2000, $0x38;
	[tilespmem:$0xD500] =	vst v63  }
0x15f: {  	v7 =	vmov s2;
	p0 =	seq.s32 s25, $0x1  }
0x160: {  	s1 =	simm.s32 @!p0 $0x8  }
0x161: {  	_ =	swait.ge @!p0 [sflag:s1], $0x2000  }
0x162: {  	[sflag:s1] =	ssyncset.done @!p0 $0x0  }
0x163: {  	s26 =	simm.s32 $0x3000;
	[sflag:s1] =	ssyncadd.s32 @!p0 $0xFFFFE000  }
0x164: {  	s28 =	simm.s32 $0x3080;
	v8 =	vld.idx.msk [tilespmem:v7+s26+$0x0], $0xffff  }
0x165: {  	s29 =	simm.s32 $0x0;
	v9 =	vld.idx.msk [tilespmem:v7+s28+$0x0], $0xffff  }
0x166: {  	v11 =	vld [tilespmem:s29+$0x1000]  }
0x167: {  	s31 =	simm.s32 $0x3100;
	v12 =	vld [tilespmem:s29+$0x0]  }
0x168: {  	v10 =	vld.idx.msk [tilespmem:v7+s31+$0x0], $0xffff  }
0x169: {  	v13 =	vld [tilespmem:s29+$0x2000];
	_ =	sdelay $0x2  }
0x16a: {  	v12 =	vsub.f32 v12, v8;
	v11 =	vsub.f32 v11, v9;
	_ =	sdelay $0x1  }
0x16b: {  	v13 =	vsub.f32 v13, v10;
	v12 =	vmul.f32 v12, v12;
	v11 =	vmul.f32 v11, v11;
	_ =	sdelay $0x1  }
0x16c: {  	v62 =	vmul.f32 v13, v13;
	v11 =	vadd.f32 v11, v12;
	_ =	sdelay $0x1  }
0x16d: {  	v11 =	vadd.f32 v62, v11;
	_ =	sdelay $0x1  }
0x16e: {  	vm15 =	vle.f32 v11, $2.250000090e-02  }
0x16f: {  	v63 =	vmpcnt.ones.xlane vm15  }
0x170: {  	s1 =	simm.s32 $0x0  }
0x171: {  	[tilespmem:s1+$0x3180] =	vst.msk vm15, v11;
	v11 =	vxor.u32 $0x80000000, v63  }
0x172: {  	(xrf0) =	vmax.scan.msk.u32 $0xffff, v11;
	_ =	sdelay $0x3  }
0x173: {  	s4 =	simm.s32 $0x10;
	[tilespmem:s1+$0x4200] =	vst.msk vm15, v6  }
0x174: {  	s3 =	simm.s32 $0x80;
	s2 =	rddreg [dreg:$0x3];
	v6 =	vld [tilespmem:s4+$0x1000]  }
.LBB2_81:
0x175: {  	p0 =	sne.s32 s3, $0x3FC0;
	v11 =	vld [tilespmem:s4+$0x0];
	v12, _, _ =	vpop (xrf0)  }
0x176: {  	(v2sf) =	vpush v12, $0xF  }
0x177: {  	v12 =	vld [tilespmem:s4+$0x2000];
	_ =	sdelay $0x2  }
0x178: {  	v6 =	vsub.f32 v6, v9;
	v11 =	vsub.f32 v11, v8;
	_ =	sdelay $0x1  }
0x179: {  	v6 =	vmul.f32 v6, v6;
	v12 =	vsub.f32 v12, v10;
	v11 =	vmul.f32 v11, v11;
	_ =	sdelay $0x1  }
0x17a: {  	v6 =	vadd.f32 v6, v11;
	v11 =	vmul.f32 v12, v12;
	_ =	sdelay $0x1  }
0x17b: {  	v6 =	vadd.f32 v11, v6;
	_ =	sdelay $0x1  }
0x17c: {  	vm0 =	vle.f32 v6, $2.250000090e-02  }
0x17d: {  	v11 =	vmpcnt.ones.xlane vm0;
	_ =	sdelay $0x1  }
0x17e: {  	v11 =	vxor.u32 $0x80000000, v11;
	s4 =	spop (v2sf)  }
0x17f: {  	(xrf0) =	vmax.scan.msk.u32 $0xffff, v11;
	s1 =	sadd.s32 s4, s1  }
.Ltmp10:
0x180: {  	s2 =	sadd.s32 $0x10, s2;
	s1 =	sadd.s32 $0x80000000, s1;
	(pc) =	sbr.rel @p0 .LBB2_81-.Ltmp10, $4  }
0x181: {  	[tilespmem:s1+$0x3180] =	vst.msk vm0, v6;
	v6 =	vor.u32 s2, v0  }
0x182: {  	[tilespmem:s1+$0x4200] =	vst.msk vm0, v6  }
0x183: {  	s4 =	sshra.s32 s3, $0x2  }
0x184: {  	s3 =	sadd.s32 $0x40, s3;
	v6 =	vld [tilespmem:s4+$0x1000]  }
0x185: {  	v11 =	vld [tilespmem:s4+$0x0];
	_ =	sdelay $0x1  }
0x186: {  	v12 =	vld [tilespmem:s4+$0x2000];
	_ =	sdelay $0x2  }
0x187: {  	v6 =	vsub.f32 v6, v9;
	v8 =	vsub.f32 v11, v8;
	_ =	sdelay $0x1  }
0x188: {  	v63 =	vsub.f32 v12, v10;
	v6 =	vmul.f32 v6, v6;
	v8 =	vmul.f32 v8, v8;
	_ =	sdelay $0x1  }
0x189: {  	v6 =	vadd.f32 v6, v8;
	v8 =	vmul.f32 v63, v63;
	_ =	sdelay $0x1  }
0x18a: {  	v6 =	vadd.f32 v8, v6;
	_ =	sdelay $0x1  }
0x18b: {  	vm0 =	vle.f32 v6, $2.250000090e-02  }
0x18c: {  	v8 =	vmpcnt.ones.xlane vm0;
	_ =	sdelay $0x1  }
0x18d: {  	v8 =	vxor.u32 $0x80000000, v8  }
0x18e: {  	(xrf0) =	vmax.scan.msk.u32 $0xffff, v8;
	_ =	sdelay $0x3  }
0x18f: {  	v8, _, _ =	vpop (xrf0)  }
0x190: {  	(v2sf) =	vpush v8, $0xF  }
0x191: {  	v8, _, _ =	vpop (xrf0)  }
0x192: {  	(v2sf) =	vpush v8, $0xF;
	_ =	sdelay $0xc  }
0x193: {  	s3 =	spop (v2sf)  }
0x194: {  	s1 =	sadd.s32 s3, s1  }
0x195: {  	s3 =	sadd.s32 $0x80000000, s1;
	s31 =	spop (v2sf)  }
0x196: {  	s1 =	sadd.s32 s31, s3  }
0x197: {  	s1 =	sadd.s32 $0x80000000, s1  }
0x198: {  	p0 =	sgt.s32 s1, $0x40  }
.Ltmp11:
0x199: {  	_ = 	snop;
	(pc) =	sbr.rel @!p0 .LBB2_83-.Ltmp11, $4  }
0x19a: {  	_ = 	snop  }
0x19b: {  	s2 =	sadd.s32 $0x10, s2  }
0x19c: {  	[tilespmem:s3+$0x3180] =	vst.msk vm0, v6;
	v6 =	vor.u32 s2, v0  }
0x19d: {  	[tilespmem:s3+$0x4200] =	vst.msk vm0, v6;
	v6 =	vmov s1  }
0x19e: {  	s1 =	sadd.s32 $0xF, s1  }
0x19f: {  	s2 =	sand.u32 $0xF, s1  }
0x1a0: {  	s3 =	sshra.s32 s1, $0x1F;
	p0 =	slt.s32 s1, $0x0;
	p1 =	sne.s32 s2, $0x0  }
0x1a1: {  	s31 =	sshrl.u32 s3, $0x1C;
	p0 =	por !p0, !p1  }
0x1a2: {  	s2 =	simm.s32 $0x1;
	s1 =	sadd.s32 s31, s1;
	p0 =	por !p0, !p0  }
0x1a3: {  	s1 =	sshra.s32 s1, $0x4;
	s2 =	simm.s32 @!p0 $0x0  }
.Ltmp12:
0x1a4: {  	s6 =	ssub.s32 s1, s2;
	(pc) =	sbr.rel .LBB2_85-.Ltmp12, $4  }
0x1a5: {  	p0 =	slt.s32 s6, $0x1  }
0x1a6: {  	s1 =	simm.s32 @!p0 $0x0  }
0x1a7: {  	s1 =	simm.s32 @p0 $0x1  }
0x1a8: {  	s7 =	simm.s32 $0x0;
	s9 =	simm.s32 $0x0;
	[smem:$0x7F0] =	sst s1  }
.LBB2_6:
0x1a9: {  	s1 =	sadd.s32 $0xF, s1  }
0x1aa: {  	s2 =	sand.u32 $0xF, s1  }
0x1ab: {  	s3 =	sshra.s32 s1, $0x1F;
	p0 =	slt.s32 s1, $0x0;
	p1 =	sne.s32 s2, $0x0  }
0x1ac: {  	s31 =	sshrl.u32 s3, $0x1C;
	p0 =	por !p0, !p1  }
0x1ad: {  	s2 =	simm.s32 $0x1;
	s1 =	sadd.s32 s31, s1;
	p0 =	por !p0, !p0  }
0x1ae: {  	s1 =	sshra.s32 s1, $0x4;
	s2 =	simm.s32 @!p0 $0x0  }
.Ltmp13:
0x1af: {  	s7 =	ssub.s32 s1, s2;
	(pc) =	sbr.rel .LBB2_7-.Ltmp13, $4  }
0x1b0: {  	p0 =	slt.s32 s7, $0x1  }
0x1b1: {  	s1 =	simm.s32 @!p0 $0x0  }
0x1b2: {  	s1 =	simm.s32 @p0 $0x1  }
0x1b3: {  	s8 =	simm.s32 $0x0;
	s9 =	simm.s32 $0x0;
	[smem:$0x7FC] =	sst s1  }
.LBB2_32:
0x1b4: {  	s1 =	sadd.s32 $0xF, s1  }
0x1b5: {  	s2 =	sand.u32 $0xF, s1  }
0x1b6: {  	s3 =	sshra.s32 s1, $0x1F;
	p0 =	slt.s32 s1, $0x0;
	p1 =	sne.s32 s2, $0x0  }
0x1b7: {  	s31 =	sshrl.u32 s3, $0x1C;
	p0 =	por !p0, !p1  }
0x1b8: {  	s2 =	simm.s32 $0x1;
	s1 =	sadd.s32 s31, s1;
	p0 =	por !p0, !p0  }
0x1b9: {  	s1 =	sshra.s32 s1, $0x4;
	s2 =	simm.s32 @!p0 $0x0  }
.Ltmp14:
0x1ba: {  	s8 =	ssub.s32 s1, s2;
	(pc) =	sbr.rel .LBB2_33-.Ltmp14, $4  }
0x1bb: {  	p0 =	slt.s32 s8, $0x1  }
0x1bc: {  	s1 =	simm.s32 @!p0 $0x0  }
0x1bd: {  	s1 =	simm.s32 @p0 $0x1  }
0x1be: {  	s9 =	simm.s32 $0x0;
	s10 =	simm.s32 $0x0;
	[smem:$0x7F8] =	sst s1  }
.LBB2_58:
0x1bf: {  	s1 =	sadd.s32 $0xF, s1  }
0x1c0: {  	s2 =	sand.u32 $0xF, s1  }
0x1c1: {  	s3 =	sshra.s32 s1, $0x1F;
	p0 =	slt.s32 s1, $0x0;
	p1 =	sne.s32 s2, $0x0  }
0x1c2: {  	s31 =	sshrl.u32 s3, $0x1C;
	p0 =	por !p0, !p1  }
0x1c3: {  	s2 =	simm.s32 $0x1;
	s1 =	sadd.s32 s31, s1;
	p0 =	por !p0, !p0  }
0x1c4: {  	s1 =	sshra.s32 s1, $0x4;
	s2 =	simm.s32 @!p0 $0x0  }
.Ltmp15:
0x1c5: {  	s9 =	ssub.s32 s1, s2;
	(pc) =	sbr.rel .LBB2_59-.Ltmp15, $4  }
0x1c6: {  	p0 =	slt.s32 s9, $0x1  }
0x1c7: {  	s1 =	simm.s32 @!p0 $0x0  }
0x1c8: {  	s1 =	simm.s32 @p0 $0x1  }
0x1c9: {  	s13 =	simm.s32 $0x0;
	s15 =	simm.s32 $0x0;
	[smem:$0x7F4] =	sst s1  }
.LBB2_87:
0x1ca: {  	s2 =	simm.f32 $+Inf;
	s24 =	smov.u32 s7  }
0x1cb: {  	s15 =	smov.u32 s7;
	s18 =	smov.u32 s7;
	s5 =	smov.u32 s7  }
.LBB2_104:
0x1cc: {  	s25 =	sld [smem:$0x7EF];
	_ =	sdelay $0x2  }
0x1cd: {  	p5 =	seq.s32 s25, $0x1  }
0x1ce: {  	p0 =	por !p0, !p5  }
0x1cf: {  	s3 =	smov.u32 @p6 s3;
	s20 =	smov.u32 @p0 s2  }
0x1d0: {  	s22 =	smov.u32 @p0 s24;
	s23 =	smov.u32 @p0 s5;
	s2 =	simm.f32 $+Inf  }
0x1d1: {  	s5 =	spop @p6 (v2sf);
	s2 =	smov.u32 @p5 s20;
	s20 =	smov.u32 s7  }
0x1d2: {  	(v2sf) =	vpush @p4 v20, $0xF;
	s20 =	smov.u32 @p5 s22;
	s22 =	smov.u32 s7;
	p0 =	slt.f32 @p6 s5, s2  }
0x1d3: {  	s25 =	sld [smem:$0x7EE];
	s22 =	smov.u32 @p5 s23;
	s23 =	spop @p6 (v2sf)  }
0x1d4: {  	v20, _, _ =	vpop @p4 (xrf0);
	s26 =	smov.u32 @p2 s1;
	s23 =	sxor.u32 @p6 $0x80000000, s23;
	p0 =	por @!p6 p0, p0  }
0x1d5: {  	(v2sf) =	vpush @p4 v20, $0xF;
	s5 =	smov.u32 @p6 s5;
	s23 =	smov.u32 @p6 s23;
	p0 =	por !p0, !p6  }
0x1d6: {  	p5 =	seq.s32 s25, $0x1;
	s5 =	smov.u32 @p0 s2;
	s23 =	smov.u32 @p0 s20  }
0x1d7: {  	(xrf0) =	vmax.scan.msk.u32 @p3 $0xffff, v14;
	v14 =	vbroadcast @p2 v12, $0xF;
	s3 =	smov.u32 @p0 s22;
	s2 =	sadd.s32 @p1 $0x10, s18;
	s18 =	smov.u32 s7  }
0x1d8: {  	s20 =	simm.f32 $+Inf;
	s22 =	smov.u32 s7;
	s18 =	smov.u32 @p1 s2  }
0x1d9: {  	vm0 =	veq.f32 @p2 v19, v14;
	s2 =	spop @p5 (v2sf);
	s20 =	smov.u32 @p6 s5;
	s22 =	smov.u32 @p6 s23  }
0x1da: {  	v14 =	vpsel p3, v18, v11;
	v19 =	vmctz.xlane @p2 vm0;
	s5 =	smov.u32 s7;
	s23 =	smov.u32 s7;
	p0 =	slt.f32 @p5 s2, s20  }
0x1db: {  	s5 =	smov.u32 @p6 s3;
	s23 =	smov.u32 @p5 s13;
	s3 =	spop @p5 (v2sf)  }
0x1dc: {  	s2 =	smov.u32 @p5 s2;
	v59 =	vor.u32 s18, v0;
	s18 =	simm.f32 $+Inf;
	p0 =	por @!p5 p0, p0  }
0x1dd: {  	(v2sf) =	vpush @p3 v14, $0xF;
	v14, _, _ =	vpop @p1 (xrf0);
	s13 =	smov.u32 @p5 s23;
	s3 =	sxor.u32 @p5 $0x80000000, s3;
	p0 =	por !p0, !p5  }
0x1de: {  	v18 =	vxor.u32 @p2 $0x80000000, v19;
	v19, _, _ =	vpop @p3 (xrf0);
	v14 =	vpsel p1, v14, v21;
	vm14 =	vlt.s32 v59, v6;
	s3 =	smov.u32 @p5 s3;
	s13 =	smov.u32 @p5 s13;
	s2 =	smov.u32 @p0 s20  }
0x1df: {  	(v2sf) =	vpush @p3 v19, $0xF;
	v19 =	vbroadcast @p1 v14, $0xF;
	v8 =	vnsel vm14, $0x7F800000, v8;
	s13 =	smov.u32 @p0 s5;
	s5 =	smov.u32 @p4 s8;
	s8 =	smov.u32 s12  }
0x1e0: {  	v9 =	vpsel p1, v9, v16;
	(xrf0) =	vmin.scan.msk.f32 $0xffff, v8;
	s3 =	smov.u32 @p0 s22;
	s20 =	smov.u32 s7;
	s8 =	smov.u32 @p4 s5  }
0x1e1: {  	v18 =	vpsel p2, v18, v22;
	vm0 =	veq.f32 @p1 v9, v19;
	s5 =	spop @p4 (v2sf);
	s18 =	smov.u32 @p5 s2;
	s20 =	smov.u32 @p5 s3  }
0x1e2: {  	(xrf0) =	vmax.scan.msk.u32 @p2 $0xffff, v18;
	v9 =	vmctz.xlane @p1 vm0;
	s2 =	smov.u32 s7;
	s3 =	smov.u32 @p4 s8;
	p0 =	slt.f32 @p4 s5, s18  }
0x1e3: {  	v60 =	vpsel p2, v12, v17;
	s2 =	smov.u32 @p5 s13;
	s5 =	smov.u32 @p4 s5;
	s13 =	smov.u32 s17  }
0x1e4: {  	v12 =	vpsel p2, v60, v13;
	v9 =	vxor.u32 @p1 $0x80000000, v9;
	s3 =	smov.u32 @p4 s3;
	s8 =	spop @p4 (v2sf);
	p0 =	por @!p4 p0, p0  }
0x1e5: {  	(v2sf) =	vpush @p2 v12, $0xF;
	v9 =	vpsel p1, v9, v15;
	s8 =	sxor.u32 @p4 $0x80000000, s8;
	s3 =	smov.u32 @p4 s3;
	p0 =	por !p0, !p4  }
0x1e6: {  	s8 =	smov.u32 @p4 s8;
	v61, _, _ =	vpop (xrf0);
	s3 =	smov.u32 @p0 s2;
	s2 =	smov.u32 @p3 s21  }
0x1e7: {  	s5 =	smov.u32 @p0 s18;
	s18 =	smov.u32 @p1 s19;
	v62 =	vbroadcast v61, $0xF;
	s13 =	smov.u32 @p3 s2  }
0x1e8: {  	(xrf0) =	vmax.scan.msk.u32 @p1 $0xffff, v9;
	s8 =	smov.u32 @p0 s20;
	v13, _, _ =	vpop @p2 (xrf0);
	v9 =	vmov @p1 v14;
	s2 =	smov.u32 @p1 s18;
	s1 =	smov.u32 @p3 s13  }
0x1e9: {  	(v2sf) =	vpush @p2 v13, $0xF;
	v9 =	vpsel p1, v9, v11;
	s13 =	smov.u32 s7;
	s4 =	smov.u32 @p1 s2;
	s2 =	smov.u32 @p2 s26;
	vm15 =	veq.f32 v8, v62  }
0x1ea: {  	v8 =	vmov @p1 v9;
	s13 =	smov.u32 @p3 s1;
	s1 =	smov.u32 @p1 s4;
	s12 =	smov.u32 @p2 s2;
	v63 =	vmctz.xlane vm15  }
0x1eb: {  	v8 =	vpsel p1, v8, v10;
	s2 =	smov.u32 @p3 s13;
	s17 =	smov.u32 @p1 s1;
	s1 =	smov.u32 @p2 s12  }
0x1ec: {  	s4 =	spop @p3 (v2sf);
	s12 =	simm.f32 $+Inf;
	s13 =	smov.u32 s7;
	(v2sf) =	vpush @p1 v8, $0xF;
	v9 =	vxor.u32 $0x80000000, v63  }
0x1ed: {  	s2 =	smov.u32 @p3 s2;
	s1 =	smov.u32 @p2 s1;
	s12 =	smov.u32 @p4 s5;
	(xrf0) =	vmax.scan.msk.u32 $0xffff, v9  }
0x1ee: {  	s13 =	smov.u32 @p4 s8;
	s5 =	smov.u32 s7;
	s8 =	smov.u32 @p1 s17  }
0x1ef: {  	s17 =	smov.u32 s7;
	v8, _, _ =	vpop @p1 (xrf0);
	s5 =	smov.u32 @p4 s3;
	p0 =	slt.f32 @p3 s4, s12  }
0x1f0: {  	s17 =	smov.u32 @p1 s8;
	s3 =	spop @p3 (v2sf);
	s4 =	smov.u32 @p3 s4;
	(v2sf) =	vpush @p1 v8, $0xF  }
0x1f1: {  	s2 =	smov.u32 @p3 s2;
	s3 =	sxor.u32 @p3 $0x80000000, s3;
	p0 =	por @!p3 p0, p0;
	(v2sf) =	vpush v61, $0xF  }
0x1f2: {  	s1 =	smov.u32 @p2 s1;
	s3 =	smov.u32 @p3 s3;
	p0 =	por !p0, !p3  }
0x1f3: {  	s4 =	smov.u32 @p0 s12;
	s3 =	smov.u32 @p0 s13;
	s2 =	smov.u32 @p0 s5;
	v8, _, _ =	vpop (xrf0)  }
0x1f4: {  	s5 =	smov.u32 @p1 s17;
	s12 =	simm.f32 $+Inf;
	s8 =	spop @p2 (v2sf);
	(v2sf) =	vpush v8, $0xF  }
0x1f5: {  	s13 =	smov.u32 s7;
	s5 =	smov.u32 @p1 s5;
	s12 =	smov.u32 @p3 s4  }
0x1f6: {  	s13 =	smov.u32 @p3 s3;
	s3 =	smov.u32 s7;
	p0 =	slt.f32 @p2 s8, s12  }
0x1f7: {  	s1 =	smov.u32 @p2 s1;
	s3 =	smov.u32 @p3 s2;
	s2 =	smov.u32 @p1 s5  }
0x1f8: {  	s5 =	smov.u32 @p2 s8;
	p0 =	por @!p2 p0, p0;
	s4 =	spop @p2 (v2sf)  }
0x1f9: {  	s2 =	smov.u32 @p1 s2;
	p0 =	por !p0, !p2;
	s4 =	sxor.u32 @p2 $0x80000000, s4  }
0x1fa: {  	s5 =	smov.u32 @p0 s12;
	s1 =	smov.u32 @p0 s3;
	s3 =	simm.f32 $+Inf  }
0x1fb: {  	s4 =	smov.u32 @p2 s4;
	s3 =	smov.u32 @p2 s5;
	s8 =	spop @p1 (v2sf)  }
0x1fc: {  	s5 =	smov.u32 s7;
	s4 =	smov.u32 @p0 s13;
	p0 =	slt.f32 @p1 s8, s3  }
0x1fd: {  	s5 =	smov.u32 @p2 s4;
	s4 =	smov.u32 s7;
	s8 =	smov.u32 @p1 s8  }
0x1fe: {  	s4 =	smov.u32 @p2 s1;
	s1 =	smov.u32 @p1 s2;
	p0 =	por @!p1 p0, p0  }
0x1ff: {  	s2 =	spop @p1 (v2sf);
	s1 =	smov.u32 @p1 s1;
	p0 =	por !p0, !p1  }
0x200: {  	s2 =	sxor.u32 @p1 $0x80000000, s2;
	s28 =	spop (v2sf);
	s8 =	smov.u32 @p0 s3  }
0x201: {  	s2 =	smov.u32 @p1 s2;
	s1 =	smov.u32 @p0 s4;
	s10 =	smov.u32 @p1 s8  }
0x202: {  	s3 =	smov.u32 s7;
	s2 =	smov.u32 @p0 s5;
	p0 =	slt.f32 s28, s10  }
0x203: {  	s5 =	smov.u32 s7;
	s3 =	smov.u32 @p1 s1;
	s29 =	spop (v2sf)  }
0x204: {  	s5 =	smov.u32 @p1 s2;
	s3 =	smov.u32 @p0 s15;
	s1 =	sxor.u32 $0x80000000, s29  }
0x205: {  	s31 =	sshll.u32 s3, $0x4;
	s5 =	smov.u32 @p0 s1  }
0x206: {  	s1 =	sadd.s32 s5, s31  }
.LBB2_105:
0x207: {  	v8 =	vmov s1;
	_ =	sdelay $0x4  }
0x208: {  	v10 =	vmov s9;
	s9 =	sadd.s32 $0x1, s9;
	v9 =	vld.idx.msk [tilespmem:v8+s11+$0x0], $0xffff  }
0x209: {  	p0 =	sne.s32 s9, $0x40  }
.Ltmp16:
0x20a: {  	_ = 	snop;
	(pc) =	sbr.rel @!p0 .LBB2_106-.Ltmp16, $3  }
0x20b: {  	_ =	sdelay $0x1  }
0x20c: {  	[tilespmem:v10+s0+$0x0] =	vst.idx.msk $0x1, v9  }
0x20d: {  	[tilespmem:v8+s14+$0x0] =	vst.idx.msk $0x1, v5  }
.LBB2_85:
0x20e: {  	s2 =	sld [smem:$0x7F0];
	_ =	sdelay $0x2  }
0x20f: {  	p0 =	seq.s32 s2, $0x1  }
.Ltmp17:
0x210: {  	_ = 	snop;
	(pc) =	sbr.rel @p0 .LBB2_105-.Ltmp17, $2  }
0x211: {  	_ =	sdelay $0x2  }
0x212: {  	s1 =	simm.s32 $0x0  }
0x213: {  	s1 =	simm.s32 $0x3180;
	p0 =	sne.s32 s6, $0x1;
	p5 =	por $0x0, $0x0  }
.Ltmp18:
0x214: {  	s10 =	simm.f32 $+Inf;
	v8 =	vld [tilespmem:s1+$0x0];
	s1 =	simm.s32 @!p5 $0x0;
	(pc) =	sbr.rel @!p0 .LBB2_87-.Ltmp18, $4  }
0x215: {  	s12 =	simm.s32 $0x1;
	s1 =	simm.s32 @p5 $0x1;
	p5 =	por $0x0, $0x0  }
0x216: {  	p1 =	por $0x0, $0x0;
	[smem:$0x7EE] =	sst s1;
	s1 =	simm.s32 @!p5 $0x0  }
0x217: {  	p2 =	por $0x0, $0x0;
	p3 =	por $0x0, $0x0;
	s1 =	simm.s32 @p5 $0x1  }
0x218: {  	p4 =	por $0x0, $0x0;
	p6 =	por $0x0, $0x0;
	[smem:$0x7EF] =	sst s1  }
0x219: {  	p0 =	sne.s32 s6, $0x2  }
.Ltmp19:
0x21a: {  	_ = 	snop;
	(pc) =	sbr.rel @!p0 .LBB2_89-.Ltmp19, $4  }
0x21b: {  	v9 =	vor.u32 s7, v0  }
0x21c: {  	vm0 =	vlt.s32 v9, v6  }
0x21d: {  	s1 =	simm.s32 $0x3190;
	v19 =	vnsel vm0, $0x7F800000, v8  }
0x21e: {  	s17 =	simm.s32 $0x2;
	p1 =	por $0x1, $0x1;
	v8 =	vld [tilespmem:s1+$0x0];
	(xrf0) =	vmin.scan.msk.f32 $0xffff, v19  }
0x21f: {  	p0 =	sne.s32 s6, $0x3  }
.Ltmp20:
0x220: {  	s18 =	simm.s32 $0x10;
	(pc) =	sbr.rel @!p0 .LBB2_91-.Ltmp20, $4  }
0x221: {  	v9 =	vor.u32 s18, v0  }
0x222: {  	vm0 =	vlt.s32 v9, v6  }
0x223: {  	s1 =	simm.s32 $0x31A0;
	v9 =	vnsel vm0, $0x7F800000, v8  }
0x224: {  	s26 =	simm.s32 $0x3;
	p2 =	por $0x1, $0x1;
	v8 =	vld [tilespmem:s1+$0x0];
	(xrf0) =	vmin.scan.msk.f32 $0xffff, v9;
	v10, _, _ =	vpop (xrf0)  }
0x225: {  	v11 =	vbroadcast v10, $0xF;
	p0 =	sne.s32 s6, $0x4  }
.Ltmp21:
0x226: {  	s18 =	simm.s32 $0x20;
	(pc) =	sbr.rel @!p0 .LBB2_93-.Ltmp21, $4  }
0x227: {  	v12 =	vor.u32 s18, v0;
	vm0 =	veq.f32 v19, v11  }
0x228: {  	vm1 =	vlt.s32 v12, v6;
	v11 =	vmctz.xlane vm0  }
0x229: {  	s1 =	simm.s32 $0x31B0;
	v15 =	vnsel vm1, $0x7F800000, v8  }
0x22a: {  	s4 =	simm.s32 $0x4;
	p3 =	por $0x1, $0x1;
	v8 =	vld [tilespmem:s1+$0x0];
	(xrf0) =	vmin.scan.msk.f32 $0xffff, v15;
	v13, _, _ =	vpop (xrf0);
	v14 =	vxor.u32 $0x80000000, v11  }
0x22b: {  	v11 =	vbroadcast v13, $0xF;
	p0 =	sne.s32 s6, $0x5  }
.Ltmp22:
0x22c: {  	s18 =	simm.s32 $0x30;
	(pc) =	sbr.rel @!p0 .LBB2_95-.Ltmp22, $4  }
0x22d: {  	vm0 =	veq.f32 v9, v11;
	v9 =	vor.u32 s18, v0  }
0x22e: {  	vm1 =	vlt.s32 v9, v6;
	v12 =	vmctz.xlane vm0  }
0x22f: {  	(xrf0) =	vmax.scan.msk.u32 $0xffff, v14;
	s2 =	simm.s32 $0x31C0;
	v9 =	vnsel vm1, $0x7F800000, v8  }
0x230: {  	s1 =	simm.s32 $0x5;
	p4 =	por $0x1, $0x1;
	v8 =	vld [tilespmem:s2+$0x0];
	(xrf0) =	vmin.scan.msk.f32 $0xffff, v9;
	v11, _, _ =	vpop (xrf0);
	v14 =	vxor.u32 $0x80000000, v12  }
0x231: {  	_ =	sdelay $0x2  }
0x232: {  	(v2sf) =	vpush v10, $0xF  }
0x233: {  	v12 =	vbroadcast v11, $0xF;
	(xrf0) =	vmax.scan.msk.u32 $0xffff, v14;
	v14, _, _ =	vpop (xrf0)  }
0x234: {  	s18 =	simm.s32 $0x40;
	p0 =	sne.s32 s6, $0x6;
	(v2sf) =	vpush v14, $0xF  }
.Ltmp23:
0x235: {  	vm0 =	veq.f32 v15, v12;
	v12 =	vor.u32 s18, v0;
	(pc) =	sbr.rel @!p0 .LBB2_97-.Ltmp23, $4  }
0x236: {  	s2 =	simm.s32 $0x31D0;
	p5 =	por $0x1, $0x1;
	vm1 =	vlt.s32 v12, v6  }
0x237: {  	v12 =	vmctz.xlane vm0;
	v16 =	vnsel vm1, $0x7F800000, v8;
	v8 =	vld [tilespmem:s2+$0x0];
	s2 =	simm.s32 @!p5 $0x0  }
0x238: {  	s2 =	simm.s32 @p5 $0x1  }
0x239: {  	s15 =	simm.s32 $0x6;
	(xrf0) =	vmin.scan.msk.f32 $0xffff, v16;
	v17, _, _ =	vpop (xrf0);
	v15 =	vxor.u32 $0x80000000, v12;
	[smem:$0x7EE] =	sst s2  }
0x23a: {  	s18 =	simm.s32 $0x50  }
0x23b: {  	v14 =	vor.u32 s18, v0;
	_ =	sdelay $0x2  }
0x23c: {  	(v2sf) =	vpush v13, $0xF;
	vm1 =	vlt.s32 v14, v6;
	v14, _, _ =	vpop (xrf0)  }
0x23d: {  	(v2sf) =	vpush v14, $0xF;
	_ =	sdelay $0x2  }
0x23e: {  	v12 =	vbroadcast v17, $0xF;
	p0 =	sne.s32 s6, $0x7  }
.Ltmp24:
0x23f: {  	_ = 	snop;
	(pc) =	sbr.rel @!p0 .LBB2_99-.Ltmp24, $4  }
0x240: {  	vm0 =	veq.f32 v9, v12  }
0x241: {  	v12 =	vmctz.xlane vm0  }
0x242: {  	(xrf0) =	vmax.scan.msk.u32 $0xffff, v15;
	s2 =	simm.s32 $0x31E0;
	v9 =	vnsel vm1, $0x7F800000, v8  }
0x243: {  	s29 =	simm.s32 $0x7;
	p6 =	por $0x1, $0x1;
	v8 =	vld [tilespmem:s2+$0x0];
	(xrf0) =	vmin.scan.msk.f32 $0xffff, v9;
	v21, _, _ =	vpop (xrf0);
	v22 =	vxor.u32 $0x80000000, v12  }
0x244: {  	v12 =	vbroadcast v21, $0xF;
	_ =	sdelay $0x3  }
0x245: {  	(v2sf) =	vpush v11, $0xF;
	vm0 =	veq.f32 v16, v12;
	v12, _, _ =	vpop (xrf0)  }
0x246: {  	(v2sf) =	vpush v12, $0xF  }
0x247: {  	s19 =	simm.s32 $0x8;
	s20 =	spop (v2sf);
	s18 =	simm.s32 $0x60  }
0x248: {  	p6 =	sne.s32 s6, $0x8;
	s25 =	simm.s32 $0x31F0;
	p5 =	por $0x1, $0x1  }
.Ltmp25:
0x249: {  	s24 =	simm.s32 $0x0;
	s23 =	simm.s32 $0x0;
	(pc) =	sbr.rel @!p6 .LBB2_101-.Ltmp25, $4  }
0x24a: {  	(xrf0) =	vmax.scan.msk.u32 $0xffff, v22;
	s5 =	simm.s32 $0x0;
	s3 =	simm.s32 $0x1;
	s2 =	spop (v2sf);
	v14 =	vor.u32 s18, v0  }
0x24b: {  	s13 =	simm.s32 $0x2;
	s22 =	sxor.u32 $0x80000000, s2;
	vm1 =	vlt.s32 v14, v6;
	s2 =	simm.s32 @!p5 $0x0;
	v14 =	vmctz.xlane vm0  }
0x24c: {  	s8 =	simm.s32 $0x3;
	s21 =	simm.s32 $0x4;
	s2 =	simm.s32 @p5 $0x1;
	v23 =	vnsel vm1, $0x7F800000, v8  }
0x24d: {  	v20 =	vmov v17;
	v18 =	vmov v21;
	p0 =	slt.f32 s20, s10;
	[smem:$0x7EF] =	sst s2;
	s2 =	simm.f32 $+Inf;
	v8 =	vld [tilespmem:s25+$0x0];
	(xrf0) =	vmin.scan.msk.f32 $0xffff, v23;
	v12, _, _ =	vpop (xrf0);
	v14 =	vxor.u32 $0x80000000, v14  }
.LBB2_102:
0x24e: {  	s28 =	smov.u32 s15  }
0x24f: {  	v19 =	vbroadcast v12, $0xF;
	s15 =	smov.u32 s29;
	s29 =	smov.u32 s19;
	s19 =	sadd.s32 $0x1, s19  }
0x250: {  	(xrf0) =	vmax.scan.msk.u32 $0xffff, v14;
	(v2sf) =	vpush v20, $0xF;
	v14, _, _ =	vpop (xrf0);
	s2 =	smov.u32 @p0 s20;
	s24 =	smov.u32 @p0 s22;
	v20 =	vmov v18;
	v18 =	vmov v12;
	p6 =	sne.s32 s6, s19  }
.Ltmp26:
0x251: {  	s18 =	sadd.s32 $0x10, s18;
	s5 =	smov.u32 @p0 s23;
	(v2sf) =	vpush v14, $0xF;
	(pc) =	sbr.rel @p6 .LBB2_102-.Ltmp26, $4  }
0x252: {  	s23 =	smov.u32 s3;
	s3 =	smov.u32 s13;
	v12 =	vor.u32 s18, v0;
	vm0 =	veq.f32 v9, v19;
	v9 =	vmov v23  }
0x253: {  	s13 =	smov.u32 s8;
	s8 =	smov.u32 s21;
	vm1 =	vlt.s32 v12, v6;
	v14 =	vmctz.xlane vm0;
	s20 =	spop (v2sf)  }
0x254: {  	s25 =	sadd.s32 $0x10, s25;
	v23 =	vnsel vm1, $0x7F800000, v8;
	p0 =	slt.f32 s20, s2;
	s21 =	spop (v2sf)  }
0x255: {  	v8 =	vld [tilespmem:s25+$0x0];
	(xrf0) =	vmin.scan.msk.f32 $0xffff, v23;
	v12, _, _ =	vpop (xrf0);
	v14 =	vxor.u32 $0x80000000, v14;
	s22 =	sxor.u32 $0x80000000, s21;
	s21 =	smov.u32 s1;
	s1 =	smov.u32 s28  }
.Ltmp27:
0x256: {  	(pc) =	sbr.rel .LBB2_104-.Ltmp27, $2  }
0x257: {  	_ =	sdelay $0x2  }
0x258: {  	s19 =	smov.u32 s15;
	v19 =	vmov v9;
	s15 =	smov.u32 s29;
	v9 =	vmov v23;
	p6 =	por $0x1, $0x1  }
.LBB2_89:
.Ltmp28:
0x259: {  	(pc) =	sbr.rel .LBB2_104-.Ltmp28, $3  }
0x25a: {  	_ =	sdelay $0x1  }
0x25b: {  	s2 =	simm.f32 $+Inf;
	s24 =	smov.u32 s7;
	s19 =	smov.u32 s7  }
0x25c: {  	s15 =	simm.s32 $0x1;
	s18 =	smov.u32 s7;
	s5 =	smov.u32 s7;
	v9 =	vmov v19  }
.LBB2_91:
.Ltmp29:
0x25d: {  	(pc) =	sbr.rel .LBB2_104-.Ltmp29, $3  }
0x25e: {  	_ =	sdelay $0x1  }
0x25f: {  	s2 =	simm.f32 $+Inf;
	s24 =	simm.s32 $0x0;
	s19 =	simm.s32 $0x1  }
0x260: {  	v12 =	vmov v10;
	s15 =	simm.s32 $0x2;
	s5 =	simm.s32 $0x0;
	s1 =	simm.s32 $0x0  }
.LBB2_93:
.Ltmp30:
0x261: {  	(pc) =	sbr.rel .LBB2_104-.Ltmp30, $4  }
0x262: {  	_ = 	snop  }
0x263: {  	s2 =	simm.f32 $+Inf  }
0x264: {  	s24 =	simm.s32 $0x0;
	s19 =	simm.s32 $0x2;
	s15 =	simm.s32 $0x3  }
0x265: {  	v12 =	vmovc v13;
	v18 =	vmov v10;
	v19 =	vmov v9;
	s5 =	simm.s32 $0x0;
	v9 =	vmov v15;
	s21 =	simm.s32 $0x0;
	s1 =	simm.s32 $0x1  }
.LBB2_95:
.Ltmp31:
0x266: {  	(pc) =	sbr.rel .LBB2_104-.Ltmp31, $4  }
0x267: {  	_ = 	snop  }
0x268: {  	s2 =	simm.f32 $+Inf;
	s24 =	simm.s32 $0x0  }
0x269: {  	s19 =	simm.s32 $0x3;
	s15 =	simm.s32 $0x4;
	s5 =	simm.s32 $0x0  }
0x26a: {  	v12 =	vmovc v11;
	v18 =	vmov v13;
	v20 =	vmov v10;
	v19 =	vmov v15;
	s8 =	simm.s32 $0x0;
	s21 =	simm.s32 $0x1;
	s1 =	simm.s32 $0x2  }
.LBB2_97:
.Ltmp32:
0x26b: {  	(pc) =	sbr.rel .LBB2_104-.Ltmp32, $4  }
0x26c: {  	_ = 	snop  }
0x26d: {  	s2 =	simm.f32 $+Inf;
	s19 =	simm.s32 $0x4;
	s15 =	simm.s32 $0x5  }
0x26e: {  	v19 =	vmov v9;
	s24 =	smov.u32 s7;
	s5 =	smov.u32 s7;
	s13 =	smov.u32 s7  }
0x26f: {  	v12 =	vmovc v17;
	v9 =	vmovc v16;
	v14 =	vmov v15;
	v20 =	vmov v13;
	v18 =	vmov v11;
	s8 =	simm.s32 $0x1;
	s21 =	simm.s32 $0x2;
	s1 =	simm.s32 $0x3  }
.LBB2_99:
.Ltmp33:
0x270: {  	(pc) =	sbr.rel .LBB2_104-.Ltmp33, $4  }
0x271: {  	_ = 	snop  }
0x272: {  	s2 =	simm.f32 $+Inf;
	s19 =	simm.s32 $0x5;
	s13 =	simm.s32 $0x1  }
0x273: {  	s24 =	smov.u32 s7;
	s5 =	smov.u32 s7;
	s3 =	smov.u32 s7  }
0x274: {  	v12 =	vmovc v21;
	v14 =	vmovc v22;
	v20 =	vmov v11;
	v18 =	vmov v17;
	v19 =	vmov v16;
	s8 =	simm.s32 $0x2;
	s21 =	simm.s32 $0x3;
	s1 =	simm.s32 $0x4  }
.LBB2_101:
.Ltmp34:
0x275: {  	(pc) =	sbr.rel .LBB2_104-.Ltmp34, $4  }
0x276: {  	s2 =	simm.f32 $+Inf;
	s19 =	simm.s32 $0x6  }
0x277: {  	s15 =	simm.s32 $0x7;
	s3 =	simm.s32 $0x1;
	s24 =	smov.u32 s7  }
0x278: {  	s23 =	smov.u32 s7;
	s5 =	smov.u32 s7;
	s13 =	simm.s32 $0x2  }
0x279: {  	v19 =	vmovc v9;
	v20 =	vmov v17;
	v18 =	vmov v21;
	v9 =	vmov v23;
	s8 =	simm.s32 $0x3;
	s21 =	simm.s32 $0x4;
	p6 =	por $0x1, $0x1  }
.LBB2_9:
0x27a: {  	p0 =	por $0x0, $0x0  }
0x27b: {  	s1 =	simm.s32 @!p0 $0x0  }
0x27c: {  	s1 =	simm.s32 @p0 $0x1;
	p0 =	por $0x0, $0x0  }
0x27d: {  	[smem:$0x7F9] =	sst s1;
	s1 =	simm.s32 @!p0 $0x0  }
0x27e: {  	s1 =	simm.s32 @p0 $0x1;
	p0 =	por $0x0, $0x0  }
0x27f: {  	s19 =	simm.f32 $+Inf;
	[smem:$0x7FA] =	sst s1;
	s1 =	simm.s32 @!p0 $0x0  }
0x280: {  	s2 =	smov.u32 s8;
	s15 =	smov.u32 s8;
	s1 =	simm.s32 @p0 $0x1  }
0x281: {  	s18 =	smov.u32 s8;
	s13 =	smov.u32 s8;
	[smem:$0x7FB] =	sst s1  }
.LBB2_26:
0x282: {  	s3 =	sld [smem:$0x7FA];
	_ =	sdelay $0x2  }
0x283: {  	p6 =	seq.s32 s3, $0x1  }
0x284: {  	p0 =	por !p1, !p6  }
0x285: {  	s24 =	smov.u32 @p0 s19;
	s19 =	sld [smem:$0x7FB]  }
0x286: {  	s6 =	smov.u32 s8;
	s25 =	sld [smem:$0x7F9]  }
0x287: {  	s26 =	smov.u32 @p3 s4;
	s4 =	smov.u32 s8;
	s29 =	smov.u32 @p2 s1  }
0x288: {  	s21 =	smov.u32 @p0 s2;
	s2 =	simm.f32 $+Inf;
	p1 =	seq.s32 s19, $0x1  }
0x289: {  	s1 =	smov.u32 @p3 s26;
	s2 =	smov.u32 @p6 s24;
	s3 =	spop @p1 (v2sf)  }
0x28a: {  	(v2sf) =	vpush @p5 v21, $0xF;
	s22 =	smov.u32 @p0 s13;
	s13 =	smov.u32 s8;
	p0 =	slt.f32 @p1 s3, s2  }
0x28b: {  	s6 =	smov.u32 @p6 s21;
	s13 =	smov.u32 @p6 s22;
	p6 =	seq.s32 s25, $0x1  }
0x28c: {  	v21, _, _ =	vpop @p5 (xrf0);
	s21 =	smov.u32 s8;
	s19 =	spop @p1 (v2sf);
	p0 =	por @!p1 p0, p0  }
0x28d: {  	(v2sf) =	vpush @p5 v21, $0xF;
	s3 =	smov.u32 @p1 s3;
	s19 =	sxor.u32 @p1 $0x80000000, s19;
	p0 =	por !p0, !p1  }
0x28e: {  	(xrf0) =	vmax.scan.msk.u32 @p4 $0xffff, v15;
	v15 =	vbroadcast @p3 v13, $0xF;
	s5 =	smov.u32 @p1 s5;
	s19 =	smov.u32 @p1 s19;
	s3 =	smov.u32 @p0 s2  }
0x28f: {  	s19 =	smov.u32 @p0 s6;
	s5 =	smov.u32 @p0 s13;
	s2 =	sadd.s32 @p2 $0x10, s18  }
0x290: {  	vm0 =	veq.f32 @p3 v20, v15;
	s6 =	smov.u32 s8;
	s13 =	simm.f32 $+Inf;
	s18 =	smov.u32 s8  }
0x291: {  	v15 =	vpsel p4, v19, v12;
	v20 =	vmctz.xlane @p3 vm0;
	s6 =	smov.u32 @p2 s2;
	s2 =	spop @p6 (v2sf);
	s13 =	smov.u32 @p1 s3  }
0x292: {  	s18 =	smov.u32 @p1 s19;
	s3 =	smov.u32 s8;
	s19 =	smov.u32 @p6 s23  }
0x293: {  	s3 =	smov.u32 @p1 s5;
	p0 =	slt.f32 @p6 s2, s13;
	s5 =	spop @p6 (v2sf)  }
0x294: {  	(v2sf) =	vpush @p4 v15, $0xF;
	v15, _, _ =	vpop @p2 (xrf0);
	s21 =	smov.u32 @p6 s19;
	s2 =	smov.u32 @p6 s2;
	v60 =	vor.u32 s6, v0;
	s5 =	sxor.u32 @p6 $0x80000000, s5  }
0x295: {  	v19 =	vxor.u32 @p3 $0x80000000, v20;
	v20, _, _ =	vpop @p4 (xrf0);
	v15 =	vpsel p2, v15, v22;
	s19 =	smov.u32 @p6 s21;
	vm14 =	vlt.s32 v60, v8;
	p0 =	por @!p6 p0, p0;
	s5 =	smov.u32 @p6 s5  }
0x296: {  	(v2sf) =	vpush @p4 v20, $0xF;
	v20 =	vbroadcast @p2 v15, $0xF;
	s6 =	smov.u32 @p6 s19;
	v9 =	vnsel vm14, $0x7F800000, v9;
	s19 =	smov.u32 s8;
	p0 =	por !p0, !p6  }
0x297: {  	v10 =	vpsel p2, v10, v17;
	(xrf0) =	vmin.scan.msk.f32 $0xffff, v9;
	s2 =	smov.u32 @p0 s13;
	s5 =	smov.u32 @p0 s18;
	s6 =	smov.u32 @p0 s3  }
0x298: {  	v19 =	vpsel p3, v19, v23;
	vm0 =	veq.f32 @p2 v10, v20;
	s3 =	smov.u32 @p5 s31;
	s13 =	smov.u32 s17;
	s18 =	simm.f32 $+Inf  }
0x299: {  	(xrf0) =	vmax.scan.msk.u32 @p3 $0xffff, v19;
	v10 =	vmctz.xlane @p2 vm0;
	s13 =	smov.u32 @p5 s3;
	s3 =	spop @p5 (v2sf);
	s18 =	smov.u32 @p6 s2  }
0x29a: {  	v61 =	vpsel p3, v13, v18;
	s17 =	smov.u32 @p3 s1;
	s2 =	smov.u32 s8;
	p0 =	slt.f32 @p5 s3, s18  }
0x29b: {  	v13 =	vpsel p3, v61, v14;
	s19 =	smov.u32 @p6 s5;
	s5 =	smov.u32 @p5 s13;
	s2 =	smov.u32 @p6 s6;
	v10 =	vxor.u32 @p2 $0x80000000, v10  }
0x29c: {  	s5 =	smov.u32 @p5 s5;
	v10 =	vpsel p2, v10, v16;
	s6 =	spop @p5 (v2sf);
	p0 =	por @!p5 p0, p0;
	(v2sf) =	vpush @p3 v13, $0xF  }
0x29d: {  	s13 =	smov.u32 s12;
	s5 =	smov.u32 @p5 s5;
	p0 =	por !p0, !p5;
	v62, _, _ =	vpop (xrf0)  }
0x29e: {  	s6 =	sxor.u32 @p5 $0x80000000, s6;
	s5 =	smov.u32 @p0 s2;
	s2 =	smov.u32 @p4 s20;
	v63 =	vbroadcast v62, $0xF  }
0x29f: {  	s3 =	smov.u32 @p5 s3;
	(xrf0) =	vmax.scan.msk.u32 @p2 $0xffff, v10;
	s6 =	smov.u32 @p5 s6;
	v14, _, _ =	vpop @p3 (xrf0);
	v10 =	vmov @p2 v15;
	s13 =	smov.u32 @p4 s2  }
0x2a0: {  	s3 =	smov.u32 @p0 s18;
	s6 =	smov.u32 @p0 s19;
	(v2sf) =	vpush @p3 v14, $0xF;
	v10 =	vpsel p2, v10, v12;
	s2 =	smov.u32 @p4 s13;
	vm15 =	veq.f32 v9, v63  }
0x2a1: {  	v9 =	vmov @p2 v10;
	s13 =	simm.f32 $+Inf;
	s4 =	smov.u32 @p4 s2;
	s2 =	smov.u32 @p2 s29;
	v10 =	vmctz.xlane vm15  }
0x2a2: {  	v9 =	vpsel p2, v9, v11;
	s13 =	smov.u32 @p5 s3;
	s3 =	smov.u32 s8;
	s1 =	smov.u32 @p4 s4  }
0x2a3: {  	s12 =	smov.u32 @p2 s2;
	s2 =	smov.u32 @p3 s17;
	s4 =	spop @p4 (v2sf);
	(v2sf) =	vpush @p2 v9, $0xF;
	v10 =	vxor.u32 $0x80000000, v10  }
0x2a4: {  	s17 =	smov.u32 s8;
	s3 =	smov.u32 @p5 s5;
	s1 =	smov.u32 @p4 s1;
	(xrf0) =	vmax.scan.msk.u32 $0xffff, v10  }
0x2a5: {  	s2 =	smov.u32 @p3 s2;
	s17 =	smov.u32 @p5 s6;
	p0 =	slt.f32 @p4 s4, s13  }
0x2a6: {  	s6 =	smov.u32 @p2 s12;
	s12 =	smov.u32 s8;
	s4 =	smov.u32 @p4 s4;
	v9, _, _ =	vpop @p2 (xrf0)  }
0x2a7: {  	s12 =	smov.u32 @p2 s6;
	s5 =	spop @p4 (v2sf);
	(v2sf) =	vpush @p2 v9, $0xF;
	p0 =	por @!p4 p0, p0  }
0x2a8: {  	s1 =	smov.u32 @p4 s1;
	s5 =	sxor.u32 @p4 $0x80000000, s5;
	p0 =	por !p0, !p4;
	(v2sf) =	vpush v62, $0xF  }
0x2a9: {  	s2 =	smov.u32 @p3 s2;
	s5 =	smov.u32 @p4 s5;
	s4 =	smov.u32 @p0 s13  }
0x2aa: {  	s5 =	smov.u32 @p0 s17;
	s1 =	smov.u32 @p0 s3;
	s3 =	smov.u32 @p2 s12;
	v9, _, _ =	vpop (xrf0)  }
0x2ab: {  	s12 =	simm.f32 $+Inf;
	s13 =	smov.u32 s8;
	s6 =	spop @p3 (v2sf);
	(v2sf) =	vpush v9, $0xF  }
0x2ac: {  	s3 =	smov.u32 @p2 s3;
	s12 =	smov.u32 @p4 s4;
	s4 =	smov.u32 s8  }
0x2ad: {  	s4 =	smov.u32 @p4 s1;
	s1 =	smov.u32 @p3 s2;
	p0 =	slt.f32 @p3 s6, s12  }
0x2ae: {  	s13 =	smov.u32 @p4 s5;
	s2 =	smov.u32 @p2 s3;
	s1 =	smov.u32 @p3 s1  }
0x2af: {  	s2 =	smov.u32 @p2 s2;
	s3 =	spop @p3 (v2sf);
	p0 =	por @!p3 p0, p0  }
0x2b0: {  	s5 =	smov.u32 @p3 s6;
	s3 =	sxor.u32 @p3 $0x80000000, s3;
	p0 =	por !p0, !p3  }
0x2b1: {  	s5 =	smov.u32 @p0 s12;
	s1 =	smov.u32 @p0 s4;
	s4 =	simm.f32 $+Inf  }
0x2b2: {  	s3 =	smov.u32 @p3 s3;
	s6 =	spop @p2 (v2sf);
	s4 =	smov.u32 @p3 s5  }
0x2b3: {  	s3 =	smov.u32 @p0 s13;
	s5 =	smov.u32 s8;
	p0 =	slt.f32 @p2 s6, s4  }
0x2b4: {  	s5 =	smov.u32 @p3 s3;
	s3 =	smov.u32 s8;
	s6 =	smov.u32 @p2 s6  }
0x2b5: {  	s3 =	smov.u32 @p3 s1;
	s1 =	smov.u32 @p2 s2;
	p0 =	por @!p2 p0, p0  }
0x2b6: {  	s2 =	spop @p2 (v2sf);
	s1 =	smov.u32 @p2 s1;
	p0 =	por !p0, !p2  }
0x2b7: {  	s2 =	sxor.u32 @p2 $0x80000000, s2;
	s28 =	spop (v2sf);
	s6 =	smov.u32 @p0 s4  }
0x2b8: {  	s2 =	smov.u32 @p2 s2;
	s1 =	smov.u32 @p0 s3;
	s10 =	smov.u32 @p2 s6  }
0x2b9: {  	s3 =	smov.u32 s8;
	s2 =	smov.u32 @p0 s5;
	p0 =	slt.f32 s28, s10  }
0x2ba: {  	s5 =	smov.u32 s8;
	s3 =	smov.u32 @p2 s1;
	s29 =	spop (v2sf)  }
0x2bb: {  	s5 =	smov.u32 @p2 s2;
	s3 =	smov.u32 @p0 s15;
	s1 =	sxor.u32 $0x80000000, s29  }
0x2bc: {  	s31 =	sshll.u32 s3, $0x4;
	s5 =	smov.u32 @p0 s1  }
0x2bd: {  	s1 =	sadd.s32 s5, s31  }
.LBB2_27:
0x2be: {  	v9 =	vmov s1;
	_ =	sdelay $0x4  }
0x2bf: {  	v11 =	vmov s9;
	s9 =	sadd.s32 $0x1, s9;
	v10 =	vld.idx.msk [tilespmem:v9+s11+$0x0], $0xffff  }
0x2c0: {  	p0 =	sne.s32 s9, $0x40  }
.Ltmp35:
0x2c1: {  	_ = 	snop;
	(pc) =	sbr.rel @!p0 .LBB2_28-.Ltmp35, $4  }
0x2c2: {  	_ = 	snop  }
0x2c3: {  	s31 =	simm.s32 $0xD280  }
0x2c4: {  	[tilespmem:v11+s31+$0x0] =	vst.idx.msk $0x1, v10  }
0x2c5: {  	[tilespmem:v9+s14+$0x0] =	vst.idx.msk $0x1, v5  }
.LBB2_7:
0x2c6: {  	s2 =	sld [smem:$0x7FC];
	_ =	sdelay $0x2  }
0x2c7: {  	p0 =	seq.s32 s2, $0x1  }
.Ltmp36:
0x2c8: {  	_ = 	snop;
	(pc) =	sbr.rel @p0 .LBB2_27-.Ltmp36, $2  }
0x2c9: {  	_ =	sdelay $0x2  }
0x2ca: {  	s1 =	simm.s32 $0x0  }
0x2cb: {  	p0 =	sne.s32 s7, $0x1  }
.Ltmp37:
0x2cc: {  	_ = 	snop;
	(pc) =	sbr.rel @!p0 .LBB2_9-.Ltmp37, $4  }
0x2cd: {  	_ = 	snop  }
0x2ce: {  	s10 =	simm.f32 $+Inf  }
0x2cf: {  	s1 =	simm.s32 $0x3180;
	s17 =	simm.s32 $0x1;
	p2 =	por $0x0, $0x0  }
0x2d0: {  	p3 =	por $0x0, $0x0;
	p4 =	por $0x0, $0x0;
	p5 =	por $0x0, $0x0;
	v9 =	vld [tilespmem:s1+$0x0]  }
0x2d1: {  	p0 =	sne.s32 s7, $0x2  }
.Ltmp38:
0x2d2: {  	_ = 	snop;
	(pc) =	sbr.rel @!p0 .LBB2_11-.Ltmp38, $4  }
0x2d3: {  	v10 =	vor.u32 s8, v0  }
0x2d4: {  	vm0 =	vlt.s32 v10, v8  }
0x2d5: {  	s1 =	simm.s32 $0x3190;
	v20 =	vnsel vm0, $0x7F800000, v9  }
0x2d6: {  	s12 =	simm.s32 $0x2;
	p2 =	por $0x1, $0x1;
	v9 =	vld [tilespmem:s1+$0x0];
	(xrf0) =	vmin.scan.msk.f32 $0xffff, v20  }
0x2d7: {  	p0 =	sne.s32 s7, $0x3  }
.Ltmp39:
0x2d8: {  	s18 =	simm.s32 $0x10;
	(pc) =	sbr.rel @!p0 .LBB2_13-.Ltmp39, $4  }
0x2d9: {  	v10 =	vor.u32 s18, v0  }
0x2da: {  	vm0 =	vlt.s32 v10, v8  }
0x2db: {  	s1 =	simm.s32 $0x31A0;
	v10 =	vnsel vm0, $0x7F800000, v9  }
0x2dc: {  	s26 =	simm.s32 $0x3;
	p3 =	por $0x1, $0x1;
	v9 =	vld [tilespmem:s1+$0x0];
	(xrf0) =	vmin.scan.msk.f32 $0xffff, v10;
	v11, _, _ =	vpop (xrf0)  }
0x2dd: {  	v12 =	vbroadcast v11, $0xF;
	p0 =	sne.s32 s7, $0x4  }
.Ltmp40:
0x2de: {  	s18 =	simm.s32 $0x20;
	(pc) =	sbr.rel @!p0 .LBB2_15-.Ltmp40, $4  }
0x2df: {  	v13 =	vor.u32 s18, v0;
	vm0 =	veq.f32 v20, v12  }
0x2e0: {  	vm1 =	vlt.s32 v13, v8;
	v12 =	vmctz.xlane vm0  }
0x2e1: {  	s1 =	simm.s32 $0x31B0;
	v16 =	vnsel vm1, $0x7F800000, v9  }
0x2e2: {  	s29 =	simm.s32 $0x4;
	p4 =	por $0x1, $0x1;
	v9 =	vld [tilespmem:s1+$0x0];
	(xrf0) =	vmin.scan.msk.f32 $0xffff, v16;
	v14, _, _ =	vpop (xrf0);
	v15 =	vxor.u32 $0x80000000, v12  }
0x2e3: {  	v12 =	vbroadcast v14, $0xF;
	p0 =	sne.s32 s7, $0x5  }
.Ltmp41:
0x2e4: {  	s18 =	simm.s32 $0x30;
	(pc) =	sbr.rel @!p0 .LBB2_17-.Ltmp41, $4  }
0x2e5: {  	vm0 =	veq.f32 v10, v12;
	v10 =	vor.u32 s18, v0  }
0x2e6: {  	vm1 =	vlt.s32 v10, v8;
	v13 =	vmctz.xlane vm0  }
0x2e7: {  	(xrf0) =	vmax.scan.msk.u32 $0xffff, v15;
	s1 =	simm.s32 $0x31C0;
	v10 =	vnsel vm1, $0x7F800000, v9  }
0x2e8: {  	s4 =	simm.s32 $0x5;
	p5 =	por $0x1, $0x1;
	v9 =	vld [tilespmem:s1+$0x0];
	(xrf0) =	vmin.scan.msk.f32 $0xffff, v10;
	v12, _, _ =	vpop (xrf0);
	v15 =	vxor.u32 $0x80000000, v13  }
0x2e9: {  	p0 =	por $0x0, $0x0  }
0x2ea: {  	s1 =	simm.s32 @!p0 $0x0  }
0x2eb: {  	v13 =	vbroadcast v12, $0xF;
	(v2sf) =	vpush v11, $0xF;
	s1 =	simm.s32 @p0 $0x1;
	p0 =	sne.s32 s7, $0x6  }
.Ltmp42:
0x2ec: {  	s18 =	simm.s32 $0x40;
	(pc) =	sbr.rel @!p0 .LBB2_19-.Ltmp42, $4  }
0x2ed: {  	(xrf0) =	vmax.scan.msk.u32 $0xffff, v15;
	p1 =	por $0x1, $0x1;
	vm0 =	veq.f32 v16, v13;
	v13 =	vor.u32 s18, v0;
	v15, _, _ =	vpop (xrf0)  }
0x2ee: {  	[smem:$0x7FA] =	sst s1;
	vm1 =	vlt.s32 v13, v8;
	v13 =	vmctz.xlane vm0;
	s1 =	simm.s32 @!p1 $0x0;
	(v2sf) =	vpush v15, $0xF  }
0x2ef: {  	s31 =	simm.s32 $0x31D0;
	v17 =	vnsel vm1, $0x7F800000, v9;
	s1 =	simm.s32 @p1 $0x1  }
0x2f0: {  	s15 =	simm.s32 $0x6;
	v9 =	vld [tilespmem:s31+$0x0];
	(xrf0) =	vmin.scan.msk.f32 $0xffff, v17;
	v18, _, _ =	vpop (xrf0);
	v16 =	vxor.u32 $0x80000000, v13;
	[smem:$0x7F9] =	sst s1  }
0x2f1: {  	s18 =	simm.s32 $0x50  }
0x2f2: {  	v15 =	vor.u32 s18, v0;
	_ =	sdelay $0x2  }
0x2f3: {  	(v2sf) =	vpush v14, $0xF;
	vm1 =	vlt.s32 v15, v8;
	v15, _, _ =	vpop (xrf0)  }
0x2f4: {  	(v2sf) =	vpush v15, $0xF;
	_ =	sdelay $0x2  }
0x2f5: {  	v13 =	vbroadcast v18, $0xF;
	p0 =	sne.s32 s7, $0x7  }
.Ltmp43:
0x2f6: {  	_ = 	snop;
	(pc) =	sbr.rel @!p0 .LBB2_21-.Ltmp43, $4  }
0x2f7: {  	s1 =	simm.s32 $0x31E0;
	p1 =	por $0x1, $0x1;
	vm0 =	veq.f32 v10, v13  }
0x2f8: {  	v13 =	vmctz.xlane vm0;
	v10 =	vnsel vm1, $0x7F800000, v9;
	v9 =	vld [tilespmem:s1+$0x0];
	s1 =	simm.s32 @!p1 $0x0  }
0x2f9: {  	(xrf0) =	vmax.scan.msk.u32 $0xffff, v16;
	s1 =	simm.s32 @p1 $0x1  }
0x2fa: {  	s3 =	simm.s32 $0x7;
	(xrf0) =	vmin.scan.msk.f32 $0xffff, v10;
	v22, _, _ =	vpop (xrf0);
	v23 =	vxor.u32 $0x80000000, v13;
	[smem:$0x7FB] =	sst s1  }
0x2fb: {  	v13 =	vbroadcast v22, $0xF;
	_ =	sdelay $0x3  }
0x2fc: {  	(v2sf) =	vpush v12, $0xF;
	vm0 =	veq.f32 v17, v13;
	v13, _, _ =	vpop (xrf0)  }
0x2fd: {  	(v2sf) =	vpush v13, $0xF  }
0x2fe: {  	s1 =	simm.s32 $0x8;
	s24 =	spop (v2sf);
	s18 =	simm.s32 $0x60  }
0x2ff: {  	p0 =	sne.s32 s7, $0x8;
	s6 =	simm.s32 $0x31F0;
	p6 =	por $0x1, $0x1  }
.Ltmp44:
0x300: {  	s19 =	simm.f32 $+Inf;
	s22 =	simm.s32 $0x0;
	(pc) =	sbr.rel @!p0 .LBB2_23-.Ltmp44, $4  }
0x301: {  	(xrf0) =	vmax.scan.msk.u32 $0xffff, v23;
	s13 =	simm.s32 $0x0;
	s5 =	simm.s32 $0x1;
	s2 =	spop (v2sf);
	v15 =	vor.u32 s18, v0  }
0x302: {  	s23 =	simm.s32 $0x2;
	s21 =	sxor.u32 $0x80000000, s2;
	vm1 =	vlt.s32 v15, v8;
	s2 =	simm.s32 @!p6 $0x0;
	v15 =	vmctz.xlane vm0  }
0x303: {  	s31 =	simm.s32 $0x3;
	s20 =	simm.s32 $0x4;
	s2 =	simm.s32 @p6 $0x1;
	v24 =	vnsel vm1, $0x7F800000, v9  }
0x304: {  	v21 =	vmov v18;
	v19 =	vmov v22;
	p1 =	slt.f32 s24, s10;
	v9 =	vld [tilespmem:s6+$0x0];
	[smem:$0x7FA] =	sst s2;
	s2 =	simm.s32 $0x0;
	(xrf0) =	vmin.scan.msk.f32 $0xffff, v24;
	v13, _, _ =	vpop (xrf0);
	v15 =	vxor.u32 $0x80000000, v15  }
.LBB2_24:
0x305: {  	s25 =	smov.u32 s15  }
0x306: {  	v20 =	vbroadcast v13, $0xF;
	s15 =	smov.u32 s3;
	s3 =	smov.u32 s1;
	s1 =	sadd.s32 $0x1, s1  }
0x307: {  	(xrf0) =	vmax.scan.msk.u32 $0xffff, v15;
	(v2sf) =	vpush v21, $0xF;
	v15, _, _ =	vpop (xrf0);
	s19 =	smov.u32 @p1 s24;
	s2 =	smov.u32 @p1 s21;
	v21 =	vmov v19;
	v19 =	vmov v13;
	p0 =	sne.s32 s7, s1  }
.Ltmp45:
0x308: {  	s18 =	sadd.s32 $0x10, s18;
	s13 =	smov.u32 @p1 s22;
	(v2sf) =	vpush v15, $0xF;
	(pc) =	sbr.rel @p0 .LBB2_24-.Ltmp45, $4  }
0x309: {  	s22 =	smov.u32 s5;
	s5 =	smov.u32 s23;
	v13 =	vor.u32 s18, v0;
	vm0 =	veq.f32 v10, v20;
	v10 =	vmov v24  }
0x30a: {  	s23 =	smov.u32 s31;
	s31 =	smov.u32 s20;
	vm1 =	vlt.s32 v13, v8;
	v15 =	vmctz.xlane vm0;
	s24 =	spop (v2sf)  }
0x30b: {  	s6 =	sadd.s32 $0x10, s6;
	v24 =	vnsel vm1, $0x7F800000, v9;
	p1 =	slt.f32 s24, s19;
	s20 =	spop (v2sf)  }
0x30c: {  	v9 =	vld [tilespmem:s6+$0x0];
	(xrf0) =	vmin.scan.msk.f32 $0xffff, v24;
	v13, _, _ =	vpop (xrf0);
	v15 =	vxor.u32 $0x80000000, v15;
	s21 =	sxor.u32 $0x80000000, s20;
	s20 =	smov.u32 s4;
	s4 =	smov.u32 s25  }
.Ltmp46:
0x30d: {  	(pc) =	sbr.rel .LBB2_26-.Ltmp46, $2  }
0x30e: {  	_ =	sdelay $0x2  }
0x30f: {  	s1 =	smov.u32 s15;
	v20 =	vmov v10;
	s15 =	smov.u32 s3;
	v10 =	vmov v24  }
.LBB2_11:
0x310: {  	p0 =	por $0x0, $0x0  }
0x311: {  	s1 =	simm.s32 @!p0 $0x0  }
0x312: {  	s1 =	simm.s32 @p0 $0x1;
	p0 =	por $0x0, $0x0  }
.Ltmp47:
0x313: {  	[smem:$0x7F9] =	sst s1;
	s1 =	simm.s32 @!p0 $0x0;
	(pc) =	sbr.rel .LBB2_26-.Ltmp47, $4  }
0x314: {  	s19 =	simm.f32 $+Inf;
	s1 =	simm.s32 @p0 $0x1;
	p0 =	por $0x0, $0x0  }
0x315: {  	s2 =	smov.u32 s8;
	[smem:$0x7FA] =	sst s1;
	s1 =	simm.s32 @!p0 $0x0  }
0x316: {  	s15 =	simm.s32 $0x1;
	s18 =	smov.u32 s8;
	s1 =	simm.s32 @p0 $0x1  }
0x317: {  	s13 =	smov.u32 s8;
	v10 =	vmov v20;
	[smem:$0x7FB] =	sst s1;
	s1 =	smov.u32 s8  }
.LBB2_13:
0x318: {  	p0 =	por $0x0, $0x0  }
0x319: {  	s1 =	simm.s32 @!p0 $0x0  }
0x31a: {  	s1 =	simm.s32 @p0 $0x1;
	p0 =	por $0x0, $0x0  }
.Ltmp48:
0x31b: {  	[smem:$0x7F9] =	sst s1;
	s1 =	simm.s32 @!p0 $0x0;
	(pc) =	sbr.rel .LBB2_26-.Ltmp48, $4  }
0x31c: {  	s19 =	simm.f32 $+Inf;
	s1 =	simm.s32 @p0 $0x1;
	p0 =	por $0x0, $0x0  }
0x31d: {  	s2 =	simm.s32 $0x0;
	[smem:$0x7FA] =	sst s1;
	s1 =	simm.s32 @!p0 $0x0  }
0x31e: {  	s15 =	simm.s32 $0x2;
	s13 =	simm.s32 $0x0;
	s1 =	simm.s32 @p0 $0x1  }
0x31f: {  	v13 =	vmov v11;
	s4 =	simm.s32 $0x0;
	[smem:$0x7FB] =	sst s1;
	s1 =	simm.s32 $0x1  }
.LBB2_15:
0x320: {  	p0 =	por $0x0, $0x0  }
0x321: {  	s1 =	simm.s32 @!p0 $0x0  }
0x322: {  	s19 =	simm.f32 $+Inf;
	s1 =	simm.s32 @p0 $0x1;
	p0 =	por $0x0, $0x0  }
.Ltmp49:
0x323: {  	[smem:$0x7F9] =	sst s1;
	s1 =	simm.s32 @!p0 $0x0;
	(pc) =	sbr.rel .LBB2_26-.Ltmp49, $4  }
0x324: {  	s2 =	simm.s32 $0x0;
	s1 =	simm.s32 @p0 $0x1;
	p0 =	por $0x0, $0x0  }
0x325: {  	s15 =	simm.s32 $0x3;
	[smem:$0x7FA] =	sst s1;
	s1 =	simm.s32 @!p0 $0x0  }
0x326: {  	s13 =	simm.s32 $0x0;
	s20 =	simm.s32 $0x0;
	s1 =	simm.s32 @p0 $0x1  }
0x327: {  	v13 =	vmovc v14;
	v19 =	vmov v11;
	v20 =	vmov v10;
	v10 =	vmov v16;
	s4 =	simm.s32 $0x1;
	[smem:$0x7FB] =	sst s1;
	s1 =	simm.s32 $0x2  }
.LBB2_17:
0x328: {  	p0 =	por $0x0, $0x0  }
0x329: {  	s19 =	simm.f32 $+Inf;
	s1 =	simm.s32 @!p0 $0x0  }
0x32a: {  	s2 =	simm.s32 $0x0;
	s1 =	simm.s32 @p0 $0x1;
	p0 =	por $0x0, $0x0  }
.Ltmp50:
0x32b: {  	[smem:$0x7F9] =	sst s1;
	s1 =	simm.s32 @!p0 $0x0;
	(pc) =	sbr.rel .LBB2_26-.Ltmp50, $4  }
0x32c: {  	s15 =	simm.s32 $0x4;
	s1 =	simm.s32 @p0 $0x1;
	p0 =	por $0x0, $0x0  }
0x32d: {  	s13 =	simm.s32 $0x0;
	[smem:$0x7FA] =	sst s1;
	s1 =	simm.s32 @!p0 $0x0  }
0x32e: {  	s31 =	simm.s32 $0x0;
	s20 =	simm.s32 $0x1;
	s1 =	simm.s32 @p0 $0x1  }
0x32f: {  	v13 =	vmovc v12;
	v19 =	vmov v14;
	v21 =	vmov v11;
	v20 =	vmov v16;
	s4 =	simm.s32 $0x2;
	[smem:$0x7FB] =	sst s1;
	s1 =	simm.s32 $0x3  }
.LBB2_19:
.Ltmp51:
0x330: {  	p0 =	por $0x0, $0x0;
	(pc) =	sbr.rel .LBB2_26-.Ltmp51, $4  }
0x331: {  	s19 =	simm.f32 $+Inf;
	s15 =	simm.s32 $0x5;
	s2 =	smov.u32 s8  }
0x332: {  	s13 =	smov.u32 s8;
	s23 =	smov.u32 s8;
	s1 =	simm.s32 @!p0 $0x0  }
0x333: {  	v20 =	vmov v10;
	s31 =	simm.s32 $0x1;
	s20 =	simm.s32 $0x2;
	s1 =	simm.s32 @p0 $0x1  }
0x334: {  	v13 =	vmovc v18;
	v10 =	vmovc v17;
	v15 =	vmov v16;
	v21 =	vmov v14;
	v19 =	vmov v12;
	s4 =	simm.s32 $0x3;
	[smem:$0x7FB] =	sst s1;
	s1 =	simm.s32 $0x4  }
.LBB2_21:
.Ltmp52:
0x335: {  	(pc) =	sbr.rel .LBB2_26-.Ltmp52, $4  }
0x336: {  	_ = 	snop  }
0x337: {  	s19 =	simm.f32 $+Inf;
	s1 =	simm.s32 $0x5;
	s23 =	simm.s32 $0x1  }
0x338: {  	s2 =	smov.u32 s8;
	s13 =	smov.u32 s8;
	s5 =	smov.u32 s8  }
0x339: {  	v13 =	vmovc v22;
	v15 =	vmovc v23;
	v21 =	vmov v12;
	v19 =	vmov v18;
	v20 =	vmov v17;
	s31 =	simm.s32 $0x2;
	s20 =	simm.s32 $0x3;
	s4 =	simm.s32 $0x4  }
.LBB2_23:
.Ltmp53:
0x33a: {  	(pc) =	sbr.rel .LBB2_26-.Ltmp53, $4  }
0x33b: {  	s19 =	simm.f32 $+Inf  }
0x33c: {  	s1 =	simm.s32 $0x6;
	s15 =	simm.s32 $0x7;
	s5 =	simm.s32 $0x1  }
0x33d: {  	s2 =	smov.u32 s8;
	s22 =	smov.u32 s8;
	s13 =	smov.u32 s8  }
0x33e: {  	v20 =	vmovc v10;
	v21 =	vmov v18;
	v19 =	vmov v22;
	v10 =	vmov v24;
	s23 =	simm.s32 $0x2;
	s31 =	simm.s32 $0x3;
	s20 =	simm.s32 $0x4  }
.LBB2_35:
0x33f: {  	p0 =	por $0x0, $0x0  }
0x340: {  	s1 =	simm.s32 @!p0 $0x0  }
0x341: {  	s1 =	simm.s32 @p0 $0x1;
	p0 =	por $0x0, $0x0  }
0x342: {  	[smem:$0x7F5] =	sst s1;
	s1 =	simm.s32 @!p0 $0x0  }
0x343: {  	s1 =	simm.s32 @p0 $0x1;
	p0 =	por $0x0, $0x0  }
0x344: {  	s19 =	simm.f32 $+Inf;
	[smem:$0x7F6] =	sst s1;
	s1 =	simm.s32 @!p0 $0x0  }
0x345: {  	s2 =	smov.u32 s9;
	s26 =	smov.u32 s9;
	s1 =	simm.s32 @p0 $0x1  }
0x346: {  	s13 =	smov.u32 s9;
	[smem:$0x7F7] =	sst s1;
	s1 =	smov.u32 s9  }
.LBB2_52:
0x347: {  	s17 =	sld [smem:$0x7F6]  }
0x348: {  	s25 =	sld [smem:$0x7F7];
	_ =	sdelay $0x1  }
0x349: {  	s28 =	sld [smem:$0x7F5];
	s29 =	smov.u32 @p3 s4;
	p6 =	seq.s32 s17, $0x1  }
0x34a: {  	s17 =	smov.u32 s9;
	p0 =	por !p1, !p6;
	p1 =	seq.s32 s25, $0x1  }
0x34b: {  	s24 =	smov.u32 @p0 s19;
	s21 =	smov.u32 @p0 s2;
	s2 =	simm.f32 $+Inf  }
0x34c: {  	(v2sf) =	vpush @p5 v21, $0xF;
	s22 =	smov.u32 @p0 s13;
	s13 =	spop @p1 (v2sf);
	s2 =	smov.u32 @p6 s24  }
0x34d: {  	s19 =	smov.u32 s9;
	s5 =	smov.u32 @p1 s5;
	p0 =	slt.f32 @p1 s13, s2  }
0x34e: {  	v21, _, _ =	vpop @p5 (xrf0);
	s17 =	smov.u32 @p6 s21;
	s19 =	smov.u32 @p6 s22;
	s21 =	spop @p1 (v2sf)  }
0x34f: {  	(v2sf) =	vpush @p5 v21, $0xF;
	p6 =	seq.s32 s28, $0x1;
	s21 =	sxor.u32 @p1 $0x80000000, s21;
	p0 =	por @!p1 p0, p0  }
0x350: {  	s13 =	smov.u32 @p1 s13;
	s21 =	smov.u32 @p1 s21;
	p0 =	por !p0, !p1  }
0x351: {  	(xrf0) =	vmax.scan.msk.u32 @p4 $0xffff, v15;
	v15 =	vbroadcast @p3 v13, $0xF;
	s22 =	smov.u32 s9;
	s13 =	smov.u32 @p0 s2;
	s21 =	smov.u32 @p0 s17  }
0x352: {  	s5 =	smov.u32 @p0 s19;
	s2 =	sadd.s32 @p2 $0x10, s26;
	s17 =	smov.u32 s9  }
0x353: {  	vm0 =	veq.f32 @p3 v20, v15;
	s19 =	simm.f32 $+Inf;
	s17 =	smov.u32 @p2 s2;
	s2 =	spop @p6 (v2sf)  }
0x354: {  	v15 =	vpsel p4, v19, v12;
	v20 =	vmctz.xlane @p3 vm0;
	s19 =	smov.u32 @p1 s13;
	s22 =	smov.u32 @p1 s21;
	s13 =	smov.u32 s9  }
0x355: {  	s21 =	smov.u32 @p6 s23;
	s23 =	smov.u32 s9;
	p0 =	slt.f32 @p6 s2, s19  }
0x356: {  	s13 =	smov.u32 @p1 s5;
	s23 =	smov.u32 @p6 s21;
	s5 =	spop @p6 (v2sf)  }
0x357: {  	(v2sf) =	vpush @p4 v15, $0xF;
	v15, _, _ =	vpop @p2 (xrf0);
	s2 =	smov.u32 @p6 s2;
	v60 =	vor.u32 s17, v0;
	s5 =	sxor.u32 @p6 $0x80000000, s5;
	p0 =	por @!p6 p0, p0  }
0x358: {  	v19 =	vxor.u32 @p3 $0x80000000, v20;
	v20, _, _ =	vpop @p4 (xrf0);
	v15 =	vpsel p2, v15, v22;
	s21 =	smov.u32 @p6 s23;
	vm14 =	vlt.s32 v60, v8;
	s5 =	smov.u32 @p6 s5;
	p0 =	por !p0, !p6  }
0x359: {  	(v2sf) =	vpush @p4 v20, $0xF;
	v20 =	vbroadcast @p2 v15, $0xF;
	s17 =	smov.u32 @p6 s21;
	v9 =	vnsel vm14, $0x7F800000, v9;
	s21 =	smov.u32 s9;
	s2 =	smov.u32 @p0 s19  }
0x35a: {  	v10 =	vpsel p2, v10, v17;
	(xrf0) =	vmin.scan.msk.f32 $0xffff, v9;
	s5 =	smov.u32 @p0 s22;
	s17 =	smov.u32 @p0 s13;
	s13 =	smov.u32 s18  }
0x35b: {  	v19 =	vpsel p3, v19, v23;
	vm0 =	veq.f32 @p2 v10, v20;
	s19 =	simm.f32 $+Inf;
	s13 =	smov.u32 @p5 s3;
	s3 =	spop @p5 (v2sf)  }
0x35c: {  	(xrf0) =	vmax.scan.msk.u32 @p3 $0xffff, v19;
	v10 =	vmctz.xlane @p2 vm0;
	s19 =	smov.u32 @p6 s2;
	s21 =	smov.u32 @p6 s5;
	s2 =	smov.u32 s9  }
0x35d: {  	v61 =	vpsel p3, v13, v18;
	s5 =	smov.u32 @p5 s13;
	s2 =	smov.u32 @p6 s17;
	p0 =	slt.f32 @p5 s3, s19  }
0x35e: {  	v13 =	vpsel p3, v61, v14;
	s3 =	smov.u32 @p5 s3;
	s17 =	smov.u32 s12;
	v10 =	vxor.u32 @p2 $0x80000000, v10;
	s13 =	spop @p5 (v2sf)  }
0x35f: {  	s5 =	smov.u32 @p5 s5;
	(v2sf) =	vpush @p3 v13, $0xF;
	v10 =	vpsel p2, v10, v16;
	s13 =	sxor.u32 @p5 $0x80000000, s13;
	p0 =	por @!p5 p0, p0  }
0x360: {  	s5 =	smov.u32 @p5 s5;
	s13 =	smov.u32 @p5 s13;
	p0 =	por !p0, !p5;
	v62, _, _ =	vpop (xrf0)  }
0x361: {  	s3 =	smov.u32 @p0 s19;
	s5 =	smov.u32 @p0 s2;
	s2 =	smov.u32 @p4 s20;
	v63 =	vbroadcast v62, $0xF  }
0x362: {  	(xrf0) =	vmax.scan.msk.u32 @p2 $0xffff, v10;
	s13 =	smov.u32 @p0 s21;
	v14, _, _ =	vpop @p3 (xrf0);
	v10 =	vmov @p2 v15;
	s17 =	smov.u32 @p4 s2;
	s2 =	smov.u32 @p2 s6  }
0x363: {  	s6 =	smov.u32 s9;
	(v2sf) =	vpush @p3 v14, $0xF;
	v10 =	vpsel p2, v10, v12;
	s4 =	smov.u32 @p4 s17;
	s31 =	smov.u32 @p2 s2;
	vm15 =	veq.f32 v9, v63  }
0x364: {  	s2 =	smov.u32 @p3 s29;
	v9 =	vmov @p2 v10;
	s17 =	simm.f32 $+Inf;
	s6 =	smov.u32 @p4 s4;
	v10 =	vmctz.xlane vm15  }
0x365: {  	s4 =	smov.u32 @p2 s31;
	s18 =	smov.u32 @p3 s2;
	v9 =	vpsel p2, v9, v11;
	s17 =	smov.u32 @p5 s3  }
0x366: {  	s3 =	smov.u32 s9;
	s2 =	smov.u32 @p4 s6;
	s6 =	spop @p4 (v2sf);
	(v2sf) =	vpush @p2 v9, $0xF;
	v10 =	vxor.u32 $0x80000000, v10  }
0x367: {  	s12 =	smov.u32 @p2 s4;
	s4 =	smov.u32 @p3 s18;
	s18 =	smov.u32 s9;
	(xrf0) =	vmax.scan.msk.u32 $0xffff, v10  }
0x368: {  	s3 =	smov.u32 @p5 s5;
	s2 =	smov.u32 @p4 s2;
	s4 =	smov.u32 @p3 s4  }
0x369: {  	s18 =	smov.u32 @p5 s13;
	s13 =	smov.u32 s9;
	p0 =	slt.f32 @p4 s6, s17;
	v9, _, _ =	vpop @p2 (xrf0)  }
0x36a: {  	s6 =	smov.u32 @p4 s6;
	s13 =	smov.u32 @p2 s12;
	s5 =	spop @p4 (v2sf);
	(v2sf) =	vpush @p2 v9, $0xF  }
0x36b: {  	s2 =	smov.u32 @p4 s2;
	s5 =	sxor.u32 @p4 $0x80000000, s5;
	p0 =	por @!p4 p0, p0;
	(v2sf) =	vpush v62, $0xF  }
0x36c: {  	s4 =	smov.u32 @p3 s4;
	s5 =	smov.u32 @p4 s5;
	p0 =	por !p0, !p4  }
0x36d: {  	s6 =	smov.u32 @p0 s17;
	s5 =	smov.u32 @p0 s18;
	s2 =	smov.u32 @p0 s3;
	v9, _, _ =	vpop (xrf0)  }
0x36e: {  	s3 =	smov.u32 @p2 s13;
	s13 =	simm.f32 $+Inf;
	s12 =	spop @p3 (v2sf);
	(v2sf) =	vpush v9, $0xF  }
0x36f: {  	s17 =	smov.u32 s9;
	s3 =	smov.u32 @p2 s3;
	s13 =	smov.u32 @p4 s6  }
0x370: {  	s17 =	smov.u32 @p4 s5;
	s5 =	smov.u32 s9;
	p0 =	slt.f32 @p3 s12, s13  }
0x371: {  	s5 =	smov.u32 @p4 s2;
	s2 =	smov.u32 @p3 s4;
	s3 =	smov.u32 @p2 s3  }
0x372: {  	s2 =	smov.u32 @p3 s2;
	p0 =	por @!p3 p0, p0;
	s4 =	spop @p3 (v2sf)  }
0x373: {  	s6 =	smov.u32 @p3 s12;
	p0 =	por !p0, !p3;
	s4 =	sxor.u32 @p3 $0x80000000, s4  }
0x374: {  	s6 =	smov.u32 @p0 s13;
	s2 =	smov.u32 @p0 s5;
	s5 =	simm.f32 $+Inf  }
0x375: {  	s4 =	smov.u32 @p3 s4;
	s5 =	smov.u32 @p3 s6;
	s12 =	spop @p2 (v2sf)  }
0x376: {  	s6 =	smov.u32 s9;
	s4 =	smov.u32 @p0 s17;
	p0 =	slt.f32 @p2 s12, s5  }
0x377: {  	s6 =	smov.u32 @p3 s4;
	s4 =	smov.u32 s9;
	s12 =	smov.u32 @p2 s12  }
0x378: {  	s4 =	smov.u32 @p3 s2;
	s2 =	smov.u32 @p2 s3;
	p0 =	por @!p2 p0, p0  }
0x379: {  	s3 =	spop @p2 (v2sf);
	s2 =	smov.u32 @p2 s2;
	p0 =	por !p0, !p2  }
0x37a: {  	s3 =	sxor.u32 @p2 $0x80000000, s3;
	s29 =	spop (v2sf);
	s12 =	smov.u32 @p0 s5  }
0x37b: {  	s3 =	smov.u32 @p2 s3;
	s2 =	smov.u32 @p0 s4;
	s15 =	smov.u32 @p2 s12  }
0x37c: {  	s4 =	smov.u32 s9;
	s3 =	smov.u32 @p0 s6;
	p0 =	slt.f32 s29, s15  }
0x37d: {  	s6 =	smov.u32 s9;
	s4 =	smov.u32 @p2 s2;
	s31 =	spop (v2sf)  }
0x37e: {  	s6 =	smov.u32 @p2 s3;
	s4 =	smov.u32 @p0 s1;
	s2 =	sxor.u32 $0x80000000, s31  }
0x37f: {  	s1 =	sshll.u32 s4, $0x4;
	s6 =	smov.u32 @p0 s2  }
0x380: {  	s1 =	sadd.s32 s6, s1  }
.LBB2_53:
0x381: {  	v9 =	vmov s1;
	_ =	sdelay $0x4  }
0x382: {  	v11 =	vmov s10;
	s10 =	sadd.s32 $0x1, s10;
	v10 =	vld.idx.msk [tilespmem:v9+s11+$0x0], $0xffff  }
0x383: {  	p0 =	sne.s32 s10, $0x40  }
.Ltmp54:
0x384: {  	_ = 	snop;
	(pc) =	sbr.rel @!p0 .LBB2_54-.Ltmp54, $4  }
0x385: {  	_ = 	snop  }
0x386: {  	s31 =	simm.s32 $0xD300  }
0x387: {  	[tilespmem:v11+s31+$0x0] =	vst.idx.msk $0x1, v10  }
0x388: {  	[tilespmem:v9+s14+$0x0] =	vst.idx.msk $0x1, v5  }
.LBB2_33:
0x389: {  	s2 =	sld [smem:$0x7F8];
	_ =	sdelay $0x2  }
0x38a: {  	p0 =	seq.s32 s2, $0x1  }
.Ltmp55:
0x38b: {  	_ = 	snop;
	(pc) =	sbr.rel @p0 .LBB2_53-.Ltmp55, $2  }
0x38c: {  	_ =	sdelay $0x2  }
0x38d: {  	s1 =	simm.s32 $0x0  }
0x38e: {  	p0 =	sne.s32 s8, $0x1  }
.Ltmp56:
0x38f: {  	_ = 	snop;
	(pc) =	sbr.rel @!p0 .LBB2_35-.Ltmp56, $4  }
0x390: {  	_ = 	snop  }
0x391: {  	s15 =	simm.f32 $+Inf  }
0x392: {  	s1 =	simm.s32 $0x3180;
	s18 =	simm.s32 $0x1;
	p2 =	por $0x0, $0x0  }
0x393: {  	p3 =	por $0x0, $0x0;
	p4 =	por $0x0, $0x0;
	p5 =	por $0x0, $0x0;
	v9 =	vld [tilespmem:s1+$0x0]  }
0x394: {  	p0 =	sne.s32 s8, $0x2  }
.Ltmp57:
0x395: {  	_ = 	snop;
	(pc) =	sbr.rel @!p0 .LBB2_37-.Ltmp57, $4  }
0x396: {  	v10 =	vor.u32 s9, v0  }
0x397: {  	vm0 =	vlt.s32 v10, v8  }
0x398: {  	s1 =	simm.s32 $0x3190;
	v20 =	vnsel vm0, $0x7F800000, v9  }
0x399: {  	s12 =	simm.s32 $0x2;
	p2 =	por $0x1, $0x1;
	v9 =	vld [tilespmem:s1+$0x0];
	(xrf0) =	vmin.scan.msk.f32 $0xffff, v20  }
0x39a: {  	p0 =	sne.s32 s8, $0x3  }
.Ltmp58:
0x39b: {  	s26 =	simm.s32 $0x10;
	(pc) =	sbr.rel @!p0 .LBB2_39-.Ltmp58, $4  }
0x39c: {  	v10 =	vor.u32 s26, v0  }
0x39d: {  	vm0 =	vlt.s32 v10, v8  }
0x39e: {  	s1 =	simm.s32 $0x31A0;
	v10 =	vnsel vm0, $0x7F800000, v9  }
0x39f: {  	s29 =	simm.s32 $0x3;
	p3 =	por $0x1, $0x1;
	v9 =	vld [tilespmem:s1+$0x0];
	(xrf0) =	vmin.scan.msk.f32 $0xffff, v10;
	v11, _, _ =	vpop (xrf0)  }
0x3a0: {  	v12 =	vbroadcast v11, $0xF;
	p0 =	sne.s32 s8, $0x4  }
.Ltmp59:
0x3a1: {  	s26 =	simm.s32 $0x20;
	(pc) =	sbr.rel @!p0 .LBB2_41-.Ltmp59, $4  }
0x3a2: {  	v13 =	vor.u32 s26, v0;
	vm0 =	veq.f32 v20, v12  }
0x3a3: {  	vm1 =	vlt.s32 v13, v8;
	v12 =	vmctz.xlane vm0  }
0x3a4: {  	s1 =	simm.s32 $0x31B0;
	v16 =	vnsel vm1, $0x7F800000, v9  }
0x3a5: {  	s31 =	simm.s32 $0x4;
	p4 =	por $0x1, $0x1;
	v9 =	vld [tilespmem:s1+$0x0];
	(xrf0) =	vmin.scan.msk.f32 $0xffff, v16;
	v14, _, _ =	vpop (xrf0);
	v15 =	vxor.u32 $0x80000000, v12  }
0x3a6: {  	v12 =	vbroadcast v14, $0xF;
	p0 =	sne.s32 s8, $0x5  }
.Ltmp60:
0x3a7: {  	s26 =	simm.s32 $0x30;
	(pc) =	sbr.rel @!p0 .LBB2_43-.Ltmp60, $4  }
0x3a8: {  	vm0 =	veq.f32 v10, v12;
	v10 =	vor.u32 s26, v0  }
0x3a9: {  	vm1 =	vlt.s32 v10, v8;
	v13 =	vmctz.xlane vm0  }
0x3aa: {  	(xrf0) =	vmax.scan.msk.u32 $0xffff, v15;
	s1 =	simm.s32 $0x31C0;
	v10 =	vnsel vm1, $0x7F800000, v9  }
0x3ab: {  	s4 =	simm.s32 $0x5;
	p5 =	por $0x1, $0x1;
	v9 =	vld [tilespmem:s1+$0x0];
	(xrf0) =	vmin.scan.msk.f32 $0xffff, v10;
	v12, _, _ =	vpop (xrf0);
	v15 =	vxor.u32 $0x80000000, v13  }
0x3ac: {  	_ =	sdelay $0x2  }
0x3ad: {  	(v2sf) =	vpush v11, $0xF  }
0x3ae: {  	p0 =	por $0x0, $0x0;
	(xrf0) =	vmax.scan.msk.u32 $0xffff, v15;
	v15, _, _ =	vpop (xrf0)  }
0x3af: {  	v13 =	vbroadcast v12, $0xF;
	s1 =	simm.s32 @!p0 $0x0;
	(v2sf) =	vpush v15, $0xF  }
0x3b0: {  	s26 =	simm.s32 $0x40;
	s1 =	simm.s32 @p0 $0x1;
	p0 =	sne.s32 s8, $0x6  }
.Ltmp61:
0x3b1: {  	vm0 =	veq.f32 v16, v13;
	v13 =	vor.u32 s26, v0;
	(pc) =	sbr.rel @!p0 .LBB2_45-.Ltmp61, $4  }
0x3b2: {  	s2 =	simm.s32 $0x31D0;
	p1 =	por $0x1, $0x1;
	vm1 =	vlt.s32 v13, v8  }
0x3b3: {  	v13 =	vmctz.xlane vm0;
	v17 =	vnsel vm1, $0x7F800000, v9;
	v9 =	vld [tilespmem:s2+$0x0];
	s2 =	simm.s32 @!p1 $0x0  }
0x3b4: {  	[smem:$0x7F6] =	sst s1;
	s2 =	simm.s32 @p1 $0x1  }
0x3b5: {  	s1 =	simm.s32 $0x6;
	(xrf0) =	vmin.scan.msk.f32 $0xffff, v17;
	v18, _, _ =	vpop (xrf0);
	v16 =	vxor.u32 $0x80000000, v13;
	[smem:$0x7F5] =	sst s2  }
0x3b6: {  	s26 =	simm.s32 $0x50  }
0x3b7: {  	v15 =	vor.u32 s26, v0;
	_ =	sdelay $0x2  }
0x3b8: {  	(v2sf) =	vpush v14, $0xF;
	vm1 =	vlt.s32 v15, v8;
	v15, _, _ =	vpop (xrf0)  }
0x3b9: {  	(v2sf) =	vpush v15, $0xF;
	_ =	sdelay $0x2  }
0x3ba: {  	v13 =	vbroadcast v18, $0xF;
	p0 =	sne.s32 s8, $0x7  }
.Ltmp62:
0x3bb: {  	_ = 	snop;
	(pc) =	sbr.rel @!p0 .LBB2_47-.Ltmp62, $4  }
0x3bc: {  	s2 =	simm.s32 $0x31E0;
	p1 =	por $0x1, $0x1;
	vm0 =	veq.f32 v10, v13  }
0x3bd: {  	v13 =	vmctz.xlane vm0;
	v10 =	vnsel vm1, $0x7F800000, v9;
	v9 =	vld [tilespmem:s2+$0x0];
	s2 =	simm.s32 @!p1 $0x0  }
0x3be: {  	(xrf0) =	vmax.scan.msk.u32 $0xffff, v16;
	s2 =	simm.s32 @p1 $0x1  }
0x3bf: {  	s17 =	simm.s32 $0x7;
	(xrf0) =	vmin.scan.msk.f32 $0xffff, v10;
	v22, _, _ =	vpop (xrf0);
	v23 =	vxor.u32 $0x80000000, v13;
	[smem:$0x7F7] =	sst s2  }
0x3c0: {  	v13 =	vbroadcast v22, $0xF;
	_ =	sdelay $0x3  }
0x3c1: {  	(v2sf) =	vpush v12, $0xF;
	vm0 =	veq.f32 v17, v13;
	v13, _, _ =	vpop (xrf0)  }
0x3c2: {  	(v2sf) =	vpush v13, $0xF  }
0x3c3: {  	s6 =	simm.s32 $0x8;
	s24 =	spop (v2sf);
	s26 =	simm.s32 $0x60  }
0x3c4: {  	p0 =	sne.s32 s8, $0x8;
	s25 =	simm.s32 $0x31F0;
	p6 =	por $0x1, $0x1  }
.Ltmp63:
0x3c5: {  	s19 =	simm.f32 $+Inf;
	s22 =	simm.s32 $0x0;
	(pc) =	sbr.rel @!p0 .LBB2_49-.Ltmp63, $4  }
0x3c6: {  	(xrf0) =	vmax.scan.msk.u32 $0xffff, v23;
	s13 =	simm.s32 $0x0;
	s5 =	simm.s32 $0x1;
	s2 =	spop (v2sf);
	v15 =	vor.u32 s26, v0  }
0x3c7: {  	s23 =	simm.s32 $0x2;
	s21 =	sxor.u32 $0x80000000, s2;
	vm1 =	vlt.s32 v15, v8;
	s2 =	simm.s32 @!p6 $0x0;
	v15 =	vmctz.xlane vm0  }
0x3c8: {  	s3 =	simm.s32 $0x3;
	s20 =	simm.s32 $0x4;
	s2 =	simm.s32 @p6 $0x1;
	v24 =	vnsel vm1, $0x7F800000, v9  }
0x3c9: {  	v21 =	vmov v18;
	v19 =	vmov v22;
	p1 =	slt.f32 s24, s15;
	v9 =	vld [tilespmem:s25+$0x0];
	[smem:$0x7F6] =	sst s2;
	s2 =	simm.s32 $0x0;
	(xrf0) =	vmin.scan.msk.f32 $0xffff, v24;
	v13, _, _ =	vpop (xrf0);
	v15 =	vxor.u32 $0x80000000, v15  }
.LBB2_50:
0x3ca: {  	s28 =	smov.u32 s1  }
0x3cb: {  	v20 =	vbroadcast v13, $0xF;
	s1 =	smov.u32 s17;
	s17 =	smov.u32 s6;
	s6 =	sadd.s32 $0x1, s6  }
0x3cc: {  	(xrf0) =	vmax.scan.msk.u32 $0xffff, v15;
	(v2sf) =	vpush v21, $0xF;
	v15, _, _ =	vpop (xrf0);
	s19 =	smov.u32 @p1 s24;
	s2 =	smov.u32 @p1 s21;
	v21 =	vmov v19;
	v19 =	vmov v13;
	p0 =	sne.s32 s8, s6  }
.Ltmp64:
0x3cd: {  	s26 =	sadd.s32 $0x10, s26;
	s13 =	smov.u32 @p1 s22;
	(v2sf) =	vpush v15, $0xF;
	(pc) =	sbr.rel @p0 .LBB2_50-.Ltmp64, $4  }
0x3ce: {  	s22 =	smov.u32 s5;
	s5 =	smov.u32 s23;
	v13 =	vor.u32 s26, v0;
	vm0 =	veq.f32 v10, v20;
	v10 =	vmov v24  }
0x3cf: {  	s23 =	smov.u32 s3;
	s3 =	smov.u32 s20;
	vm1 =	vlt.s32 v13, v8;
	v15 =	vmctz.xlane vm0;
	s24 =	spop (v2sf)  }
0x3d0: {  	s25 =	sadd.s32 $0x10, s25;
	v24 =	vnsel vm1, $0x7F800000, v9;
	p1 =	slt.f32 s24, s19;
	s20 =	spop (v2sf)  }
0x3d1: {  	v9 =	vld [tilespmem:s25+$0x0];
	(xrf0) =	vmin.scan.msk.f32 $0xffff, v24;
	v13, _, _ =	vpop (xrf0);
	v15 =	vxor.u32 $0x80000000, v15;
	s21 =	sxor.u32 $0x80000000, s20;
	s20 =	smov.u32 s4;
	s4 =	smov.u32 s28  }
.Ltmp65:
0x3d2: {  	(pc) =	sbr.rel .LBB2_52-.Ltmp65, $2  }
0x3d3: {  	_ =	sdelay $0x2  }
0x3d4: {  	s6 =	smov.u32 s1;
	v20 =	vmov v10;
	s1 =	smov.u32 s17;
	v10 =	vmov v24  }
.LBB2_37:
0x3d5: {  	p0 =	por $0x0, $0x0  }
0x3d6: {  	s1 =	simm.s32 @!p0 $0x0  }
0x3d7: {  	s1 =	simm.s32 @p0 $0x1;
	p0 =	por $0x0, $0x0  }
.Ltmp66:
0x3d8: {  	[smem:$0x7F5] =	sst s1;
	s1 =	simm.s32 @!p0 $0x0;
	(pc) =	sbr.rel .LBB2_52-.Ltmp66, $4  }
0x3d9: {  	s19 =	simm.f32 $+Inf;
	s1 =	simm.s32 @p0 $0x1;
	p0 =	por $0x0, $0x0  }
0x3da: {  	s2 =	smov.u32 s9;
	[smem:$0x7F6] =	sst s1;
	s1 =	simm.s32 @!p0 $0x0  }
0x3db: {  	s6 =	smov.u32 s9;
	s26 =	smov.u32 s9;
	s1 =	simm.s32 @p0 $0x1  }
0x3dc: {  	s13 =	smov.u32 s9;
	v10 =	vmov v20;
	[smem:$0x7F7] =	sst s1;
	s1 =	simm.s32 $0x1  }
.LBB2_39:
0x3dd: {  	p0 =	por $0x0, $0x0  }
0x3de: {  	s1 =	simm.s32 @!p0 $0x0  }
0x3df: {  	s1 =	simm.s32 @p0 $0x1;
	p0 =	por $0x0, $0x0  }
.Ltmp67:
0x3e0: {  	[smem:$0x7F5] =	sst s1;
	s1 =	simm.s32 @!p0 $0x0;
	(pc) =	sbr.rel .LBB2_52-.Ltmp67, $4  }
0x3e1: {  	s19 =	simm.f32 $+Inf;
	s1 =	simm.s32 @p0 $0x1;
	p0 =	por $0x0, $0x0  }
0x3e2: {  	s2 =	simm.s32 $0x0;
	[smem:$0x7F6] =	sst s1;
	s1 =	simm.s32 @!p0 $0x0  }
0x3e3: {  	s6 =	simm.s32 $0x1;
	s13 =	simm.s32 $0x0;
	s1 =	simm.s32 @p0 $0x1  }
0x3e4: {  	v13 =	vmov v11;
	s4 =	simm.s32 $0x0;
	[smem:$0x7F7] =	sst s1;
	s1 =	simm.s32 $0x2  }
.LBB2_41:
0x3e5: {  	p0 =	por $0x0, $0x0  }
0x3e6: {  	s1 =	simm.s32 @!p0 $0x0  }
0x3e7: {  	s19 =	simm.f32 $+Inf;
	s1 =	simm.s32 @p0 $0x1;
	p0 =	por $0x0, $0x0  }
.Ltmp68:
0x3e8: {  	[smem:$0x7F5] =	sst s1;
	s1 =	simm.s32 @!p0 $0x0;
	(pc) =	sbr.rel .LBB2_52-.Ltmp68, $4  }
0x3e9: {  	s2 =	simm.s32 $0x0;
	s1 =	simm.s32 @p0 $0x1;
	p0 =	por $0x0, $0x0  }
0x3ea: {  	s6 =	simm.s32 $0x2;
	[smem:$0x7F6] =	sst s1;
	s1 =	simm.s32 @!p0 $0x0  }
0x3eb: {  	s13 =	simm.s32 $0x0;
	s20 =	simm.s32 $0x0;
	s1 =	simm.s32 @p0 $0x1  }
0x3ec: {  	v13 =	vmovc v14;
	v19 =	vmov v11;
	v20 =	vmov v10;
	v10 =	vmov v16;
	s4 =	simm.s32 $0x1;
	[smem:$0x7F7] =	sst s1;
	s1 =	simm.s32 $0x3  }
.LBB2_43:
0x3ed: {  	p0 =	por $0x0, $0x0  }
0x3ee: {  	s19 =	simm.f32 $+Inf;
	s1 =	simm.s32 @!p0 $0x0  }
0x3ef: {  	s2 =	simm.s32 $0x0;
	s1 =	simm.s32 @p0 $0x1;
	p0 =	por $0x0, $0x0  }
.Ltmp69:
0x3f0: {  	[smem:$0x7F5] =	sst s1;
	s1 =	simm.s32 @!p0 $0x0;
	(pc) =	sbr.rel .LBB2_52-.Ltmp69, $4  }
0x3f1: {  	s6 =	simm.s32 $0x3;
	s1 =	simm.s32 @p0 $0x1;
	p0 =	por $0x0, $0x0  }
0x3f2: {  	s13 =	simm.s32 $0x0;
	[smem:$0x7F6] =	sst s1;
	s1 =	simm.s32 @!p0 $0x0  }
0x3f3: {  	s3 =	simm.s32 $0x0;
	s20 =	simm.s32 $0x1;
	s1 =	simm.s32 @p0 $0x1  }
0x3f4: {  	v13 =	vmovc v12;
	v19 =	vmov v14;
	v21 =	vmov v11;
	v20 =	vmov v16;
	s4 =	simm.s32 $0x2;
	[smem:$0x7F7] =	sst s1;
	s1 =	simm.s32 $0x4  }
.LBB2_45:
.Ltmp70:
0x3f5: {  	p0 =	por $0x0, $0x0;
	(pc) =	sbr.rel .LBB2_52-.Ltmp70, $4  }
0x3f6: {  	s19 =	simm.f32 $+Inf;
	s6 =	simm.s32 $0x4;
	s2 =	smov.u32 s9  }
0x3f7: {  	s13 =	smov.u32 s9;
	s23 =	smov.u32 s9;
	s1 =	simm.s32 @!p0 $0x0  }
0x3f8: {  	v20 =	vmov v10;
	s3 =	simm.s32 $0x1;
	s20 =	simm.s32 $0x2;
	s1 =	simm.s32 @p0 $0x1  }
0x3f9: {  	v13 =	vmovc v18;
	v10 =	vmovc v17;
	v15 =	vmov v16;
	v21 =	vmov v14;
	v19 =	vmov v12;
	s4 =	simm.s32 $0x3;
	[smem:$0x7F7] =	sst s1;
	s1 =	simm.s32 $0x5  }
.LBB2_47:
.Ltmp71:
0x3fa: {  	(pc) =	sbr.rel .LBB2_52-.Ltmp71, $4  }
0x3fb: {  	_ = 	snop  }
0x3fc: {  	s19 =	simm.f32 $+Inf;
	s6 =	simm.s32 $0x5;
	s23 =	simm.s32 $0x1  }
0x3fd: {  	s2 =	smov.u32 s9;
	s13 =	smov.u32 s9;
	s5 =	smov.u32 s9  }
0x3fe: {  	v13 =	vmovc v22;
	v15 =	vmovc v23;
	v21 =	vmov v12;
	v19 =	vmov v18;
	v20 =	vmov v17;
	s3 =	simm.s32 $0x2;
	s20 =	simm.s32 $0x3;
	s4 =	simm.s32 $0x4  }
.LBB2_49:
.Ltmp72:
0x3ff: {  	(pc) =	sbr.rel .LBB2_52-.Ltmp72, $4  }
0x400: {  	s19 =	simm.f32 $+Inf  }
0x401: {  	s6 =	simm.s32 $0x6;
	s1 =	simm.s32 $0x7;
	s5 =	simm.s32 $0x1  }
0x402: {  	s2 =	smov.u32 s9;
	s22 =	smov.u32 s9;
	s13 =	smov.u32 s9  }
0x403: {  	v20 =	vmovc v10;
	v21 =	vmov v18;
	v19 =	vmov v22;
	v10 =	vmov v24;
	s23 =	simm.s32 $0x2;
	s3 =	simm.s32 $0x3;
	s20 =	simm.s32 $0x4  }
.LBB2_61:
0x404: {  	p0 =	por $0x0, $0x0  }
0x405: {  	s1 =	simm.s32 @!p0 $0x0  }
0x406: {  	s1 =	simm.s32 @p0 $0x1;
	p0 =	por $0x0, $0x0  }
0x407: {  	[smem:$0x7F1] =	sst s1;
	s1 =	simm.s32 @!p0 $0x0  }
0x408: {  	s1 =	simm.s32 @p0 $0x1;
	p0 =	por $0x0, $0x0  }
0x409: {  	s2 =	simm.f32 $+Inf;
	[smem:$0x7F2] =	sst s1;
	s1 =	simm.s32 @!p0 $0x0  }
0x40a: {  	s29 =	smov.u32 s13;
	s10 =	smov.u32 s13;
	s1 =	simm.s32 @p0 $0x1  }
0x40b: {  	s18 =	smov.u32 s13;
	s23 =	smov.u32 s13;
	[smem:$0x7F3] =	sst s1  }
.LBB2_78:
0x40c: {  	s6 =	sld [smem:$0x7F2];
	_ =	sdelay $0x2  }
0x40d: {  	p6 =	seq.s32 s6, $0x1  }
0x40e: {  	p0 =	por !p1, !p6  }
0x40f: {  	s19 =	smov.u32 @p0 s23;
	s23 =	sld [smem:$0x7F3];
	_ =	sdelay $0x1  }
0x410: {  	s25 =	sld [smem:$0x7F1];
	s20 =	smov.u32 @p0 s2  }
0x411: {  	s22 =	smov.u32 @p0 s29;
	s2 =	simm.f32 $+Inf;
	p1 =	seq.s32 s23, $0x1  }
0x412: {  	s2 =	smov.u32 @p6 s20;
	s20 =	smov.u32 s13;
	s6 =	spop @p1 (v2sf)  }
0x413: {  	(v2sf) =	vpush @p5 v21, $0xF;
	s20 =	smov.u32 @p6 s22;
	s22 =	smov.u32 s13;
	p0 =	slt.f32 @p1 s6, s2  }
0x414: {  	s31 =	smov.u32 @p3 s1;
	s22 =	smov.u32 @p6 s19;
	p6 =	seq.s32 s25, $0x1  }
0x415: {  	v21, _, _ =	vpop @p5 (xrf0);
	s23 =	smov.u32 s13;
	s19 =	spop @p1 (v2sf);
	p0 =	por @!p1 p0, p0  }
0x416: {  	(v2sf) =	vpush @p5 v21, $0xF;
	s6 =	smov.u32 @p1 s6;
	s19 =	sxor.u32 @p1 $0x80000000, s19;
	p0 =	por !p0, !p1  }
0x417: {  	s3 =	smov.u32 @p1 s3;
	s19 =	smov.u32 @p1 s19;
	s6 =	smov.u32 @p0 s2  }
0x418: {  	(xrf0) =	vmax.scan.msk.u32 @p4 $0xffff, v15;
	v15 =	vbroadcast @p3 v13, $0xF;
	s19 =	smov.u32 @p0 s20;
	s3 =	smov.u32 @p0 s22;
	s2 =	sadd.s32 @p2 $0x10, s18  }
0x419: {  	s18 =	smov.u32 s13;
	s20 =	simm.f32 $+Inf;
	s22 =	smov.u32 s13  }
0x41a: {  	vm0 =	veq.f32 @p3 v20, v15;
	s18 =	smov.u32 @p2 s2;
	s2 =	spop @p6 (v2sf);
	s20 =	smov.u32 @p1 s6  }
0x41b: {  	v15 =	vpsel p4, v19, v12;
	v20 =	vmctz.xlane @p3 vm0;
	s22 =	smov.u32 @p1 s19;
	s6 =	smov.u32 s13;
	s19 =	smov.u32 @p6 s24  }
0x41c: {  	s6 =	smov.u32 @p1 s3;
	p0 =	slt.f32 @p6 s2, s20;
	s3 =	spop @p6 (v2sf)  }
0x41d: {  	s23 =	smov.u32 @p6 s19;
	s2 =	smov.u32 @p6 s2;
	s3 =	sxor.u32 @p6 $0x80000000, s3  }
0x41e: {  	(v2sf) =	vpush @p4 v15, $0xF;
	v15, _, _ =	vpop @p2 (xrf0);
	v60 =	vor.u32 s18, v0;
	s19 =	smov.u32 @p6 s23;
	p0 =	por @!p6 p0, p0;
	s3 =	smov.u32 @p6 s3  }
0x41f: {  	v19 =	vxor.u32 @p3 $0x80000000, v20;
	v20, _, _ =	vpop @p4 (xrf0);
	v15 =	vpsel p2, v15, v22;
	vm14 =	vlt.s32 v60, v8;
	s18 =	smov.u32 @p6 s19;
	s19 =	simm.f32 $+Inf;
	p0 =	por !p0, !p6  }
0x420: {  	(v2sf) =	vpush @p4 v20, $0xF;
	v20 =	vbroadcast @p2 v15, $0xF;
	v9 =	vnsel vm14, $0x7F800000, v9;
	s2 =	smov.u32 @p0 s20;
	s3 =	smov.u32 @p0 s22;
	s18 =	smov.u32 @p0 s6  }
0x421: {  	v10 =	vpsel p2, v10, v17;
	(xrf0) =	vmin.scan.msk.f32 $0xffff, v9;
	s6 =	smov.u32 @p5 s8;
	s8 =	smov.u32 s12;
	s20 =	smov.u32 s13  }
0x422: {  	v19 =	vpsel p3, v19, v23;
	vm0 =	veq.f32 @p2 v10, v20;
	s8 =	smov.u32 @p5 s6;
	s6 =	spop @p5 (v2sf);
	s19 =	smov.u32 @p6 s2  }
0x423: {  	(xrf0) =	vmax.scan.msk.u32 @p3 $0xffff, v19;
	v10 =	vmctz.xlane @p2 vm0;
	s20 =	smov.u32 @p6 s3;
	s2 =	smov.u32 s13;
	p0 =	slt.f32 @p5 s6, s19  }
0x424: {  	v61 =	vpsel p3, v13, v18;
	s3 =	smov.u32 @p5 s8;
	s2 =	smov.u32 @p6 s18;
	s6 =	smov.u32 @p5 s6  }
0x425: {  	v13 =	vpsel p3, v61, v14;
	s18 =	smov.u32 s26;
	v10 =	vxor.u32 @p2 $0x80000000, v10;
	s8 =	spop @p5 (v2sf);
	p0 =	por @!p5 p0, p0  }
0x426: {  	s3 =	smov.u32 @p5 s3;
	v10 =	vpsel p2, v10, v16;
	(v2sf) =	vpush @p3 v13, $0xF;
	s8 =	sxor.u32 @p5 $0x80000000, s8;
	p0 =	por !p0, !p5  }
0x427: {  	s3 =	smov.u32 @p5 s3;
	v62, _, _ =	vpop (xrf0);
	s8 =	smov.u32 @p5 s8;
	s6 =	smov.u32 @p0 s19  }
0x428: {  	s3 =	smov.u32 @p0 s2;
	s2 =	smov.u32 @p4 s21;
	v63 =	vbroadcast v62, $0xF;
	s8 =	smov.u32 @p0 s20  }
0x429: {  	(xrf0) =	vmax.scan.msk.u32 @p2 $0xffff, v10;
	v14, _, _ =	vpop @p3 (xrf0);
	v10 =	vmov @p2 v15;
	s18 =	smov.u32 @p4 s2;
	s2 =	smov.u32 @p2 s5;
	s5 =	smov.u32 s13  }
0x42a: {  	(v2sf) =	vpush @p3 v14, $0xF;
	v10 =	vpsel p2, v10, v12;
	s1 =	smov.u32 @p4 s18;
	s4 =	smov.u32 @p2 s2;
	s2 =	smov.u32 @p3 s31;
	vm15 =	veq.f32 v9, v63  }
0x42b: {  	v9 =	vmov @p2 v10;
	s18 =	smov.u32 s13;
	s5 =	smov.u32 @p4 s1;
	s1 =	smov.u32 @p2 s4;
	v10 =	vmctz.xlane vm15  }
0x42c: {  	s12 =	smov.u32 @p3 s2;
	v9 =	vpsel p2, v9, v11;
	s2 =	smov.u32 @p4 s5;
	s26 =	smov.u32 @p2 s1  }
0x42d: {  	s1 =	smov.u32 @p3 s12;
	s4 =	spop @p4 (v2sf);
	s5 =	simm.f32 $+Inf;
	(v2sf) =	vpush @p2 v9, $0xF;
	v10 =	vxor.u32 $0x80000000, v10  }
0x42e: {  	s12 =	smov.u32 s13;
	s2 =	smov.u32 @p4 s2;
	s1 =	smov.u32 @p3 s1;
	(xrf0) =	vmax.scan.msk.u32 $0xffff, v10  }
0x42f: {  	s5 =	smov.u32 @p5 s6;
	s12 =	smov.u32 @p5 s8;
	s6 =	smov.u32 s13  }
0x430: {  	s8 =	smov.u32 @p2 s26;
	v9, _, _ =	vpop @p2 (xrf0);
	s6 =	smov.u32 @p5 s3;
	p0 =	slt.f32 @p4 s4, s5  }
0x431: {  	s18 =	smov.u32 @p2 s8;
	s3 =	spop @p4 (v2sf);
	s4 =	smov.u32 @p4 s4;
	(v2sf) =	vpush @p2 v9, $0xF  }
0x432: {  	s2 =	smov.u32 @p4 s2;
	s3 =	sxor.u32 @p4 $0x80000000, s3;
	p0 =	por @!p4 p0, p0;
	(v2sf) =	vpush v62, $0xF  }
0x433: {  	s1 =	smov.u32 @p3 s1;
	s3 =	smov.u32 @p4 s3;
	p0 =	por !p0, !p4  }
0x434: {  	s8 =	simm.f32 $+Inf;
	s4 =	smov.u32 @p0 s5;
	s3 =	smov.u32 @p0 s12;
	v9, _, _ =	vpop (xrf0)  }
0x435: {  	s2 =	smov.u32 @p0 s6;
	s5 =	smov.u32 @p2 s18;
	s6 =	spop @p3 (v2sf);
	(v2sf) =	vpush v9, $0xF  }
0x436: {  	s12 =	smov.u32 s13;
	s5 =	smov.u32 @p2 s5;
	s8 =	smov.u32 @p4 s4  }
0x437: {  	s12 =	smov.u32 @p4 s3;
	s3 =	smov.u32 s13;
	p0 =	slt.f32 @p3 s6, s8  }
0x438: {  	s1 =	smov.u32 @p3 s1;
	s3 =	smov.u32 @p4 s2;
	s2 =	smov.u32 @p2 s5  }
0x439: {  	s2 =	smov.u32 @p2 s2;
	s4 =	spop @p3 (v2sf);
	p0 =	por @!p3 p0, p0  }
0x43a: {  	s5 =	smov.u32 @p3 s6;
	s4 =	sxor.u32 @p3 $0x80000000, s4;
	p0 =	por !p0, !p3  }
0x43b: {  	s5 =	smov.u32 @p0 s8;
	s1 =	smov.u32 @p0 s3;
	s3 =	simm.f32 $+Inf  }
0x43c: {  	s4 =	smov.u32 @p3 s4;
	s6 =	spop @p2 (v2sf);
	s3 =	smov.u32 @p3 s5  }
0x43d: {  	s4 =	smov.u32 @p0 s12;
	s5 =	smov.u32 s13;
	p0 =	slt.f32 @p2 s6, s3  }
0x43e: {  	s5 =	smov.u32 @p3 s4;
	s4 =	smov.u32 s13;
	s6 =	smov.u32 @p2 s6  }
0x43f: {  	s4 =	smov.u32 @p3 s1;
	s1 =	smov.u32 @p2 s2;
	p0 =	por @!p2 p0, p0  }
0x440: {  	s2 =	spop @p2 (v2sf);
	s1 =	smov.u32 @p2 s1;
	p0 =	por !p0, !p2  }
0x441: {  	s2 =	sxor.u32 @p2 $0x80000000, s2;
	s28 =	spop (v2sf);
	s6 =	smov.u32 @p0 s3  }
0x442: {  	s2 =	smov.u32 @p2 s2;
	s1 =	smov.u32 @p0 s4;
	s17 =	smov.u32 @p2 s6  }
0x443: {  	s3 =	smov.u32 s13;
	s2 =	smov.u32 @p0 s5;
	p0 =	slt.f32 s28, s17  }
0x444: {  	s5 =	smov.u32 s13;
	s3 =	smov.u32 @p2 s1;
	s29 =	spop (v2sf)  }
0x445: {  	s5 =	smov.u32 @p2 s2;
	s3 =	smov.u32 @p0 s10;
	s1 =	sxor.u32 $0x80000000, s29  }
0x446: {  	s31 =	sshll.u32 s3, $0x4;
	s5 =	smov.u32 @p0 s1  }
0x447: {  	s1 =	sadd.s32 s5, s31  }
.LBB2_79:
0x448: {  	v9 =	vmov s1;
	_ =	sdelay $0x4  }
0x449: {  	v11 =	vmov s15;
	s15 =	sadd.s32 $0x1, s15;
	v10 =	vld.idx.msk [tilespmem:v9+s11+$0x0], $0xffff  }
0x44a: {  	p0 =	sne.s32 s15, $0x40  }
.Ltmp73:
0x44b: {  	_ = 	snop;
	(pc) =	sbr.rel @!p0 .LBB2_80-.Ltmp73, $3  }
0x44c: {  	_ =	sdelay $0x1  }
0x44d: {  	[tilespmem:v11+s30+$0x0] =	vst.idx.msk $0x1, v10  }
0x44e: {  	[tilespmem:v9+s14+$0x0] =	vst.idx.msk $0x1, v5  }
.LBB2_59:
0x44f: {  	s2 =	sld [smem:$0x7F4];
	_ =	sdelay $0x2  }
0x450: {  	p0 =	seq.s32 s2, $0x1  }
.Ltmp74:
0x451: {  	_ = 	snop;
	(pc) =	sbr.rel @p0 .LBB2_79-.Ltmp74, $2  }
0x452: {  	_ =	sdelay $0x2  }
0x453: {  	s1 =	simm.s32 $0x0  }
0x454: {  	p0 =	sne.s32 s9, $0x1  }
.Ltmp75:
0x455: {  	_ = 	snop;
	(pc) =	sbr.rel @!p0 .LBB2_61-.Ltmp75, $4  }
0x456: {  	_ = 	snop  }
0x457: {  	s17 =	simm.f32 $+Inf  }
0x458: {  	s1 =	simm.s32 $0x3180;
	s12 =	simm.s32 $0x1;
	p2 =	por $0x0, $0x0  }
0x459: {  	p3 =	por $0x0, $0x0;
	p4 =	por $0x0, $0x0;
	p5 =	por $0x0, $0x0;
	v9 =	vld [tilespmem:s1+$0x0]  }
0x45a: {  	p0 =	sne.s32 s9, $0x2  }
.Ltmp76:
0x45b: {  	_ = 	snop;
	(pc) =	sbr.rel @!p0 .LBB2_63-.Ltmp76, $4  }
0x45c: {  	v10 =	vor.u32 s13, v0  }
0x45d: {  	vm0 =	vlt.s32 v10, v8  }
0x45e: {  	s1 =	simm.s32 $0x3190;
	v20 =	vnsel vm0, $0x7F800000, v9  }
0x45f: {  	s26 =	simm.s32 $0x2;
	p2 =	por $0x1, $0x1;
	v9 =	vld [tilespmem:s1+$0x0];
	(xrf0) =	vmin.scan.msk.f32 $0xffff, v20  }
0x460: {  	p0 =	sne.s32 s9, $0x3  }
.Ltmp77:
0x461: {  	s18 =	simm.s32 $0x10;
	(pc) =	sbr.rel @!p0 .LBB2_65-.Ltmp77, $4  }
0x462: {  	v10 =	vor.u32 s18, v0  }
0x463: {  	vm0 =	vlt.s32 v10, v8  }
0x464: {  	s1 =	simm.s32 $0x31A0;
	v10 =	vnsel vm0, $0x7F800000, v9  }
0x465: {  	s31 =	simm.s32 $0x3;
	p3 =	por $0x1, $0x1;
	v9 =	vld [tilespmem:s1+$0x0];
	(xrf0) =	vmin.scan.msk.f32 $0xffff, v10;
	v11, _, _ =	vpop (xrf0)  }
0x466: {  	v12 =	vbroadcast v11, $0xF;
	p0 =	sne.s32 s9, $0x4  }
.Ltmp78:
0x467: {  	s18 =	simm.s32 $0x20;
	(pc) =	sbr.rel @!p0 .LBB2_67-.Ltmp78, $4  }
0x468: {  	v13 =	vor.u32 s18, v0;
	vm0 =	veq.f32 v20, v12  }
0x469: {  	vm1 =	vlt.s32 v13, v8;
	v12 =	vmctz.xlane vm0  }
0x46a: {  	s1 =	simm.s32 $0x31B0;
	v16 =	vnsel vm1, $0x7F800000, v9  }
0x46b: {  	s4 =	simm.s32 $0x4;
	p4 =	por $0x1, $0x1;
	v9 =	vld [tilespmem:s1+$0x0];
	(xrf0) =	vmin.scan.msk.f32 $0xffff, v16;
	v14, _, _ =	vpop (xrf0);
	v15 =	vxor.u32 $0x80000000, v12  }
0x46c: {  	v12 =	vbroadcast v14, $0xF;
	p0 =	sne.s32 s9, $0x5  }
.Ltmp79:
0x46d: {  	s18 =	simm.s32 $0x30;
	(pc) =	sbr.rel @!p0 .LBB2_69-.Ltmp79, $4  }
0x46e: {  	vm0 =	veq.f32 v10, v12;
	v10 =	vor.u32 s18, v0  }
0x46f: {  	vm1 =	vlt.s32 v10, v8;
	v13 =	vmctz.xlane vm0  }
0x470: {  	(xrf0) =	vmax.scan.msk.u32 $0xffff, v15;
	s2 =	simm.s32 $0x31C0;
	v10 =	vnsel vm1, $0x7F800000, v9  }
0x471: {  	s1 =	simm.s32 $0x5;
	p5 =	por $0x1, $0x1;
	v9 =	vld [tilespmem:s2+$0x0];
	(xrf0) =	vmin.scan.msk.f32 $0xffff, v10;
	v12, _, _ =	vpop (xrf0);
	v15 =	vxor.u32 $0x80000000, v13  }
0x472: {  	p0 =	por $0x0, $0x0  }
0x473: {  	s2 =	simm.s32 @!p0 $0x0  }
0x474: {  	v13 =	vbroadcast v12, $0xF;
	(v2sf) =	vpush v11, $0xF;
	s2 =	simm.s32 @p0 $0x1;
	p0 =	sne.s32 s9, $0x6  }
.Ltmp80:
0x475: {  	s18 =	simm.s32 $0x40;
	(pc) =	sbr.rel @!p0 .LBB2_71-.Ltmp80, $4  }
0x476: {  	(xrf0) =	vmax.scan.msk.u32 $0xffff, v15;
	p1 =	por $0x1, $0x1;
	vm0 =	veq.f32 v16, v13;
	v13 =	vor.u32 s18, v0;
	v15, _, _ =	vpop (xrf0)  }
0x477: {  	[smem:$0x7F2] =	sst s2;
	vm1 =	vlt.s32 v13, v8;
	v13 =	vmctz.xlane vm0;
	s2 =	simm.s32 @!p1 $0x0;
	(v2sf) =	vpush v15, $0xF  }
0x478: {  	s29 =	simm.s32 $0x31D0;
	v17 =	vnsel vm1, $0x7F800000, v9;
	s2 =	simm.s32 @p1 $0x1  }
0x479: {  	s10 =	simm.s32 $0x6;
	v9 =	vld [tilespmem:s29+$0x0];
	(xrf0) =	vmin.scan.msk.f32 $0xffff, v17;
	v18, _, _ =	vpop (xrf0);
	v16 =	vxor.u32 $0x80000000, v13;
	[smem:$0x7F1] =	sst s2  }
0x47a: {  	s18 =	simm.s32 $0x50  }
0x47b: {  	v15 =	vor.u32 s18, v0;
	_ =	sdelay $0x2  }
0x47c: {  	(v2sf) =	vpush v14, $0xF;
	vm1 =	vlt.s32 v15, v8;
	v15, _, _ =	vpop (xrf0)  }
0x47d: {  	(v2sf) =	vpush v15, $0xF;
	_ =	sdelay $0x2  }
0x47e: {  	v13 =	vbroadcast v18, $0xF;
	p0 =	sne.s32 s9, $0x7  }
.Ltmp81:
0x47f: {  	_ = 	snop;
	(pc) =	sbr.rel @!p0 .LBB2_73-.Ltmp81, $4  }
0x480: {  	s2 =	simm.s32 $0x31E0;
	p1 =	por $0x1, $0x1;
	vm0 =	veq.f32 v10, v13  }
0x481: {  	v13 =	vmctz.xlane vm0;
	v10 =	vnsel vm1, $0x7F800000, v9;
	v9 =	vld [tilespmem:s2+$0x0];
	s2 =	simm.s32 @!p1 $0x0  }
0x482: {  	(xrf0) =	vmax.scan.msk.u32 $0xffff, v16;
	s2 =	simm.s32 @p1 $0x1  }
0x483: {  	s6 =	simm.s32 $0x7;
	(xrf0) =	vmin.scan.msk.f32 $0xffff, v10;
	v22, _, _ =	vpop (xrf0);
	v23 =	vxor.u32 $0x80000000, v13;
	[smem:$0x7F3] =	sst s2  }
0x484: {  	v13 =	vbroadcast v22, $0xF;
	_ =	sdelay $0x3  }
0x485: {  	(v2sf) =	vpush v12, $0xF;
	vm0 =	veq.f32 v17, v13;
	v13, _, _ =	vpop (xrf0)  }
0x486: {  	(v2sf) =	vpush v13, $0xF  }
0x487: {  	s5 =	simm.s32 $0x8;
	s20 =	spop (v2sf);
	s18 =	simm.s32 $0x60  }
0x488: {  	p0 =	sne.s32 s9, $0x8;
	s25 =	simm.s32 $0x31F0;
	p6 =	por $0x1, $0x1  }
.Ltmp82:
0x489: {  	s29 =	simm.s32 $0x0;
	s19 =	simm.s32 $0x0;
	(pc) =	sbr.rel @!p0 .LBB2_75-.Ltmp82, $4  }
0x48a: {  	(xrf0) =	vmax.scan.msk.u32 $0xffff, v23;
	s23 =	simm.s32 $0x0;
	s3 =	simm.s32 $0x1;
	s2 =	spop (v2sf);
	v15 =	vor.u32 s18, v0  }
0x48b: {  	s24 =	simm.s32 $0x2;
	s22 =	sxor.u32 $0x80000000, s2;
	vm1 =	vlt.s32 v15, v8;
	s2 =	simm.s32 @!p6 $0x0;
	v15 =	vmctz.xlane vm0  }
0x48c: {  	s8 =	simm.s32 $0x3;
	s21 =	simm.s32 $0x4;
	s2 =	simm.s32 @p6 $0x1;
	v24 =	vnsel vm1, $0x7F800000, v9  }
0x48d: {  	v21 =	vmov v18;
	v19 =	vmov v22;
	p1 =	slt.f32 s20, s17;
	v9 =	vld [tilespmem:s25+$0x0];
	[smem:$0x7F2] =	sst s2;
	s2 =	simm.f32 $+Inf;
	(xrf0) =	vmin.scan.msk.f32 $0xffff, v24;
	v13, _, _ =	vpop (xrf0);
	v15 =	vxor.u32 $0x80000000, v15  }
.LBB2_76:
0x48e: {  	s28 =	smov.u32 s10  }
0x48f: {  	v20 =	vbroadcast v13, $0xF;
	s10 =	smov.u32 s6;
	s6 =	smov.u32 s5;
	s5 =	sadd.s32 $0x1, s5  }
0x490: {  	(xrf0) =	vmax.scan.msk.u32 $0xffff, v15;
	(v2sf) =	vpush v21, $0xF;
	v15, _, _ =	vpop (xrf0);
	s2 =	smov.u32 @p1 s20;
	s29 =	smov.u32 @p1 s22;
	v21 =	vmov v19;
	v19 =	vmov v13;
	p0 =	sne.s32 s9, s5  }
.Ltmp83:
0x491: {  	s18 =	sadd.s32 $0x10, s18;
	s23 =	smov.u32 @p1 s19;
	(v2sf) =	vpush v15, $0xF;
	(pc) =	sbr.rel @p0 .LBB2_76-.Ltmp83, $4  }
0x492: {  	s19 =	smov.u32 s3;
	s3 =	smov.u32 s24;
	v13 =	vor.u32 s18, v0;
	vm0 =	veq.f32 v10, v20;
	v10 =	vmov v24  }
0x493: {  	s24 =	smov.u32 s8;
	s8 =	smov.u32 s21;
	vm1 =	vlt.s32 v13, v8;
	v15 =	vmctz.xlane vm0;
	s20 =	spop (v2sf)  }
0x494: {  	s25 =	sadd.s32 $0x10, s25;
	v24 =	vnsel vm1, $0x7F800000, v9;
	p1 =	slt.f32 s20, s2;
	s21 =	spop (v2sf)  }
0x495: {  	v9 =	vld [tilespmem:s25+$0x0];
	(xrf0) =	vmin.scan.msk.f32 $0xffff, v24;
	v13, _, _ =	vpop (xrf0);
	v15 =	vxor.u32 $0x80000000, v15;
	s22 =	sxor.u32 $0x80000000, s21;
	s21 =	smov.u32 s1;
	s1 =	smov.u32 s28  }
.Ltmp84:
0x496: {  	(pc) =	sbr.rel .LBB2_78-.Ltmp84, $2  }
0x497: {  	_ =	sdelay $0x2  }
0x498: {  	s5 =	smov.u32 s10;
	v20 =	vmov v10;
	s10 =	smov.u32 s6;
	v10 =	vmov v24  }
.LBB2_63:
0x499: {  	p0 =	por $0x0, $0x0  }
0x49a: {  	s1 =	simm.s32 @!p0 $0x0  }
0x49b: {  	s1 =	simm.s32 @p0 $0x1;
	p0 =	por $0x0, $0x0  }
.Ltmp85:
0x49c: {  	[smem:$0x7F1] =	sst s1;
	s1 =	simm.s32 @!p0 $0x0;
	(pc) =	sbr.rel .LBB2_78-.Ltmp85, $4  }
0x49d: {  	s2 =	simm.f32 $+Inf;
	s1 =	simm.s32 @p0 $0x1;
	p0 =	por $0x0, $0x0  }
0x49e: {  	s29 =	smov.u32 s13;
	[smem:$0x7F2] =	sst s1;
	s1 =	simm.s32 @!p0 $0x0  }
0x49f: {  	s5 =	smov.u32 s13;
	s10 =	simm.s32 $0x1;
	s1 =	simm.s32 @p0 $0x1  }
0x4a0: {  	s18 =	smov.u32 s13;
	s23 =	smov.u32 s13;
	v10 =	vmov v20;
	[smem:$0x7F3] =	sst s1  }
.LBB2_65:
0x4a1: {  	p0 =	por $0x0, $0x0  }
0x4a2: {  	s1 =	simm.s32 @!p0 $0x0  }
0x4a3: {  	s1 =	simm.s32 @p0 $0x1;
	p0 =	por $0x0, $0x0  }
.Ltmp86:
0x4a4: {  	[smem:$0x7F1] =	sst s1;
	s1 =	simm.s32 @!p0 $0x0;
	(pc) =	sbr.rel .LBB2_78-.Ltmp86, $4  }
0x4a5: {  	s2 =	simm.f32 $+Inf;
	s1 =	simm.s32 @p0 $0x1;
	p0 =	por $0x0, $0x0  }
0x4a6: {  	s29 =	simm.s32 $0x0;
	[smem:$0x7F2] =	sst s1;
	s1 =	simm.s32 @!p0 $0x0  }
0x4a7: {  	s5 =	simm.s32 $0x1;
	s10 =	simm.s32 $0x2;
	s1 =	simm.s32 @p0 $0x1  }
0x4a8: {  	v13 =	vmov v11;
	s23 =	simm.s32 $0x0;
	[smem:$0x7F3] =	sst s1;
	s1 =	simm.s32 $0x0  }
.LBB2_67:
0x4a9: {  	p0 =	por $0x0, $0x0  }
0x4aa: {  	s1 =	simm.s32 @!p0 $0x0  }
0x4ab: {  	s2 =	simm.f32 $+Inf;
	s1 =	simm.s32 @p0 $0x1;
	p0 =	por $0x0, $0x0  }
.Ltmp87:
0x4ac: {  	[smem:$0x7F1] =	sst s1;
	s1 =	simm.s32 @!p0 $0x0;
	(pc) =	sbr.rel .LBB2_78-.Ltmp87, $4  }
0x4ad: {  	s29 =	simm.s32 $0x0;
	s1 =	simm.s32 @p0 $0x1;
	p0 =	por $0x0, $0x0  }
0x4ae: {  	s5 =	simm.s32 $0x2;
	[smem:$0x7F2] =	sst s1;
	s1 =	simm.s32 @!p0 $0x0  }
0x4af: {  	s10 =	simm.s32 $0x3;
	s23 =	simm.s32 $0x0;
	s1 =	simm.s32 @p0 $0x1  }
0x4b0: {  	v13 =	vmovc v14;
	v19 =	vmov v11;
	v20 =	vmov v10;
	v10 =	vmov v16;
	s21 =	simm.s32 $0x0;
	[smem:$0x7F3] =	sst s1;
	s1 =	simm.s32 $0x1  }
.LBB2_69:
0x4b1: {  	p0 =	por $0x0, $0x0  }
0x4b2: {  	s2 =	simm.f32 $+Inf;
	s1 =	simm.s32 @!p0 $0x0  }
0x4b3: {  	s29 =	simm.s32 $0x0;
	s1 =	simm.s32 @p0 $0x1;
	p0 =	por $0x0, $0x0  }
.Ltmp88:
0x4b4: {  	[smem:$0x7F1] =	sst s1;
	s1 =	simm.s32 @!p0 $0x0;
	(pc) =	sbr.rel .LBB2_78-.Ltmp88, $4  }
0x4b5: {  	s5 =	simm.s32 $0x3;
	s1 =	simm.s32 @p0 $0x1;
	p0 =	por $0x0, $0x0  }
0x4b6: {  	s10 =	simm.s32 $0x4;
	[smem:$0x7F2] =	sst s1;
	s1 =	simm.s32 @!p0 $0x0  }
0x4b7: {  	s23 =	simm.s32 $0x0;
	s8 =	simm.s32 $0x0;
	s1 =	simm.s32 @p0 $0x1  }
0x4b8: {  	v13 =	vmovc v12;
	v19 =	vmov v14;
	v21 =	vmov v11;
	v20 =	vmov v16;
	s21 =	simm.s32 $0x1;
	[smem:$0x7F3] =	sst s1;
	s1 =	simm.s32 $0x2  }
.LBB2_71:
.Ltmp89:
0x4b9: {  	p0 =	por $0x0, $0x0;
	(pc) =	sbr.rel .LBB2_78-.Ltmp89, $4  }
0x4ba: {  	s2 =	simm.f32 $+Inf;
	s5 =	simm.s32 $0x4;
	s10 =	simm.s32 $0x5  }
0x4bb: {  	s29 =	smov.u32 s13;
	s23 =	smov.u32 s13;
	s1 =	simm.s32 @!p0 $0x0  }
0x4bc: {  	v20 =	vmov v10;
	s24 =	smov.u32 s13;
	s8 =	simm.s32 $0x1;
	s1 =	simm.s32 @p0 $0x1  }
0x4bd: {  	v13 =	vmovc v18;
	v10 =	vmovc v17;
	v15 =	vmov v16;
	v21 =	vmov v14;
	v19 =	vmov v12;
	s21 =	simm.s32 $0x2;
	[smem:$0x7F3] =	sst s1;
	s1 =	simm.s32 $0x3  }
.LBB2_73:
.Ltmp90:
0x4be: {  	(pc) =	sbr.rel .LBB2_78-.Ltmp90, $4  }
0x4bf: {  	_ = 	snop  }
0x4c0: {  	s2 =	simm.f32 $+Inf;
	s5 =	simm.s32 $0x5;
	s24 =	simm.s32 $0x1  }
0x4c1: {  	s29 =	smov.u32 s13;
	s23 =	smov.u32 s13;
	s3 =	smov.u32 s13  }
0x4c2: {  	v13 =	vmovc v22;
	v15 =	vmovc v23;
	v21 =	vmov v12;
	v19 =	vmov v18;
	v20 =	vmov v17;
	s8 =	simm.s32 $0x2;
	s21 =	simm.s32 $0x3;
	s1 =	simm.s32 $0x4  }
.LBB2_75:
.Ltmp91:
0x4c3: {  	(pc) =	sbr.rel .LBB2_78-.Ltmp91, $4  }
0x4c4: {  	s2 =	simm.f32 $+Inf  }
0x4c5: {  	s5 =	simm.s32 $0x6;
	s10 =	simm.s32 $0x7;
	s3 =	simm.s32 $0x1  }
0x4c6: {  	s29 =	smov.u32 s13;
	s19 =	smov.u32 s13;
	s23 =	smov.u32 s13  }
0x4c7: {  	v20 =	vmovc v10;
	v21 =	vmov v18;
	v19 =	vmov v22;
	v10 =	vmov v24;
	s24 =	simm.s32 $0x2;
	s8 =	simm.s32 $0x3;
	s21 =	simm.s32 $0x4  }
.LBB2_108:
0x4c8: {  	_ =	sfence.sel $0x180000  }
0x4c9: {  	[bflag:$0x0] =	sbarrier.arrive $0xFFFF  }
0x4ca: {  	_ =	strace $0x90000047  }
0x4cb: {  	s0 =	stileid.u32;
	[bflag:$0x2] =	sbarrier.arrive $0xFFFF  }
0x4cc: {  	p0 =	sne.s32 s0, $0x0;
	s0 =	rddreg [dreg:$0x2]  }
0x4cd: {  	s0 =	sadd.s32 @!p0 $0x100000, s0  }
0x4ce: {  	[sflag:s0] =	ssyncadd.tile.s32 @!p0 $0x1;
	_ =	shalt  }
.Lfunc_end2:
_tile_overlayer_lowered:
.L_overlay_start_2:
0x4cf: {  	(tag) =	ssettag $0x2  }
0x4d0: {  	s0 =	rddreg [dreg:$0x0];
	s2 =	stileid.u32  }
0x4d1: {  	s1 =	rddreg [dreg:$0x1];
	p0 =	sne.s32 s2, $0x0  }
0x4d2: {  	s3 =	rddreg [dreg:$0x2];
	[bflag:$0x3] =	sbarrier.arrive $0xFFFF;
	s2 =	simm.s32 @!p0 $0x1C09  }
0x4d3: {  	[timem:s3], [sflag:s2] =	dma.local @!p0 [hbm:s0], s1  }
0x4d4: {  	s0 =	simm.s32 @!p0 $0x9  }
0x4d5: {  	_ =	swait.ge @!p0 [sflag:s0], s1  }
0x4d6: {  	s1 =	ssub.s32 @!p0 $0x0, s1;
	[sflag:s0] =	ssyncset.done @!p0 $0x0  }
0x4d7: {  	[sflag:s0] =	ssyncadd.s32 @!p0 s1  }
0x4d8: {  	[bflag:$0x3] =	sbarrier.arrive $0xFFFF  }
0x4d9: {  	_ =	shalt  }

</sc_bundles>
